<compile_context>
chip_gen: v7x
topology: tpu7x:2x2x1
jax: 0.10.2.dev20260603
libtpu: 0.0.44.dev20260713+nightly
codegen_flags: <defaults>
</compile_context>

<pallas_src>
import functools

import jax
import jax.numpy as jnp
from jax import lax
from jax.experimental import pallas as pl
from jax.experimental.pallas import tpu as pltpu
from jax.experimental.pallas import tpu_sc as plsc

N = 10000
E = 320000
D = 128
DH = D // 2
NP = 10240
NC = 2
NS = 16
NW = NC * NS
EW = E // NW
C = 125
CH = EW // C
RPS = NP // NS
NRING = 5

_MESH = plsc.VectorSubcoreMesh(core_axis_name="c", subcore_axis_name="s")


def _fill_f32(ref, rows, cols, value):
    groups = cols // 16
    vec = jnp.full((16,), value, jnp.float32)

    def body(k, _):
        r = k // groups
        j = k % groups
        ref[r, pl.ds(j * 16, 16)] = vec
        return 0

    lax.fori_loop(0, rows * groups, body, 0)


def _fill_f32_1d(ref, n, value):
    vec = jnp.full((16,), value, jnp.float32)

    def body(k, _):
        ref[pl.ds(k * 16, 16)] = vec
        return 0

    lax.fori_loop(0, n // 16, body, 0)


@functools.partial(
    pl.kernel,
    out_type=jax.ShapeDtypeStruct((NC, NP), jnp.float32),
    mesh=_MESH,
    scratch_types=[
        pltpu.VMEM((CH, C), jnp.int32),
        pltpu.VMEM((128,), jnp.float32),
        pltpu.VMEM((RPS,), jnp.float32),
        pltpu.VMEM_SHARED((NP,), jnp.float32),
    ],
    compiler_params=pltpu.CompilerParams(use_tc_tiling_on_sc=False),
)
def _deg_kernel(ei_hbm, out_hbm, idx_v, ones_v, z_v, cnt_sh):
    cid = lax.axis_index("c")
    sid = lax.axis_index("s")
    wid = sid * NC + cid

    _fill_f32_1d(ones_v, 128, 1.0)
    _fill_f32_1d(z_v, RPS, 0.0)

    pltpu.sync_copy(z_v, cnt_sh.at[pl.ds(sid * RPS, RPS)])
    pltpu.sync_copy(ei_hbm.at[1, wid], idx_v)
    plsc.subcore_barrier()

    def body(ci, _):
        pltpu.sync_copy(ones_v.at[pl.ds(0, C)], cnt_sh.at[idx_v.at[ci]],
                        add=True)
        return 0

    lax.fori_loop(0, CH, body, 0)
    plsc.subcore_barrier()
    pltpu.sync_copy(cnt_sh.at[pl.ds(sid * RPS, RPS)],
                    out_hbm.at[cid, pl.ds(sid * RPS, RPS)])


def _transform_body(cnt_ref, x_ref, w_ref, ga_ref, gb_ref):
    deg = cnt_ref[0, :] + cnt_ref[1, :] + 1.0
    dis = lax.rsqrt(deg)
    h = jnp.dot(x_ref[...], w_ref[...], preferred_element_type=jnp.float32)
    g = h * dis[:, None]
    ga_ref[...] = g[:, :DH]
    gb_ref[...] = g[:, DH:]


def _transform(counts, x, w):
    blk = NP // 8
    return pl.pallas_call(
        _transform_body,
        grid=(8,),
        in_specs=[
            pl.BlockSpec((NC, blk), lambda i: (0, i)),
            pl.BlockSpec((blk, D), lambda i: (i, 0)),
            pl.BlockSpec((D, D), lambda i: (0, 0)),
        ],
        out_specs=[
            pl.BlockSpec((blk, DH), lambda i: (i, 0)),
            pl.BlockSpec((blk, DH), lambda i: (i, 0)),
        ],
        out_shape=[
            jax.ShapeDtypeStruct((NP, DH), jnp.float32),
            jax.ShapeDtypeStruct((NP, DH), jnp.float32),
        ],
    )(counts, x, w)


@functools.partial(
    pl.kernel,
    out_type=jax.ShapeDtypeStruct((NC, NP, DH), jnp.float32),
    mesh=_MESH,
    scratch_types=[
        pltpu.VMEM((CH, C), jnp.int32),
        pltpu.VMEM((CH, C), jnp.int32),
        pltpu.VMEM((C, DH), jnp.float32),
        pltpu.VMEM((C, DH), jnp.float32),
        pltpu.VMEM((C, DH), jnp.float32),
        pltpu.VMEM((C, DH), jnp.float32),
        pltpu.VMEM((C, DH), jnp.float32),
        pltpu.VMEM_SHARED((NP, DH), jnp.float32),
        pltpu.SemaphoreType.DMA,
        pltpu.SemaphoreType.DMA,
        pltpu.SemaphoreType.DMA,
        pltpu.SemaphoreType.DMA,
        pltpu.SemaphoreType.DMA,
    ],
    compiler_params=pltpu.CompilerParams(use_tc_tiling_on_sc=False),
)
def _agg_kernel(ei_hbm, g_hbm, outv_hbm,
                src_v, dst_v, rows0, rows1, rows2, rows3, rows4, acc_sh,
                sem0, sem1, sem2, sem3, sem4):
    cid = lax.axis_index("c")
    sid = lax.axis_index("s")
    wid = sid * NC + cid
    rings = ((rows0, sem0), (rows1, sem1), (rows2, sem2), (rows3, sem3),
             (rows4, sem4))

    pltpu.sync_copy(ei_hbm.at[0, wid], src_v)
    pltpu.sync_copy(ei_hbm.at[1, wid], dst_v)

    @pl.when(cid == 0)
    def _():
        pltpu.sync_copy(g_hbm.at[pl.ds(sid * RPS, RPS)],
                        acc_sh.at[pl.ds(sid * RPS, RPS)])

    @pl.when(cid != 0)
    def _():
        _fill_f32(rows0, C, DH, 0.0)
        for i in range(RPS // C):
            pltpu.sync_copy(rows0, acc_sh.at[pl.ds(sid * RPS + i * C, C)])
        pltpu.sync_copy(
            rows0.at[pl.ds(0, RPS % C)],
            acc_sh.at[pl.ds(sid * RPS + (RPS // C) * C, RPS % C)])

    plsc.subcore_barrier()

    for s, (rows, sem) in enumerate(rings):
        pltpu.async_copy(g_hbm.at[src_v.at[s]], rows, sem)

    def step(c, rows, sem):
        pltpu.make_async_copy(g_hbm.at[src_v.at[c]], rows, sem).wait()
        pltpu.sync_copy(rows, acc_sh.at[dst_v.at[c]], add=True)

        @pl.when(c + NRING < CH)
        def _():
            pltpu.async_copy(g_hbm.at[src_v.at[c + NRING]], rows, sem)

    def body(i, _):
        for s, (rows, sem) in enumerate(rings):
            step(NRING * i + s, rows, sem)
        return 0

    lax.fori_loop(0, CH // NRING, body, 0)
    plsc.subcore_barrier()
    pltpu.sync_copy(acc_sh.at[pl.ds(sid * RPS, RPS)],
                    outv_hbm.at[cid, pl.ds(sid * RPS, RPS)])


def _final_body(cnt_ref, acca_ref, accb_ref, b_ref, o_ref):
    deg = cnt_ref[0, :] + cnt_ref[1, :] + 1.0
    dis = lax.rsqrt(deg)
    sa = acca_ref[0] + acca_ref[1]
    sb = accb_ref[0] + accb_ref[1]
    s = jnp.concatenate([sa, sb], axis=1)
    o_ref[...] = jnp.maximum(s * dis[:, None] + b_ref[...], 0.0)


def _finalize(counts, acca, accb, b2):
    blk = NP // 8
    return pl.pallas_call(
        _final_body,
        grid=(8,),
        in_specs=[
            pl.BlockSpec((NC, blk), lambda i: (0, i)),
            pl.BlockSpec((NC, blk, DH), lambda i: (0, i, 0)),
            pl.BlockSpec((NC, blk, DH), lambda i: (0, i, 0)),
            pl.BlockSpec((1, D), lambda i: (0, 0)),
        ],
        out_specs=pl.BlockSpec((blk, D), lambda i: (i, 0)),
        out_shape=jax.ShapeDtypeStruct((N, D), jnp.float32),
    )(counts, acca, accb, b2)


def kernel(x, edge_index, W, b):
    ei = edge_index.astype(jnp.int32).reshape(2, NW, CH, C)
    counts = _deg_kernel(ei)
    ga, gb = _transform(counts, x, W)
    acca = _agg_kernel(ei, ga)
    accb = _agg_kernel(ei, gb)
    return _finalize(counts, acca, accb, b.reshape(1, D))

# --- scband reference (transcript-rebuilt; emitter-appended) ---
"""Pipeline reference for scband-gcn-net-18537078849729 (READ-ONLY COPY).

The authoritative reference and input builder live on the scoring server;
editing this copy changes nothing except your own understanding.
"""

import jax, jax.numpy as jnp
import numpy as np

N = 10000
E = 320000
D_IN = 128
D_OUT = 128


def setup_inputs(seed: int = 0) -> dict:
    key = jax.random.key(seed)
    k1, k2, k3, k4 = jax.random.split(key, 4)
    x = jax.random.normal(k1, (N, D_IN), dtype=jnp.float32)
    edge_index = jax.random.randint(k2, (2, E), 0, N)
    W = jax.random.normal(k3, (D_IN, D_OUT), dtype=jnp.float32) * (1.0 / np.sqrt(D_IN))
    b = jax.random.normal(k4, (D_OUT,), dtype=jnp.float32) * 0.01
    return {"x": x, "edge_index": edge_index, "W": W, "b": b}


def reference(x, edge_index, W, b):
    # GCNConv (PyG semantics): add self-loops, symmetric normalization,
    # linear transform, scatter-add aggregation at dst, bias, then ReLU
    # (forward applies F.relu despite activate='leakyrelu').
    n = x.shape[0]
    h = x @ W
    src = edge_index[0]
    dst = edge_index[1]
    loop = jnp.arange(n, dtype=src.dtype)
    src = jnp.concatenate([src, loop])
    dst = jnp.concatenate([dst, loop])
    deg = jnp.zeros((n,), dtype=h.dtype).at[dst].add(1.0)
    deg_inv_sqrt = jnp.where(deg > 0, jax.lax.rsqrt(deg), 0.0)
    norm = deg_inv_sqrt[src] * deg_inv_sqrt[dst]
    msg = h[src] * norm[:, None]
    out = jnp.zeros_like(h).at[dst].add(msg)
    out = out + b
    return jax.nn.relu(out)

if __name__ == "__main__":
    import jax
    _d = setup_inputs()
    print(jax.jit(kernel)(*tuple(_d.values())))

</pallas_src>

<mosaic_0001>
#map = affine_map<(d0, d1) -> (0, 0, 0, 0)>
#map1 = affine_map<(d0, d1) -> (0, 0)>
#map2 = affine_map<(d0, d1) -> (0, 0, 0)>
module attributes {stable_mosaic.version = 14 : i64} {
  func.func @_agg_kernel(%arg0: i32, %arg1: i32, %arg2: memref<2x32x80x125xi32, #tpu.memory_space<hbm>>, %arg3: memref<10240x64xf32, #tpu.memory_space<hbm>>, %arg4: memref<2x10240x64xf32, #tpu.memory_space<hbm>>, %arg5: memref<80x125xi32, #tpu.memory_space<vmem>>, %arg6: memref<80x125xi32, #tpu.memory_space<vmem>>, %arg7: memref<125x64xf32, #tpu.memory_space<vmem>>, %arg8: memref<125x64xf32, #tpu.memory_space<vmem>>, %arg9: memref<125x64xf32, #tpu.memory_space<vmem>>, %arg10: memref<125x64xf32, #tpu.memory_space<vmem>>, %arg11: memref<125x64xf32, #tpu.memory_space<vmem>>, %arg12: memref<10240x64xf32, #tpu.memory_space<vmem_shared>>, %arg13: memref<!tpu.dma_semaphore, #tpu.memory_space<semaphore_mem>>, %arg14: memref<!tpu.dma_semaphore, #tpu.memory_space<semaphore_mem>>, %arg15: memref<!tpu.dma_semaphore, #tpu.memory_space<semaphore_mem>>, %arg16: memref<!tpu.dma_semaphore, #tpu.memory_space<semaphore_mem>>, %arg17: memref<!tpu.dma_semaphore, #tpu.memory_space<semaphore_mem>>) attributes {dimension_semantics = [#tpu.dimension_semantics<core_parallel>, #tpu.dimension_semantics<subcore_parallel>], iteration_bounds = array<i64: 2, 16>, scalar_prefetch = 0 : i64, scratch_operands = 13 : i64, tpu.core_type = #tpu.core_type<sc_vector_subcore>, window_params = [{transform_indices = #map}, {transform_indices = #map1}, {transform_indices = #map2}]} {
    %mul3A = arith.constant 2 : i32
    %mul3A_0 = arith.muli %arg1, %mul3A : i32
    %add3A = arith.addi %mul3A_0, %arg0 : i32
    %run_scoped3A = arith.constant 0 : i32
    "tpu.region"() ({
      %run_scoped3A_53 = tpu.sem_alloc : memref<!tpu.dma_semaphore, #tpu.memory_space<semaphore_mem>>
      %dma_start3A_54 = arith.constant 0 : i32
      %dma_start3A_55 = arith.constant 0 : i32
      %dma_start3A_56 = tpu.memref_slice %arg2[%run_scoped3A, %add3A, %dma_start3A_54, %dma_start3A_55] : memref<2x32x80x125xi32, #tpu.memory_space<hbm>> -> memref<1x1x80x125xi32, #tpu.memory_space<hbm>>
      %dma_start3A_57 = tpu.memref_squeeze %dma_start3A_56 : memref<1x1x80x125xi32, #tpu.memory_space<hbm>> -> memref<80x125xi32, #tpu.memory_space<hbm>>
      %dma_start3A_58 = arith.constant 0 : i32
      %dma_start3A_59 = arith.constant 0 : i32
      %dma_start3A_60 = tpu.memref_slice %arg2[%run_scoped3A, %add3A, %dma_start3A_58, %dma_start3A_59] : memref<2x32x80x125xi32, #tpu.memory_space<hbm>> -> memref<1x1x80x125xi32, #tpu.memory_space<hbm>>
      %dma_start3A_61 = tpu.memref_squeeze %dma_start3A_60 : memref<1x1x80x125xi32, #tpu.memory_space<hbm>> -> memref<80x125xi32, #tpu.memory_space<hbm>>
      tpu.enqueue_dma source(%dma_start3A_61 : memref<80x125xi32, #tpu.memory_space<hbm>>) target(%arg5 : memref<80x125xi32, #tpu.memory_space<vmem>>) target_semaphore(%run_scoped3A_53 : memref<!tpu.dma_semaphore, #tpu.memory_space<semaphore_mem>>)
      %dma_wait3A = arith.constant 0 : i32
      %dma_wait3A_62 = arith.constant 0 : i32
      %dma_wait3A_63 = tpu.memref_slice %arg2[%run_scoped3A, %add3A, %dma_wait3A, %dma_wait3A_62] : memref<2x32x80x125xi32, #tpu.memory_space<hbm>> -> memref<1x1x80x125xi32, #tpu.memory_space<hbm>>
      %dma_wait3A_64 = tpu.memref_squeeze %dma_wait3A_63 : memref<1x1x80x125xi32, #tpu.memory_space<hbm>> -> memref<80x125xi32, #tpu.memory_space<hbm>>
      %dma_wait3A_65 = arith.constant 0 : i32
      %dma_wait3A_66 = arith.constant 0 : i32
      %dma_wait3A_67 = tpu.memref_slice %arg2[%run_scoped3A, %add3A, %dma_wait3A_65, %dma_wait3A_66] : memref<2x32x80x125xi32, #tpu.memory_space<hbm>> -> memref<1x1x80x125xi32, #tpu.memory_space<hbm>>
      %dma_wait3A_68 = tpu.memref_squeeze %dma_wait3A_67 : memref<1x1x80x125xi32, #tpu.memory_space<hbm>> -> memref<80x125xi32, #tpu.memory_space<hbm>>
      tpu.wait_dma2 semaphore(%run_scoped3A_53 : memref<!tpu.dma_semaphore, #tpu.memory_space<semaphore_mem>>) src(%dma_wait3A_68 : memref<80x125xi32, #tpu.memory_space<hbm>>) dst(%arg5 : memref<80x125xi32, #tpu.memory_space<vmem>>)
      tpu.yield
    }) : () -> ()
    %run_scoped3A_1 = arith.constant 1 : i32
    "tpu.region"() ({
      %run_scoped3A_53 = tpu.sem_alloc : memref<!tpu.dma_semaphore, #tpu.memory_space<semaphore_mem>>
      %dma_start3A_54 = arith.constant 0 : i32
      %dma_start3A_55 = arith.constant 0 : i32
      %dma_start3A_56 = tpu.memref_slice %arg2[%run_scoped3A_1, %add3A, %dma_start3A_54, %dma_start3A_55] : memref<2x32x80x125xi32, #tpu.memory_space<hbm>> -> memref<1x1x80x125xi32, #tpu.memory_space<hbm>>
      %dma_start3A_57 = tpu.memref_squeeze %dma_start3A_56 : memref<1x1x80x125xi32, #tpu.memory_space<hbm>> -> memref<80x125xi32, #tpu.memory_space<hbm>>
      %dma_start3A_58 = arith.constant 0 : i32
      %dma_start3A_59 = arith.constant 0 : i32
      %dma_start3A_60 = tpu.memref_slice %arg2[%run_scoped3A_1, %add3A, %dma_start3A_58, %dma_start3A_59] : memref<2x32x80x125xi32, #tpu.memory_space<hbm>> -> memref<1x1x80x125xi32, #tpu.memory_space<hbm>>
      %dma_start3A_61 = tpu.memref_squeeze %dma_start3A_60 : memref<1x1x80x125xi32, #tpu.memory_space<hbm>> -> memref<80x125xi32, #tpu.memory_space<hbm>>
      tpu.enqueue_dma source(%dma_start3A_61 : memref<80x125xi32, #tpu.memory_space<hbm>>) target(%arg6 : memref<80x125xi32, #tpu.memory_space<vmem>>) target_semaphore(%run_scoped3A_53 : memref<!tpu.dma_semaphore, #tpu.memory_space<semaphore_mem>>)
      %dma_wait3A = arith.constant 0 : i32
      %dma_wait3A_62 = arith.constant 0 : i32
      %dma_wait3A_63 = tpu.memref_slice %arg2[%run_scoped3A_1, %add3A, %dma_wait3A, %dma_wait3A_62] : memref<2x32x80x125xi32, #tpu.memory_space<hbm>> -> memref<1x1x80x125xi32, #tpu.memory_space<hbm>>
      %dma_wait3A_64 = tpu.memref_squeeze %dma_wait3A_63 : memref<1x1x80x125xi32, #tpu.memory_space<hbm>> -> memref<80x125xi32, #tpu.memory_space<hbm>>
      %dma_wait3A_65 = arith.constant 0 : i32
      %dma_wait3A_66 = arith.constant 0 : i32
      %dma_wait3A_67 = tpu.memref_slice %arg2[%run_scoped3A_1, %add3A, %dma_wait3A_65, %dma_wait3A_66] : memref<2x32x80x125xi32, #tpu.memory_space<hbm>> -> memref<1x1x80x125xi32, #tpu.memory_space<hbm>>
      %dma_wait3A_68 = tpu.memref_squeeze %dma_wait3A_67 : memref<1x1x80x125xi32, #tpu.memory_space<hbm>> -> memref<80x125xi32, #tpu.memory_space<hbm>>
      tpu.wait_dma2 semaphore(%run_scoped3A_53 : memref<!tpu.dma_semaphore, #tpu.memory_space<semaphore_mem>>) src(%dma_wait3A_68 : memref<80x125xi32, #tpu.memory_space<hbm>>) dst(%arg6 : memref<80x125xi32, #tpu.memory_space<vmem>>)
      tpu.yield
    }) : () -> ()
    %eq3A = arith.constant 0 : i32
    %eq3A_2 = arith.cmpi eq, %arg0, %eq3A : i32
    %convert_element_type3A = arith.extui %eq3A_2 : i1 to i32
    %cond3A = arith.constant 0 : i32
    %cond3A_3 = arith.cmpi ne, %convert_element_type3A, %cond3A : i32
    scf.if %cond3A_3 {
      %mul3A_53 = arith.constant 640 : i32
      %mul3A_54 = arith.muli %arg1, %mul3A_53 : i32
      %mul3A_55 = arith.constant 640 : i32
      %mul3A_56 = arith.muli %arg1, %mul3A_55 : i32
      "tpu.region"() ({
        %run_scoped3A_57 = tpu.sem_alloc : memref<!tpu.dma_semaphore, #tpu.memory_space<semaphore_mem>>
        %dma_start3A_58 = arith.constant 0 : i32
        %dma_start3A_59 = tpu.memref_slice %arg12[%mul3A_56, %dma_start3A_58] : memref<10240x64xf32, #tpu.memory_space<vmem_shared>> -> memref<640x64xf32, #tpu.memory_space<vmem_shared>>
        %dma_start3A_60 = arith.constant 0 : i32
        %dma_start3A_61 = tpu.memref_slice %arg3[%mul3A_54, %dma_start3A_60] : memref<10240x64xf32, #tpu.memory_space<hbm>> -> memref<640x64xf32, #tpu.memory_space<hbm>>
        tpu.enqueue_dma source(%dma_start3A_61 : memref<640x64xf32, #tpu.memory_space<hbm>>) target(%dma_start3A_59 : memref<640x64xf32, #tpu.memory_space<vmem_shared>>) target_semaphore(%run_scoped3A_57 : memref<!tpu.dma_semaphore, #tpu.memory_space<semaphore_mem>>)
        %dma_wait3A = arith.constant 0 : i32
        %dma_wait3A_62 = tpu.memref_slice %arg12[%mul3A_56, %dma_wait3A] : memref<10240x64xf32, #tpu.memory_space<vmem_shared>> -> memref<640x64xf32, #tpu.memory_space<vmem_shared>>
        %dma_wait3A_63 = arith.constant 0 : i32
        %dma_wait3A_64 = tpu.memref_slice %arg3[%mul3A_54, %dma_wait3A_63] : memref<10240x64xf32, #tpu.memory_space<hbm>> -> memref<640x64xf32, #tpu.memory_space<hbm>>
        tpu.wait_dma2 semaphore(%run_scoped3A_57 : memref<!tpu.dma_semaphore, #tpu.memory_space<semaphore_mem>>) src(%dma_wait3A_64 : memref<640x64xf32, #tpu.memory_space<hbm>>) dst(%dma_wait3A_62 : memref<640x64xf32, #tpu.memory_space<vmem_shared>>)
        tpu.yield
      }) : () -> ()
    } else {
    }
    %ne3A = arith.constant 0 : i32
    %ne3A_4 = arith.cmpi ne, %arg0, %ne3A : i32
    %convert_element_type3A_5 = arith.extui %ne3A_4 : i1 to i32
    %cond3A_6 = arith.constant 0 : i32
    %cond3A_7 = arith.cmpi ne, %convert_element_type3A_5, %cond3A_6 : i32
    scf.if %cond3A_7 {
      %broadcast_in_dim3A = arith.constant 0.000000e+00 : f32
      %broadcast_in_dim3A_53 = vector.broadcast %broadcast_in_dim3A : f32 to vector<16xf32>
      %scan3A_54 = arith.constant 0 : i32
      %scan3A_55 = arith.constant 0 : i32
      %scan3A_56 = arith.constant 500 : i32
      %scan3A_57 = arith.addi %scan3A_55, %scan3A_56 : i32
      %scan3A_58 = arith.constant 1 : i32
      %scan3A_59 = scf.for %scan3A_85 = %scan3A_55 to %scan3A_57 step %scan3A_58 iter_args(%scan3A_86 = %scan3A_54) -> (i32)  : i32 {
        %jit3A = arith.constant 4 : i32
        %div3A = arith.divsi %scan3A_85, %jit3A : i32
        %sign3A = arith.constant 0 : i32
        %sign3A_87 = arith.cmpi sgt, %scan3A_85, %sign3A : i32
        %sign3A_88 = arith.extui %sign3A_87 : i1 to i32
        %sign3A_89 = arith.constant 0 : i32
        %sign3A_90 = arith.cmpi slt, %scan3A_85, %sign3A_89 : i32
        %sign3A_91 = arith.extui %sign3A_90 : i1 to i32
        %sign3A_92 = arith.subi %sign3A_88, %sign3A_91 : i32
        %sign3A_93 = arith.constant 0 : i32
        %sign3A_94 = arith.cmpi sgt, %jit3A, %sign3A_93 : i32
        %sign3A_95 = arith.extui %sign3A_94 : i1 to i32
        %sign3A_96 = arith.constant 0 : i32
        %sign3A_97 = arith.cmpi slt, %jit3A, %sign3A_96 : i32
        %sign3A_98 = arith.extui %sign3A_97 : i1 to i32
        %sign3A_99 = arith.subi %sign3A_95, %sign3A_98 : i32
        %ne3A_100 = arith.cmpi ne, %sign3A_92, %sign3A_99 : i32
        %rem3A = arith.remsi %scan3A_85, %jit3A : i32
        %ne3A_101 = arith.constant 0 : i32
        %ne3A_102 = arith.cmpi ne, %rem3A, %ne3A_101 : i32
        %and3A = arith.andi %ne3A_100, %ne3A_102 : i1
        %sub3A = arith.constant 1 : i32
        %sub3A_103 = arith.subi %div3A, %sub3A : i32
        %select_n3A = arith.select %and3A, %sub3A_103, %div3A : i32
        %jit3A_104 = arith.constant 4 : i32
        %eq3A_105 = arith.constant 0 : i32
        %eq3A_106 = arith.cmpi eq, %jit3A_104, %eq3A_105 : i32
        %jit3A_107 = arith.constant 1 : i32
        %select_n3A_108 = arith.select %eq3A_106, %jit3A_107, %jit3A_104 : i32
        %rem3A_109 = arith.remsi %scan3A_85, %select_n3A_108 : i32
        %ne3A_110 = arith.constant 0 : i32
        %ne3A_111 = arith.cmpi ne, %rem3A_109, %ne3A_110 : i32
        %lt3A = arith.constant 0 : i32
        %lt3A_112 = arith.cmpi slt, %rem3A_109, %lt3A : i32
        %lt3A_113 = arith.constant 0 : i32
        %lt3A_114 = arith.cmpi slt, %select_n3A_108, %lt3A_113 : i32
        %ne3A_115 = arith.xori %lt3A_112, %lt3A_114 : i1
        %and3A_116 = arith.andi %ne3A_115, %ne3A_111 : i1
        %add3A_117 = arith.addi %rem3A_109, %select_n3A_108 : i32
        %select_n3A_118 = arith.select %and3A_116, %add3A_117, %rem3A_109 : i32
        %mul3A_119 = arith.constant 16 : i32
        %mul3A_120 = arith.muli %select_n3A_118, %mul3A_119 : i32
        %swap3A = arith.index_cast %select_n3A : i32 to index
        %swap3A_121 = arith.index_cast %mul3A_120 : i32 to index
        %swap3A_122 = tpu.vector_load %arg7[%swap3A, %swap3A_121] {strides = array<i32>} : memref<125x64xf32, #tpu.memory_space<vmem>>, vector<1x16xf32>,
        %swap3A_123 = vector.shape_cast %swap3A_122 : vector<1x16xf32> to vector<16xf32>
        %swap3A_124 = vector.shape_cast %broadcast_in_dim3A_53 : vector<16xf32> to vector<1x16xf32>
        tpu.vector_store %arg7[%swap3A, %swap3A_121], %swap3A_124 {strides = array<i32>} : memref<125x64xf32, #tpu.memory_space<vmem>>, vector<1x16xf32>,
        %scan3A_125 = arith.constant 0 : i32
        scf.yield %scan3A_125 : i32
      }
      %scan3A_60 = arith.constant 500 : i32
      %mul3A_61 = arith.constant 640 : i32
      %mul3A_62 = arith.muli %arg1, %mul3A_61 : i32
      %add3A_63 = arith.constant 0 : i32
      %add3A_64 = arith.addi %mul3A_62, %add3A_63 : i32
      "tpu.region"() ({
        %run_scoped3A_85 = tpu.sem_alloc : memref<!tpu.dma_semaphore, #tpu.memory_space<semaphore_mem>>
        %dma_start3A_86 = arith.constant 0 : i32
        %dma_start3A_87 = tpu.memref_slice %arg12[%add3A_64, %dma_start3A_86] : memref<10240x64xf32, #tpu.memory_space<vmem_shared>> -> memref<125x64xf32, #tpu.memory_space<vmem_shared>>
        %dma_start3A_88 = arith.constant 0 : i32
        %dma_start3A_89 = tpu.memref_slice %arg12[%add3A_64, %dma_start3A_88] : memref<10240x64xf32, #tpu.memory_space<vmem_shared>> -> memref<125x64xf32, #tpu.memory_space<vmem_shared>>
        tpu.enqueue_dma source(%arg7 : memref<125x64xf32, #tpu.memory_space<vmem>>) target(%dma_start3A_89 : memref<125x64xf32, #tpu.memory_space<vmem_shared>>) target_semaphore(%run_scoped3A_85 : memref<!tpu.dma_semaphore, #tpu.memory_space<semaphore_mem>>)
        %dma_wait3A = arith.constant 0 : i32
        %dma_wait3A_90 = tpu.memref_slice %arg12[%add3A_64, %dma_wait3A] : memref<10240x64xf32, #tpu.memory_space<vmem_shared>> -> memref<125x64xf32, #tpu.memory_space<vmem_shared>>
        %dma_wait3A_91 = arith.constant 0 : i32
        %dma_wait3A_92 = tpu.memref_slice %arg12[%add3A_64, %dma_wait3A_91] : memref<10240x64xf32, #tpu.memory_space<vmem_shared>> -> memref<125x64xf32, #tpu.memory_space<vmem_shared>>
        tpu.wait_dma2 semaphore(%run_scoped3A_85 : memref<!tpu.dma_semaphore, #tpu.memory_space<semaphore_mem>>) src(%arg7 : memref<125x64xf32, #tpu.memory_space<vmem>>) dst(%dma_wait3A_92 : memref<125x64xf32, #tpu.memory_space<vmem_shared>>)
        tpu.yield
      }) : () -> ()
      %mul3A_65 = arith.constant 640 : i32
      %mul3A_66 = arith.muli %arg1, %mul3A_65 : i32
      %add3A_67 = arith.constant 125 : i32
      %add3A_68 = arith.addi %mul3A_66, %add3A_67 : i32
      "tpu.region"() ({
        %run_scoped3A_85 = tpu.sem_alloc : memref<!tpu.dma_semaphore, #tpu.memory_space<semaphore_mem>>
        %dma_start3A_86 = arith.constant 0 : i32
        %dma_start3A_87 = tpu.memref_slice %arg12[%add3A_68, %dma_start3A_86] : memref<10240x64xf32, #tpu.memory_space<vmem_shared>> -> memref<125x64xf32, #tpu.memory_space<vmem_shared>>
        %dma_start3A_88 = arith.constant 0 : i32
        %dma_start3A_89 = tpu.memref_slice %arg12[%add3A_68, %dma_start3A_88] : memref<10240x64xf32, #tpu.memory_space<vmem_shared>> -> memref<125x64xf32, #tpu.memory_space<vmem_shared>>
        tpu.enqueue_dma source(%arg7 : memref<125x64xf32, #tpu.memory_space<vmem>>) target(%dma_start3A_89 : memref<125x64xf32, #tpu.memory_space<vmem_shared>>) target_semaphore(%run_scoped3A_85 : memref<!tpu.dma_semaphore, #tpu.memory_space<semaphore_mem>>)
        %dma_wait3A = arith.constant 0 : i32
        %dma_wait3A_90 = tpu.memref_slice %arg12[%add3A_68, %dma_wait3A] : memref<10240x64xf32, #tpu.memory_space<vmem_shared>> -> memref<125x64xf32, #tpu.memory_space<vmem_shared>>
        %dma_wait3A_91 = arith.constant 0 : i32
        %dma_wait3A_92 = tpu.memref_slice %arg12[%add3A_68, %dma_wait3A_91] : memref<10240x64xf32, #tpu.memory_space<vmem_shared>> -> memref<125x64xf32, #tpu.memory_space<vmem_shared>>
        tpu.wait_dma2 semaphore(%run_scoped3A_85 : memref<!tpu.dma_semaphore, #tpu.memory_space<semaphore_mem>>) src(%arg7 : memref<125x64xf32, #tpu.memory_space<vmem>>) dst(%dma_wait3A_92 : memref<125x64xf32, #tpu.memory_space<vmem_shared>>)
        tpu.yield
      }) : () -> ()
      %mul3A_69 = arith.constant 640 : i32
      %mul3A_70 = arith.muli %arg1, %mul3A_69 : i32
      %add3A_71 = arith.constant 250 : i32
      %add3A_72 = arith.addi %mul3A_70, %add3A_71 : i32
      "tpu.region"() ({
        %run_scoped3A_85 = tpu.sem_alloc : memref<!tpu.dma_semaphore, #tpu.memory_space<semaphore_mem>>
        %dma_start3A_86 = arith.constant 0 : i32
        %dma_start3A_87 = tpu.memref_slice %arg12[%add3A_72, %dma_start3A_86] : memref<10240x64xf32, #tpu.memory_space<vmem_shared>> -> memref<125x64xf32, #tpu.memory_space<vmem_shared>>
        %dma_start3A_88 = arith.constant 0 : i32
        %dma_start3A_89 = tpu.memref_slice %arg12[%add3A_72, %dma_start3A_88] : memref<10240x64xf32, #tpu.memory_space<vmem_shared>> -> memref<125x64xf32, #tpu.memory_space<vmem_shared>>
        tpu.enqueue_dma source(%arg7 : memref<125x64xf32, #tpu.memory_space<vmem>>) target(%dma_start3A_89 : memref<125x64xf32, #tpu.memory_space<vmem_shared>>) target_semaphore(%run_scoped3A_85 : memref<!tpu.dma_semaphore, #tpu.memory_space<semaphore_mem>>)
        %dma_wait3A = arith.constant 0 : i32
        %dma_wait3A_90 = tpu.memref_slice %arg12[%add3A_72, %dma_wait3A] : memref<10240x64xf32, #tpu.memory_space<vmem_shared>> -> memref<125x64xf32, #tpu.memory_space<vmem_shared>>
        %dma_wait3A_91 = arith.constant 0 : i32
        %dma_wait3A_92 = tpu.memref_slice %arg12[%add3A_72, %dma_wait3A_91] : memref<10240x64xf32, #tpu.memory_space<vmem_shared>> -> memref<125x64xf32, #tpu.memory_space<vmem_shared>>
        tpu.wait_dma2 semaphore(%run_scoped3A_85 : memref<!tpu.dma_semaphore, #tpu.memory_space<semaphore_mem>>) src(%arg7 : memref<125x64xf32, #tpu.memory_space<vmem>>) dst(%dma_wait3A_92 : memref<125x64xf32, #tpu.memory_space<vmem_shared>>)
        tpu.yield
      }) : () -> ()
      %mul3A_73 = arith.constant 640 : i32
      %mul3A_74 = arith.muli %arg1, %mul3A_73 : i32
      %add3A_75 = arith.constant 375 : i32
      %add3A_76 = arith.addi %mul3A_74, %add3A_75 : i32
      "tpu.region"() ({
        %run_scoped3A_85 = tpu.sem_alloc : memref<!tpu.dma_semaphore, #tpu.memory_space<semaphore_mem>>
        %dma_start3A_86 = arith.constant 0 : i32
        %dma_start3A_87 = tpu.memref_slice %arg12[%add3A_76, %dma_start3A_86] : memref<10240x64xf32, #tpu.memory_space<vmem_shared>> -> memref<125x64xf32, #tpu.memory_space<vmem_shared>>
        %dma_start3A_88 = arith.constant 0 : i32
        %dma_start3A_89 = tpu.memref_slice %arg12[%add3A_76, %dma_start3A_88] : memref<10240x64xf32, #tpu.memory_space<vmem_shared>> -> memref<125x64xf32, #tpu.memory_space<vmem_shared>>
        tpu.enqueue_dma source(%arg7 : memref<125x64xf32, #tpu.memory_space<vmem>>) target(%dma_start3A_89 : memref<125x64xf32, #tpu.memory_space<vmem_shared>>) target_semaphore(%run_scoped3A_85 : memref<!tpu.dma_semaphore, #tpu.memory_space<semaphore_mem>>)
        %dma_wait3A = arith.constant 0 : i32
        %dma_wait3A_90 = tpu.memref_slice %arg12[%add3A_76, %dma_wait3A] : memref<10240x64xf32, #tpu.memory_space<vmem_shared>> -> memref<125x64xf32, #tpu.memory_space<vmem_shared>>
        %dma_wait3A_91 = arith.constant 0 : i32
        %dma_wait3A_92 = tpu.memref_slice %arg12[%add3A_76, %dma_wait3A_91] : memref<10240x64xf32, #tpu.memory_space<vmem_shared>> -> memref<125x64xf32, #tpu.memory_space<vmem_shared>>
        tpu.wait_dma2 semaphore(%run_scoped3A_85 : memref<!tpu.dma_semaphore, #tpu.memory_space<semaphore_mem>>) src(%arg7 : memref<125x64xf32, #tpu.memory_space<vmem>>) dst(%dma_wait3A_92 : memref<125x64xf32, #tpu.memory_space<vmem_shared>>)
        tpu.yield
      }) : () -> ()
      %mul3A_77 = arith.constant 640 : i32
      %mul3A_78 = arith.muli %arg1, %mul3A_77 : i32
      %add3A_79 = arith.constant 500 : i32
      %add3A_80 = arith.addi %mul3A_78, %add3A_79 : i32
      "tpu.region"() ({
        %run_scoped3A_85 = tpu.sem_alloc : memref<!tpu.dma_semaphore, #tpu.memory_space<semaphore_mem>>
        %dma_start3A_86 = arith.constant 0 : i32
        %dma_start3A_87 = tpu.memref_slice %arg12[%add3A_80, %dma_start3A_86] : memref<10240x64xf32, #tpu.memory_space<vmem_shared>> -> memref<125x64xf32, #tpu.memory_space<vmem_shared>>
        %dma_start3A_88 = arith.constant 0 : i32
        %dma_start3A_89 = tpu.memref_slice %arg12[%add3A_80, %dma_start3A_88] : memref<10240x64xf32, #tpu.memory_space<vmem_shared>> -> memref<125x64xf32, #tpu.memory_space<vmem_shared>>
        tpu.enqueue_dma source(%arg7 : memref<125x64xf32, #tpu.memory_space<vmem>>) target(%dma_start3A_89 : memref<125x64xf32, #tpu.memory_space<vmem_shared>>) target_semaphore(%run_scoped3A_85 : memref<!tpu.dma_semaphore, #tpu.memory_space<semaphore_mem>>)
        %dma_wait3A = arith.constant 0 : i32
        %dma_wait3A_90 = tpu.memref_slice %arg12[%add3A_80, %dma_wait3A] : memref<10240x64xf32, #tpu.memory_space<vmem_shared>> -> memref<125x64xf32, #tpu.memory_space<vmem_shared>>
        %dma_wait3A_91 = arith.constant 0 : i32
        %dma_wait3A_92 = tpu.memref_slice %arg12[%add3A_80, %dma_wait3A_91] : memref<10240x64xf32, #tpu.memory_space<vmem_shared>> -> memref<125x64xf32, #tpu.memory_space<vmem_shared>>
        tpu.wait_dma2 semaphore(%run_scoped3A_85 : memref<!tpu.dma_semaphore, #tpu.memory_space<semaphore_mem>>) src(%arg7 : memref<125x64xf32, #tpu.memory_space<vmem>>) dst(%dma_wait3A_92 : memref<125x64xf32, #tpu.memory_space<vmem_shared>>)
        tpu.yield
      }) : () -> ()
      %mul3A_81 = arith.constant 640 : i32
      %mul3A_82 = arith.muli %arg1, %mul3A_81 : i32
      %add3A_83 = arith.constant 625 : i32
      %add3A_84 = arith.addi %mul3A_82, %add3A_83 : i32
      "tpu.region"() ({
        %run_scoped3A_85 = tpu.sem_alloc : memref<!tpu.dma_semaphore, #tpu.memory_space<semaphore_mem>>
        %dma_start3A_86 = arith.constant 0 : i32
        %dma_start3A_87 = arith.constant 0 : i32
        %dma_start3A_88 = tpu.memref_slice %arg7[%dma_start3A_86, %dma_start3A_87] : memref<125x64xf32, #tpu.memory_space<vmem>> -> memref<15x64xf32, #tpu.memory_space<vmem>>
        %dma_start3A_89 = arith.constant 0 : i32
        %dma_start3A_90 = tpu.memref_slice %arg12[%add3A_84, %dma_start3A_89] : memref<10240x64xf32, #tpu.memory_space<vmem_shared>> -> memref<15x64xf32, #tpu.memory_space<vmem_shared>>
        %dma_start3A_91 = arith.constant 0 : i32
        %dma_start3A_92 = tpu.memref_slice %arg12[%add3A_84, %dma_start3A_91] : memref<10240x64xf32, #tpu.memory_space<vmem_shared>> -> memref<15x64xf32, #tpu.memory_space<vmem_shared>>
        %dma_start3A_93 = arith.constant 0 : i32
        %dma_start3A_94 = arith.constant 0 : i32
        %dma_start3A_95 = tpu.memref_slice %arg7[%dma_start3A_93, %dma_start3A_94] : memref<125x64xf32, #tpu.memory_space<vmem>> -> memref<15x64xf32, #tpu.memory_space<vmem>>
        tpu.enqueue_dma source(%dma_start3A_95 : memref<15x64xf32, #tpu.memory_space<vmem>>) target(%dma_start3A_92 : memref<15x64xf32, #tpu.memory_space<vmem_shared>>) target_semaphore(%run_scoped3A_85 : memref<!tpu.dma_semaphore, #tpu.memory_space<semaphore_mem>>)
        %dma_wait3A = arith.constant 0 : i32
        %dma_wait3A_96 = arith.constant 0 : i32
        %dma_wait3A_97 = tpu.memref_slice %arg7[%dma_wait3A, %dma_wait3A_96] : memref<125x64xf32, #tpu.memory_space<vmem>> -> memref<15x64xf32, #tpu.memory_space<vmem>>
        %dma_wait3A_98 = arith.constant 0 : i32
        %dma_wait3A_99 = tpu.memref_slice %arg12[%add3A_84, %dma_wait3A_98] : memref<10240x64xf32, #tpu.memory_space<vmem_shared>> -> memref<15x64xf32, #tpu.memory_space<vmem_shared>>
        %dma_wait3A_100 = arith.constant 0 : i32
        %dma_wait3A_101 = tpu.memref_slice %arg12[%add3A_84, %dma_wait3A_100] : memref<10240x64xf32, #tpu.memory_space<vmem_shared>> -> memref<15x64xf32, #tpu.memory_space<vmem_shared>>
        %dma_wait3A_102 = arith.constant 0 : i32
        %dma_wait3A_103 = arith.constant 0 : i32
        %dma_wait3A_104 = tpu.memref_slice %arg7[%dma_wait3A_102, %dma_wait3A_103] : memref<125x64xf32, #tpu.memory_space<vmem>> -> memref<15x64xf32, #tpu.memory_space<vmem>>
        tpu.wait_dma2 semaphore(%run_scoped3A_85 : memref<!tpu.dma_semaphore, #tpu.memory_space<semaphore_mem>>) src(%dma_wait3A_104 : memref<15x64xf32, #tpu.memory_space<vmem>>) dst(%dma_wait3A_101 : memref<15x64xf32, #tpu.memory_space<vmem_shared>>)
        tpu.yield
      }) : () -> ()
    } else {
    }
    %barrier3A = arith.constant 0 : index
    tpu.barrier barrier_id(%barrier3A)
    %dma_start3A = arith.constant 0 : i32
    %dma_start3A_8 = arith.constant 0 : i32
    %dma_start3A_9 = tpu.memref_slice %arg5[%dma_start3A, %dma_start3A_8] : memref<80x125xi32, #tpu.memory_space<vmem>> -> memref<1x125xi32, #tpu.memory_space<vmem>>
    %dma_start3A_10 = tpu.memref_squeeze %dma_start3A_9 : memref<1x125xi32, #tpu.memory_space<vmem>> -> memref<125xi32, #tpu.memory_space<vmem>>
    %dma_start3A_11 = arith.constant 0 : i32
    %dma_start3A_12 = arith.constant 0 : i32
    %dma_start3A_13 = tpu.memref_slice %arg3[%dma_start3A_11, %dma_start3A_12] : memref<10240x64xf32, #tpu.memory_space<hbm>> -> memref<10240x64xf32, #tpu.memory_space<hbm>>
    tpu.enqueue_indirect_dma source(%dma_start3A_13 : memref<10240x64xf32, #tpu.memory_space<hbm>>) target(%arg7 : memref<125x64xf32, #tpu.memory_space<vmem>>) offsets(%dma_start3A_10 : memref<125xi32, #tpu.memory_space<vmem>>) semaphore(%arg13 : memref<!tpu.dma_semaphore, #tpu.memory_space<semaphore_mem>>)
    %dma_start3A_14 = arith.constant 1 : i32
    %dma_start3A_15 = arith.constant 0 : i32
    %dma_start3A_16 = tpu.memref_slice %arg5[%dma_start3A_14, %dma_start3A_15] : memref<80x125xi32, #tpu.memory_space<vmem>> -> memref<1x125xi32, #tpu.memory_space<vmem>>
    %dma_start3A_17 = tpu.memref_squeeze %dma_start3A_16 : memref<1x125xi32, #tpu.memory_space<vmem>> -> memref<125xi32, #tpu.memory_space<vmem>>
    %dma_start3A_18 = arith.constant 0 : i32
    %dma_start3A_19 = arith.constant 0 : i32
    %dma_start3A_20 = tpu.memref_slice %arg3[%dma_start3A_18, %dma_start3A_19] : memref<10240x64xf32, #tpu.memory_space<hbm>> -> memref<10240x64xf32, #tpu.memory_space<hbm>>
    tpu.enqueue_indirect_dma source(%dma_start3A_20 : memref<10240x64xf32, #tpu.memory_space<hbm>>) target(%arg8 : memref<125x64xf32, #tpu.memory_space<vmem>>) offsets(%dma_start3A_17 : memref<125xi32, #tpu.memory_space<vmem>>) semaphore(%arg14 : memref<!tpu.dma_semaphore, #tpu.memory_space<semaphore_mem>>)
    %dma_start3A_21 = arith.constant 2 : i32
    %dma_start3A_22 = arith.constant 0 : i32
    %dma_start3A_23 = tpu.memref_slice %arg5[%dma_start3A_21, %dma_start3A_22] : memref<80x125xi32, #tpu.memory_space<vmem>> -> memref<1x125xi32, #tpu.memory_space<vmem>>
    %dma_start3A_24 = tpu.memref_squeeze %dma_start3A_23 : memref<1x125xi32, #tpu.memory_space<vmem>> -> memref<125xi32, #tpu.memory_space<vmem>>
    %dma_start3A_25 = arith.constant 0 : i32
    %dma_start3A_26 = arith.constant 0 : i32
    %dma_start3A_27 = tpu.memref_slice %arg3[%dma_start3A_25, %dma_start3A_26] : memref<10240x64xf32, #tpu.memory_space<hbm>> -> memref<10240x64xf32, #tpu.memory_space<hbm>>
    tpu.enqueue_indirect_dma source(%dma_start3A_27 : memref<10240x64xf32, #tpu.memory_space<hbm>>) target(%arg9 : memref<125x64xf32, #tpu.memory_space<vmem>>) offsets(%dma_start3A_24 : memref<125xi32, #tpu.memory_space<vmem>>) semaphore(%arg15 : memref<!tpu.dma_semaphore, #tpu.memory_space<semaphore_mem>>)
    %dma_start3A_28 = arith.constant 3 : i32
    %dma_start3A_29 = arith.constant 0 : i32
    %dma_start3A_30 = tpu.memref_slice %arg5[%dma_start3A_28, %dma_start3A_29] : memref<80x125xi32, #tpu.memory_space<vmem>> -> memref<1x125xi32, #tpu.memory_space<vmem>>
    %dma_start3A_31 = tpu.memref_squeeze %dma_start3A_30 : memref<1x125xi32, #tpu.memory_space<vmem>> -> memref<125xi32, #tpu.memory_space<vmem>>
    %dma_start3A_32 = arith.constant 0 : i32
    %dma_start3A_33 = arith.constant 0 : i32
    %dma_start3A_34 = tpu.memref_slice %arg3[%dma_start3A_32, %dma_start3A_33] : memref<10240x64xf32, #tpu.memory_space<hbm>> -> memref<10240x64xf32, #tpu.memory_space<hbm>>
    tpu.enqueue_indirect_dma source(%dma_start3A_34 : memref<10240x64xf32, #tpu.memory_space<hbm>>) target(%arg10 : memref<125x64xf32, #tpu.memory_space<vmem>>) offsets(%dma_start3A_31 : memref<125xi32, #tpu.memory_space<vmem>>) semaphore(%arg16 : memref<!tpu.dma_semaphore, #tpu.memory_space<semaphore_mem>>)
    %dma_start3A_35 = arith.constant 4 : i32
    %dma_start3A_36 = arith.constant 0 : i32
    %dma_start3A_37 = tpu.memref_slice %arg5[%dma_start3A_35, %dma_start3A_36] : memref<80x125xi32, #tpu.memory_space<vmem>> -> memref<1x125xi32, #tpu.memory_space<vmem>>
    %dma_start3A_38 = tpu.memref_squeeze %dma_start3A_37 : memref<1x125xi32, #tpu.memory_space<vmem>> -> memref<125xi32, #tpu.memory_space<vmem>>
    %dma_start3A_39 = arith.constant 0 : i32
    %dma_start3A_40 = arith.constant 0 : i32
    %dma_start3A_41 = tpu.memref_slice %arg3[%dma_start3A_39, %dma_start3A_40] : memref<10240x64xf32, #tpu.memory_space<hbm>> -> memref<10240x64xf32, #tpu.memory_space<hbm>>
    tpu.enqueue_indirect_dma source(%dma_start3A_41 : memref<10240x64xf32, #tpu.memory_space<hbm>>) target(%arg11 : memref<125x64xf32, #tpu.memory_space<vmem>>) offsets(%dma_start3A_38 : memref<125xi32, #tpu.memory_space<vmem>>) semaphore(%arg17 : memref<!tpu.dma_semaphore, #tpu.memory_space<semaphore_mem>>)
    %scan3A = arith.constant 0 : i32
    %scan3A_42 = arith.constant 0 : i32
    %scan3A_43 = arith.constant 16 : i32
    %scan3A_44 = arith.addi %scan3A_42, %scan3A_43 : i32
    %scan3A_45 = arith.constant 1 : i32
    %scan3A_46 = scf.for %scan3A_53 = %scan3A_42 to %scan3A_44 step %scan3A_45 iter_args(%scan3A_54 = %scan3A) -> (i32)  : i32 {
      %mul3A_55 = arith.constant 5 : i32
      %mul3A_56 = arith.muli %mul3A_55, %scan3A_53 : i32
      %add3A_57 = arith.constant 0 : i32
      %add3A_58 = arith.addi %mul3A_56, %add3A_57 : i32
      %dma_wait3A = arith.constant 0 : i32
      %dma_wait3A_59 = tpu.memref_slice %arg5[%add3A_58, %dma_wait3A] : memref<80x125xi32, #tpu.memory_space<vmem>> -> memref<1x125xi32, #tpu.memory_space<vmem>>
      %dma_wait3A_60 = tpu.memref_squeeze %dma_wait3A_59 : memref<1x125xi32, #tpu.memory_space<vmem>> -> memref<125xi32, #tpu.memory_space<vmem>>
      %dma_wait3A_61 = arith.constant 0 : i32
      %dma_wait3A_62 = arith.constant 0 : i32
      %dma_wait3A_63 = tpu.memref_slice %arg3[%dma_wait3A_61, %dma_wait3A_62] : memref<10240x64xf32, #tpu.memory_space<hbm>> -> memref<10240x64xf32, #tpu.memory_space<hbm>>
      tpu.wait_indirect_dma semaphore(%arg13 : memref<!tpu.dma_semaphore, #tpu.memory_space<semaphore_mem>>) src(%dma_wait3A_63 : memref<10240x64xf32, #tpu.memory_space<hbm>>) dst(%arg7 : memref<125x64xf32, #tpu.memory_space<vmem>>)
      "tpu.region"() ({
        %run_scoped3A_139 = tpu.sem_alloc : memref<!tpu.dma_semaphore, #tpu.memory_space<semaphore_mem>>
        %dma_start3A_140 = arith.constant 0 : i32
        %dma_start3A_141 = tpu.memref_slice %arg6[%add3A_58, %dma_start3A_140] : memref<80x125xi32, #tpu.memory_space<vmem>> -> memref<1x125xi32, #tpu.memory_space<vmem>>
        %dma_start3A_142 = tpu.memref_squeeze %dma_start3A_141 : memref<1x125xi32, #tpu.memory_space<vmem>> -> memref<125xi32, #tpu.memory_space<vmem>>
        %dma_start3A_143 = arith.constant 0 : i32
        %dma_start3A_144 = arith.constant 0 : i32
        %dma_start3A_145 = tpu.memref_slice %arg12[%dma_start3A_143, %dma_start3A_144] : memref<10240x64xf32, #tpu.memory_space<vmem_shared>> -> memref<10240x64xf32, #tpu.memory_space<vmem_shared>>
        tpu.enqueue_indirect_dma source(%arg7 : memref<125x64xf32, #tpu.memory_space<vmem>>) target(%dma_start3A_145 : memref<10240x64xf32, #tpu.memory_space<vmem_shared>>) offsets(%dma_start3A_142 : memref<125xi32, #tpu.memory_space<vmem>>) semaphore(%run_scoped3A_139 : memref<!tpu.dma_semaphore, #tpu.memory_space<semaphore_mem>>) {add = true}
        %dma_wait3A_146 = arith.constant 0 : i32
        %dma_wait3A_147 = tpu.memref_slice %arg6[%add3A_58, %dma_wait3A_146] : memref<80x125xi32, #tpu.memory_space<vmem>> -> memref<1x125xi32, #tpu.memory_space<vmem>>
        %dma_wait3A_148 = tpu.memref_squeeze %dma_wait3A_147 : memref<1x125xi32, #tpu.memory_space<vmem>> -> memref<125xi32, #tpu.memory_space<vmem>>
        %dma_wait3A_149 = arith.constant 0 : i32
        %dma_wait3A_150 = arith.constant 0 : i32
        %dma_wait3A_151 = tpu.memref_slice %arg12[%dma_wait3A_149, %dma_wait3A_150] : memref<10240x64xf32, #tpu.memory_space<vmem_shared>> -> memref<10240x64xf32, #tpu.memory_space<vmem_shared>>
        tpu.wait_indirect_dma semaphore(%run_scoped3A_139 : memref<!tpu.dma_semaphore, #tpu.memory_space<semaphore_mem>>) src(%arg7 : memref<125x64xf32, #tpu.memory_space<vmem>>) dst(%dma_wait3A_151 : memref<10240x64xf32, #tpu.memory_space<vmem_shared>>)
        tpu.yield
      }) : () -> ()
      %add3A_64 = arith.constant 5 : i32
      %add3A_65 = arith.addi %add3A_58, %add3A_64 : i32
      %lt3A = arith.constant 80 : i32
      %lt3A_66 = arith.cmpi slt, %add3A_65, %lt3A : i32
      %convert_element_type3A_67 = arith.extui %lt3A_66 : i1 to i32
      %cond3A_68 = arith.constant 0 : i32
      %cond3A_69 = arith.cmpi ne, %convert_element_type3A_67, %cond3A_68 : i32
      scf.if %cond3A_69 {
        %add3A_139 = arith.constant 5 : i32
        %add3A_140 = arith.addi %add3A_58, %add3A_139 : i32
        %dma_start3A_141 = arith.constant 0 : i32
        %dma_start3A_142 = tpu.memref_slice %arg5[%add3A_140, %dma_start3A_141] : memref<80x125xi32, #tpu.memory_space<vmem>> -> memref<1x125xi32, #tpu.memory_space<vmem>>
        %dma_start3A_143 = tpu.memref_squeeze %dma_start3A_142 : memref<1x125xi32, #tpu.memory_space<vmem>> -> memref<125xi32, #tpu.memory_space<vmem>>
        %dma_start3A_144 = arith.constant 0 : i32
        %dma_start3A_145 = arith.constant 0 : i32
        %dma_start3A_146 = tpu.memref_slice %arg3[%dma_start3A_144, %dma_start3A_145] : memref<10240x64xf32, #tpu.memory_space<hbm>> -> memref<10240x64xf32, #tpu.memory_space<hbm>>
        tpu.enqueue_indirect_dma source(%dma_start3A_146 : memref<10240x64xf32, #tpu.memory_space<hbm>>) target(%arg7 : memref<125x64xf32, #tpu.memory_space<vmem>>) offsets(%dma_start3A_143 : memref<125xi32, #tpu.memory_space<vmem>>) semaphore(%arg13 : memref<!tpu.dma_semaphore, #tpu.memory_space<semaphore_mem>>)
      } else {
      }
      %mul3A_70 = arith.constant 5 : i32
      %mul3A_71 = arith.muli %mul3A_70, %scan3A_53 : i32
      %add3A_72 = arith.constant 1 : i32
      %add3A_73 = arith.addi %mul3A_71, %add3A_72 : i32
      %dma_wait3A_74 = arith.constant 0 : i32
      %dma_wait3A_75 = tpu.memref_slice %arg5[%add3A_73, %dma_wait3A_74] : memref<80x125xi32, #tpu.memory_space<vmem>> -> memref<1x125xi32, #tpu.memory_space<vmem>>
      %dma_wait3A_76 = tpu.memref_squeeze %dma_wait3A_75 : memref<1x125xi32, #tpu.memory_space<vmem>> -> memref<125xi32, #tpu.memory_space<vmem>>
      %dma_wait3A_77 = arith.constant 0 : i32
      %dma_wait3A_78 = arith.constant 0 : i32
      %dma_wait3A_79 = tpu.memref_slice %arg3[%dma_wait3A_77, %dma_wait3A_78] : memref<10240x64xf32, #tpu.memory_space<hbm>> -> memref<10240x64xf32, #tpu.memory_space<hbm>>
      tpu.wait_indirect_dma semaphore(%arg14 : memref<!tpu.dma_semaphore, #tpu.memory_space<semaphore_mem>>) src(%dma_wait3A_79 : memref<10240x64xf32, #tpu.memory_space<hbm>>) dst(%arg8 : memref<125x64xf32, #tpu.memory_space<vmem>>)
      "tpu.region"() ({
        %run_scoped3A_139 = tpu.sem_alloc : memref<!tpu.dma_semaphore, #tpu.memory_space<semaphore_mem>>
        %dma_start3A_140 = arith.constant 0 : i32
        %dma_start3A_141 = tpu.memref_slice %arg6[%add3A_73, %dma_start3A_140] : memref<80x125xi32, #tpu.memory_space<vmem>> -> memref<1x125xi32, #tpu.memory_space<vmem>>
        %dma_start3A_142 = tpu.memref_squeeze %dma_start3A_141 : memref<1x125xi32, #tpu.memory_space<vmem>> -> memref<125xi32, #tpu.memory_space<vmem>>
        %dma_start3A_143 = arith.constant 0 : i32
        %dma_start3A_144 = arith.constant 0 : i32
        %dma_start3A_145 = tpu.memref_slice %arg12[%dma_start3A_143, %dma_start3A_144] : memref<10240x64xf32, #tpu.memory_space<vmem_shared>> -> memref<10240x64xf32, #tpu.memory_space<vmem_shared>>
        tpu.enqueue_indirect_dma source(%arg8 : memref<125x64xf32, #tpu.memory_space<vmem>>) target(%dma_start3A_145 : memref<10240x64xf32, #tpu.memory_space<vmem_shared>>) offsets(%dma_start3A_142 : memref<125xi32, #tpu.memory_space<vmem>>) semaphore(%run_scoped3A_139 : memref<!tpu.dma_semaphore, #tpu.memory_space<semaphore_mem>>) {add = true}
        %dma_wait3A_146 = arith.constant 0 : i32
        %dma_wait3A_147 = tpu.memref_slice %arg6[%add3A_73, %dma_wait3A_146] : memref<80x125xi32, #tpu.memory_space<vmem>> -> memref<1x125xi32, #tpu.memory_space<vmem>>
        %dma_wait3A_148 = tpu.memref_squeeze %dma_wait3A_147 : memref<1x125xi32, #tpu.memory_space<vmem>> -> memref<125xi32, #tpu.memory_space<vmem>>
        %dma_wait3A_149 = arith.constant 0 : i32
        %dma_wait3A_150 = arith.constant 0 : i32
        %dma_wait3A_151 = tpu.memref_slice %arg12[%dma_wait3A_149, %dma_wait3A_150] : memref<10240x64xf32, #tpu.memory_space<vmem_shared>> -> memref<10240x64xf32, #tpu.memory_space<vmem_shared>>
        tpu.wait_indirect_dma semaphore(%run_scoped3A_139 : memref<!tpu.dma_semaphore, #tpu.memory_space<semaphore_mem>>) src(%arg8 : memref<125x64xf32, #tpu.memory_space<vmem>>) dst(%dma_wait3A_151 : memref<10240x64xf32, #tpu.memory_space<vmem_shared>>)
        tpu.yield
      }) : () -> ()
      %add3A_80 = arith.constant 5 : i32
      %add3A_81 = arith.addi %add3A_73, %add3A_80 : i32
      %lt3A_82 = arith.constant 80 : i32
      %lt3A_83 = arith.cmpi slt, %add3A_81, %lt3A_82 : i32
      %convert_element_type3A_84 = arith.extui %lt3A_83 : i1 to i32
      %cond3A_85 = arith.constant 0 : i32
      %cond3A_86 = arith.cmpi ne, %convert_element_type3A_84, %cond3A_85 : i32
      scf.if %cond3A_86 {
        %add3A_139 = arith.constant 5 : i32
        %add3A_140 = arith.addi %add3A_73, %add3A_139 : i32
        %dma_start3A_141 = arith.constant 0 : i32
        %dma_start3A_142 = tpu.memref_slice %arg5[%add3A_140, %dma_start3A_141] : memref<80x125xi32, #tpu.memory_space<vmem>> -> memref<1x125xi32, #tpu.memory_space<vmem>>
        %dma_start3A_143 = tpu.memref_squeeze %dma_start3A_142 : memref<1x125xi32, #tpu.memory_space<vmem>> -> memref<125xi32, #tpu.memory_space<vmem>>
        %dma_start3A_144 = arith.constant 0 : i32
        %dma_start3A_145 = arith.constant 0 : i32
        %dma_start3A_146 = tpu.memref_slice %arg3[%dma_start3A_144, %dma_start3A_145] : memref<10240x64xf32, #tpu.memory_space<hbm>> -> memref<10240x64xf32, #tpu.memory_space<hbm>>
        tpu.enqueue_indirect_dma source(%dma_start3A_146 : memref<10240x64xf32, #tpu.memory_space<hbm>>) target(%arg8 : memref<125x64xf32, #tpu.memory_space<vmem>>) offsets(%dma_start3A_143 : memref<125xi32, #tpu.memory_space<vmem>>) semaphore(%arg14 : memref<!tpu.dma_semaphore, #tpu.memory_space<semaphore_mem>>)
      } else {
      }
      %mul3A_87 = arith.constant 5 : i32
      %mul3A_88 = arith.muli %mul3A_87, %scan3A_53 : i32
      %add3A_89 = arith.constant 2 : i32
      %add3A_90 = arith.addi %mul3A_88, %add3A_89 : i32
      %dma_wait3A_91 = arith.constant 0 : i32
      %dma_wait3A_92 = tpu.memref_slice %arg5[%add3A_90, %dma_wait3A_91] : memref<80x125xi32, #tpu.memory_space<vmem>> -> memref<1x125xi32, #tpu.memory_space<vmem>>
      %dma_wait3A_93 = tpu.memref_squeeze %dma_wait3A_92 : memref<1x125xi32, #tpu.memory_space<vmem>> -> memref<125xi32, #tpu.memory_space<vmem>>
      %dma_wait3A_94 = arith.constant 0 : i32
      %dma_wait3A_95 = arith.constant 0 : i32
      %dma_wait3A_96 = tpu.memref_slice %arg3[%dma_wait3A_94, %dma_wait3A_95] : memref<10240x64xf32, #tpu.memory_space<hbm>> -> memref<10240x64xf32, #tpu.memory_space<hbm>>
      tpu.wait_indirect_dma semaphore(%arg15 : memref<!tpu.dma_semaphore, #tpu.memory_space<semaphore_mem>>) src(%dma_wait3A_96 : memref<10240x64xf32, #tpu.memory_space<hbm>>) dst(%arg9 : memref<125x64xf32, #tpu.memory_space<vmem>>)
      "tpu.region"() ({
        %run_scoped3A_139 = tpu.sem_alloc : memref<!tpu.dma_semaphore, #tpu.memory_space<semaphore_mem>>
        %dma_start3A_140 = arith.constant 0 : i32
        %dma_start3A_141 = tpu.memref_slice %arg6[%add3A_90, %dma_start3A_140] : memref<80x125xi32, #tpu.memory_space<vmem>> -> memref<1x125xi32, #tpu.memory_space<vmem>>
        %dma_start3A_142 = tpu.memref_squeeze %dma_start3A_141 : memref<1x125xi32, #tpu.memory_space<vmem>> -> memref<125xi32, #tpu.memory_space<vmem>>
        %dma_start3A_143 = arith.constant 0 : i32
        %dma_start3A_144 = arith.constant 0 : i32
        %dma_start3A_145 = tpu.memref_slice %arg12[%dma_start3A_143, %dma_start3A_144] : memref<10240x64xf32, #tpu.memory_space<vmem_shared>> -> memref<10240x64xf32, #tpu.memory_space<vmem_shared>>
        tpu.enqueue_indirect_dma source(%arg9 : memref<125x64xf32, #tpu.memory_space<vmem>>) target(%dma_start3A_145 : memref<10240x64xf32, #tpu.memory_space<vmem_shared>>) offsets(%dma_start3A_142 : memref<125xi32, #tpu.memory_space<vmem>>) semaphore(%run_scoped3A_139 : memref<!tpu.dma_semaphore, #tpu.memory_space<semaphore_mem>>) {add = true}
        %dma_wait3A_146 = arith.constant 0 : i32
        %dma_wait3A_147 = tpu.memref_slice %arg6[%add3A_90, %dma_wait3A_146] : memref<80x125xi32, #tpu.memory_space<vmem>> -> memref<1x125xi32, #tpu.memory_space<vmem>>
        %dma_wait3A_148 = tpu.memref_squeeze %dma_wait3A_147 : memref<1x125xi32, #tpu.memory_space<vmem>> -> memref<125xi32, #tpu.memory_space<vmem>>
        %dma_wait3A_149 = arith.constant 0 : i32
        %dma_wait3A_150 = arith.constant 0 : i32
        %dma_wait3A_151 = tpu.memref_slice %arg12[%dma_wait3A_149, %dma_wait3A_150] : memref<10240x64xf32, #tpu.memory_space<vmem_shared>> -> memref<10240x64xf32, #tpu.memory_space<vmem_shared>>
        tpu.wait_indirect_dma semaphore(%run_scoped3A_139 : memref<!tpu.dma_semaphore, #tpu.memory_space<semaphore_mem>>) src(%arg9 : memref<125x64xf32, #tpu.memory_space<vmem>>) dst(%dma_wait3A_151 : memref<10240x64xf32, #tpu.memory_space<vmem_shared>>)
        tpu.yield
      }) : () -> ()
      %add3A_97 = arith.constant 5 : i32
      %add3A_98 = arith.addi %add3A_90, %add3A_97 : i32
      %lt3A_99 = arith.constant 80 : i32
      %lt3A_100 = arith.cmpi slt, %add3A_98, %lt3A_99 : i32
      %convert_element_type3A_101 = arith.extui %lt3A_100 : i1 to i32
      %cond3A_102 = arith.constant 0 : i32
      %cond3A_103 = arith.cmpi ne, %convert_element_type3A_101, %cond3A_102 : i32
      scf.if %cond3A_103 {
        %add3A_139 = arith.constant 5 : i32
        %add3A_140 = arith.addi %add3A_90, %add3A_139 : i32
        %dma_start3A_141 = arith.constant 0 : i32
        %dma_start3A_142 = tpu.memref_slice %arg5[%add3A_140, %dma_start3A_141] : memref<80x125xi32, #tpu.memory_space<vmem>> -> memref<1x125xi32, #tpu.memory_space<vmem>>
        %dma_start3A_143 = tpu.memref_squeeze %dma_start3A_142 : memref<1x125xi32, #tpu.memory_space<vmem>> -> memref<125xi32, #tpu.memory_space<vmem>>
        %dma_start3A_144 = arith.constant 0 : i32
        %dma_start3A_145 = arith.constant 0 : i32
        %dma_start3A_146 = tpu.memref_slice %arg3[%dma_start3A_144, %dma_start3A_145] : memref<10240x64xf32, #tpu.memory_space<hbm>> -> memref<10240x64xf32, #tpu.memory_space<hbm>>
        tpu.enqueue_indirect_dma source(%dma_start3A_146 : memref<10240x64xf32, #tpu.memory_space<hbm>>) target(%arg9 : memref<125x64xf32, #tpu.memory_space<vmem>>) offsets(%dma_start3A_143 : memref<125xi32, #tpu.memory_space<vmem>>) semaphore(%arg15 : memref<!tpu.dma_semaphore, #tpu.memory_space<semaphore_mem>>)
      } else {
      }
      %mul3A_104 = arith.constant 5 : i32
      %mul3A_105 = arith.muli %mul3A_104, %scan3A_53 : i32
      %add3A_106 = arith.constant 3 : i32
      %add3A_107 = arith.addi %mul3A_105, %add3A_106 : i32
      %dma_wait3A_108 = arith.constant 0 : i32
      %dma_wait3A_109 = tpu.memref_slice %arg5[%add3A_107, %dma_wait3A_108] : memref<80x125xi32, #tpu.memory_space<vmem>> -> memref<1x125xi32, #tpu.memory_space<vmem>>
      %dma_wait3A_110 = tpu.memref_squeeze %dma_wait3A_109 : memref<1x125xi32, #tpu.memory_space<vmem>> -> memref<125xi32, #tpu.memory_space<vmem>>
      %dma_wait3A_111 = arith.constant 0 : i32
      %dma_wait3A_112 = arith.constant 0 : i32
      %dma_wait3A_113 = tpu.memref_slice %arg3[%dma_wait3A_111, %dma_wait3A_112] : memref<10240x64xf32, #tpu.memory_space<hbm>> -> memref<10240x64xf32, #tpu.memory_space<hbm>>
      tpu.wait_indirect_dma semaphore(%arg16 : memref<!tpu.dma_semaphore, #tpu.memory_space<semaphore_mem>>) src(%dma_wait3A_113 : memref<10240x64xf32, #tpu.memory_space<hbm>>) dst(%arg10 : memref<125x64xf32, #tpu.memory_space<vmem>>)
      "tpu.region"() ({
        %run_scoped3A_139 = tpu.sem_alloc : memref<!tpu.dma_semaphore, #tpu.memory_space<semaphore_mem>>
        %dma_start3A_140 = arith.constant 0 : i32
        %dma_start3A_141 = tpu.memref_slice %arg6[%add3A_107, %dma_start3A_140] : memref<80x125xi32, #tpu.memory_space<vmem>> -> memref<1x125xi32, #tpu.memory_space<vmem>>
        %dma_start3A_142 = tpu.memref_squeeze %dma_start3A_141 : memref<1x125xi32, #tpu.memory_space<vmem>> -> memref<125xi32, #tpu.memory_space<vmem>>
        %dma_start3A_143 = arith.constant 0 : i32
        %dma_start3A_144 = arith.constant 0 : i32
        %dma_start3A_145 = tpu.memref_slice %arg12[%dma_start3A_143, %dma_start3A_144] : memref<10240x64xf32, #tpu.memory_space<vmem_shared>> -> memref<10240x64xf32, #tpu.memory_space<vmem_shared>>
        tpu.enqueue_indirect_dma source(%arg10 : memref<125x64xf32, #tpu.memory_space<vmem>>) target(%dma_start3A_145 : memref<10240x64xf32, #tpu.memory_space<vmem_shared>>) offsets(%dma_start3A_142 : memref<125xi32, #tpu.memory_space<vmem>>) semaphore(%run_scoped3A_139 : memref<!tpu.dma_semaphore, #tpu.memory_space<semaphore_mem>>) {add = true}
        %dma_wait3A_146 = arith.constant 0 : i32
        %dma_wait3A_147 = tpu.memref_slice %arg6[%add3A_107, %dma_wait3A_146] : memref<80x125xi32, #tpu.memory_space<vmem>> -> memref<1x125xi32, #tpu.memory_space<vmem>>
        %dma_wait3A_148 = tpu.memref_squeeze %dma_wait3A_147 : memref<1x125xi32, #tpu.memory_space<vmem>> -> memref<125xi32, #tpu.memory_space<vmem>>
        %dma_wait3A_149 = arith.constant 0 : i32
        %dma_wait3A_150 = arith.constant 0 : i32
        %dma_wait3A_151 = tpu.memref_slice %arg12[%dma_wait3A_149, %dma_wait3A_150] : memref<10240x64xf32, #tpu.memory_space<vmem_shared>> -> memref<10240x64xf32, #tpu.memory_space<vmem_shared>>
        tpu.wait_indirect_dma semaphore(%run_scoped3A_139 : memref<!tpu.dma_semaphore, #tpu.memory_space<semaphore_mem>>) src(%arg10 : memref<125x64xf32, #tpu.memory_space<vmem>>) dst(%dma_wait3A_151 : memref<10240x64xf32, #tpu.memory_space<vmem_shared>>)
        tpu.yield
      }) : () -> ()
      %add3A_114 = arith.constant 5 : i32
      %add3A_115 = arith.addi %add3A_107, %add3A_114 : i32
      %lt3A_116 = arith.constant 80 : i32
      %lt3A_117 = arith.cmpi slt, %add3A_115, %lt3A_116 : i32
      %convert_element_type3A_118 = arith.extui %lt3A_117 : i1 to i32
      %cond3A_119 = arith.constant 0 : i32
      %cond3A_120 = arith.cmpi ne, %convert_element_type3A_118, %cond3A_119 : i32
      scf.if %cond3A_120 {
        %add3A_139 = arith.constant 5 : i32
        %add3A_140 = arith.addi %add3A_107, %add3A_139 : i32
        %dma_start3A_141 = arith.constant 0 : i32
        %dma_start3A_142 = tpu.memref_slice %arg5[%add3A_140, %dma_start3A_141] : memref<80x125xi32, #tpu.memory_space<vmem>> -> memref<1x125xi32, #tpu.memory_space<vmem>>
        %dma_start3A_143 = tpu.memref_squeeze %dma_start3A_142 : memref<1x125xi32, #tpu.memory_space<vmem>> -> memref<125xi32, #tpu.memory_space<vmem>>
        %dma_start3A_144 = arith.constant 0 : i32
        %dma_start3A_145 = arith.constant 0 : i32
        %dma_start3A_146 = tpu.memref_slice %arg3[%dma_start3A_144, %dma_start3A_145] : memref<10240x64xf32, #tpu.memory_space<hbm>> -> memref<10240x64xf32, #tpu.memory_space<hbm>>
        tpu.enqueue_indirect_dma source(%dma_start3A_146 : memref<10240x64xf32, #tpu.memory_space<hbm>>) target(%arg10 : memref<125x64xf32, #tpu.memory_space<vmem>>) offsets(%dma_start3A_143 : memref<125xi32, #tpu.memory_space<vmem>>) semaphore(%arg16 : memref<!tpu.dma_semaphore, #tpu.memory_space<semaphore_mem>>)
      } else {
      }
      %mul3A_121 = arith.constant 5 : i32
      %mul3A_122 = arith.muli %mul3A_121, %scan3A_53 : i32
      %add3A_123 = arith.constant 4 : i32
      %add3A_124 = arith.addi %mul3A_122, %add3A_123 : i32
      %dma_wait3A_125 = arith.constant 0 : i32
      %dma_wait3A_126 = tpu.memref_slice %arg5[%add3A_124, %dma_wait3A_125] : memref<80x125xi32, #tpu.memory_space<vmem>> -> memref<1x125xi32, #tpu.memory_space<vmem>>
      %dma_wait3A_127 = tpu.memref_squeeze %dma_wait3A_126 : memref<1x125xi32, #tpu.memory_space<vmem>> -> memref<125xi32, #tpu.memory_space<vmem>>
      %dma_wait3A_128 = arith.constant 0 : i32
      %dma_wait3A_129 = arith.constant 0 : i32
      %dma_wait3A_130 = tpu.memref_slice %arg3[%dma_wait3A_128, %dma_wait3A_129] : memref<10240x64xf32, #tpu.memory_space<hbm>> -> memref<10240x64xf32, #tpu.memory_space<hbm>>
      tpu.wait_indirect_dma semaphore(%arg17 : memref<!tpu.dma_semaphore, #tpu.memory_space<semaphore_mem>>) src(%dma_wait3A_130 : memref<10240x64xf32, #tpu.memory_space<hbm>>) dst(%arg11 : memref<125x64xf32, #tpu.memory_space<vmem>>)
      "tpu.region"() ({
        %run_scoped3A_139 = tpu.sem_alloc : memref<!tpu.dma_semaphore, #tpu.memory_space<semaphore_mem>>
        %dma_start3A_140 = arith.constant 0 : i32
        %dma_start3A_141 = tpu.memref_slice %arg6[%add3A_124, %dma_start3A_140] : memref<80x125xi32, #tpu.memory_space<vmem>> -> memref<1x125xi32, #tpu.memory_space<vmem>>
        %dma_start3A_142 = tpu.memref_squeeze %dma_start3A_141 : memref<1x125xi32, #tpu.memory_space<vmem>> -> memref<125xi32, #tpu.memory_space<vmem>>
        %dma_start3A_143 = arith.constant 0 : i32
        %dma_start3A_144 = arith.constant 0 : i32
        %dma_start3A_145 = tpu.memref_slice %arg12[%dma_start3A_143, %dma_start3A_144] : memref<10240x64xf32, #tpu.memory_space<vmem_shared>> -> memref<10240x64xf32, #tpu.memory_space<vmem_shared>>
        tpu.enqueue_indirect_dma source(%arg11 : memref<125x64xf32, #tpu.memory_space<vmem>>) target(%dma_start3A_145 : memref<10240x64xf32, #tpu.memory_space<vmem_shared>>) offsets(%dma_start3A_142 : memref<125xi32, #tpu.memory_space<vmem>>) semaphore(%run_scoped3A_139 : memref<!tpu.dma_semaphore, #tpu.memory_space<semaphore_mem>>) {add = true}
        %dma_wait3A_146 = arith.constant 0 : i32
        %dma_wait3A_147 = tpu.memref_slice %arg6[%add3A_124, %dma_wait3A_146] : memref<80x125xi32, #tpu.memory_space<vmem>> -> memref<1x125xi32, #tpu.memory_space<vmem>>
        %dma_wait3A_148 = tpu.memref_squeeze %dma_wait3A_147 : memref<1x125xi32, #tpu.memory_space<vmem>> -> memref<125xi32, #tpu.memory_space<vmem>>
        %dma_wait3A_149 = arith.constant 0 : i32
        %dma_wait3A_150 = arith.constant 0 : i32
        %dma_wait3A_151 = tpu.memref_slice %arg12[%dma_wait3A_149, %dma_wait3A_150] : memref<10240x64xf32, #tpu.memory_space<vmem_shared>> -> memref<10240x64xf32, #tpu.memory_space<vmem_shared>>
        tpu.wait_indirect_dma semaphore(%run_scoped3A_139 : memref<!tpu.dma_semaphore, #tpu.memory_space<semaphore_mem>>) src(%arg11 : memref<125x64xf32, #tpu.memory_space<vmem>>) dst(%dma_wait3A_151 : memref<10240x64xf32, #tpu.memory_space<vmem_shared>>)
        tpu.yield
      }) : () -> ()
      %add3A_131 = arith.constant 5 : i32
      %add3A_132 = arith.addi %add3A_124, %add3A_131 : i32
      %lt3A_133 = arith.constant 80 : i32
      %lt3A_134 = arith.cmpi slt, %add3A_132, %lt3A_133 : i32
      %convert_element_type3A_135 = arith.extui %lt3A_134 : i1 to i32
      %cond3A_136 = arith.constant 0 : i32
      %cond3A_137 = arith.cmpi ne, %convert_element_type3A_135, %cond3A_136 : i32
      scf.if %cond3A_137 {
        %add3A_139 = arith.constant 5 : i32
        %add3A_140 = arith.addi %add3A_124, %add3A_139 : i32
        %dma_start3A_141 = arith.constant 0 : i32
        %dma_start3A_142 = tpu.memref_slice %arg5[%add3A_140, %dma_start3A_141] : memref<80x125xi32, #tpu.memory_space<vmem>> -> memref<1x125xi32, #tpu.memory_space<vmem>>
        %dma_start3A_143 = tpu.memref_squeeze %dma_start3A_142 : memref<1x125xi32, #tpu.memory_space<vmem>> -> memref<125xi32, #tpu.memory_space<vmem>>
        %dma_start3A_144 = arith.constant 0 : i32
        %dma_start3A_145 = arith.constant 0 : i32
        %dma_start3A_146 = tpu.memref_slice %arg3[%dma_start3A_144, %dma_start3A_145] : memref<10240x64xf32, #tpu.memory_space<hbm>> -> memref<10240x64xf32, #tpu.memory_space<hbm>>
        tpu.enqueue_indirect_dma source(%dma_start3A_146 : memref<10240x64xf32, #tpu.memory_space<hbm>>) target(%arg11 : memref<125x64xf32, #tpu.memory_space<vmem>>) offsets(%dma_start3A_143 : memref<125xi32, #tpu.memory_space<vmem>>) semaphore(%arg17 : memref<!tpu.dma_semaphore, #tpu.memory_space<semaphore_mem>>)
      } else {
      }
      %scan3A_138 = arith.constant 0 : i32
      scf.yield %scan3A_138 : i32
    }
    %scan3A_47 = arith.constant 16 : i32
    %barrier3A_48 = arith.constant 0 : index
    tpu.barrier barrier_id(%barrier3A_48)
    %mul3A_49 = arith.constant 640 : i32
    %mul3A_50 = arith.muli %arg1, %mul3A_49 : i32
    %mul3A_51 = arith.constant 640 : i32
    %mul3A_52 = arith.muli %arg1, %mul3A_51 : i32
    "tpu.region"() ({
      %run_scoped3A_53 = tpu.sem_alloc : memref<!tpu.dma_semaphore, #tpu.memory_space<semaphore_mem>>
      %dma_start3A_54 = arith.constant 0 : i32
      %dma_start3A_55 = tpu.memref_slice %arg4[%arg0, %mul3A_52, %dma_start3A_54] : memref<2x10240x64xf32, #tpu.memory_space<hbm>> -> memref<1x640x64xf32, #tpu.memory_space<hbm>>
      %dma_start3A_56 = tpu.memref_squeeze %dma_start3A_55 : memref<1x640x64xf32, #tpu.memory_space<hbm>> -> memref<640x64xf32, #tpu.memory_space<hbm>>
      %dma_start3A_57 = arith.constant 0 : i32
      %dma_start3A_58 = tpu.memref_slice %arg12[%mul3A_50, %dma_start3A_57] : memref<10240x64xf32, #tpu.memory_space<vmem_shared>> -> memref<640x64xf32, #tpu.memory_space<vmem_shared>>
      tpu.enqueue_dma source(%dma_start3A_58 : memref<640x64xf32, #tpu.memory_space<vmem_shared>>) target(%dma_start3A_56 : memref<640x64xf32, #tpu.memory_space<hbm>>) target_semaphore(%run_scoped3A_53 : memref<!tpu.dma_semaphore, #tpu.memory_space<semaphore_mem>>)
      %dma_wait3A = arith.constant 0 : i32
      %dma_wait3A_59 = tpu.memref_slice %arg4[%arg0, %mul3A_52, %dma_wait3A] : memref<2x10240x64xf32, #tpu.memory_space<hbm>> -> memref<1x640x64xf32, #tpu.memory_space<hbm>>
      %dma_wait3A_60 = tpu.memref_squeeze %dma_wait3A_59 : memref<1x640x64xf32, #tpu.memory_space<hbm>> -> memref<640x64xf32, #tpu.memory_space<hbm>>
      %dma_wait3A_61 = arith.constant 0 : i32
      %dma_wait3A_62 = tpu.memref_slice %arg12[%mul3A_50, %dma_wait3A_61] : memref<10240x64xf32, #tpu.memory_space<vmem_shared>> -> memref<640x64xf32, #tpu.memory_space<vmem_shared>>
      tpu.wait_dma2 semaphore(%run_scoped3A_53 : memref<!tpu.dma_semaphore, #tpu.memory_space<semaphore_mem>>) src(%dma_wait3A_62 : memref<640x64xf32, #tpu.memory_space<vmem_shared>>) dst(%dma_wait3A_60 : memref<640x64xf32, #tpu.memory_space<hbm>>)
      tpu.yield
    }) : () -> ()
    return
  }
}

#map = affine_map<(d0, d1) -> (0, 0, 0, 0)>
#map1 = affine_map<(d0, d1) -> (0, 0)>
module attributes {stable_mosaic.version = 14 : i64} {
  func.func @_deg_kernel(%arg0: i32, %arg1: i32, %arg2: memref<2x32x80x125xi32, #tpu.memory_space<hbm>>, %arg3: memref<2x10240xf32, #tpu.memory_space<hbm>>, %arg4: memref<80x125xi32, #tpu.memory_space<vmem>>, %arg5: memref<128xf32, #tpu.memory_space<vmem>>, %arg6: memref<640xf32, #tpu.memory_space<vmem>>, %arg7: memref<10240xf32, #tpu.memory_space<vmem_shared>>) attributes {dimension_semantics = [#tpu.dimension_semantics<core_parallel>, #tpu.dimension_semantics<subcore_parallel>], iteration_bounds = array<i64: 2, 16>, scalar_prefetch = 0 : i64, scratch_operands = 4 : i64, tpu.core_type = #tpu.core_type<sc_vector_subcore>, window_params = [{transform_indices = #map}, {transform_indices = #map1}]} {
    %mul3A = arith.constant 2 : i32
    %mul3A_0 = arith.muli %arg1, %mul3A : i32
    %add3A = arith.addi %mul3A_0, %arg0 : i32
    %broadcast_in_dim3A = arith.constant 1.000000e+00 : f32
    %broadcast_in_dim3A_1 = vector.broadcast %broadcast_in_dim3A : f32 to vector<16xf32>
    %scan3A = arith.constant 0 : i32
    %scan3A_2 = arith.constant 0 : i32
    %scan3A_3 = arith.constant 8 : i32
    %scan3A_4 = arith.addi %scan3A_2, %scan3A_3 : i32
    %scan3A_5 = arith.constant 1 : i32
    %scan3A_6 = scf.for %scan3A_31 = %scan3A_2 to %scan3A_4 step %scan3A_5 iter_args(%scan3A_32 = %scan3A) -> (i32)  : i32 {
      %mul3A_33 = arith.constant 16 : i32
      %mul3A_34 = arith.muli %scan3A_31, %mul3A_33 : i32
      %swap3A = arith.index_cast %mul3A_34 : i32 to index
      %swap3A_35 = tpu.vector_load %arg5[%swap3A] {strides = array<i32>} : memref<128xf32, #tpu.memory_space<vmem>>, vector<16xf32>,
      %swap3A_36 = vector.shape_cast %swap3A_35 : vector<16xf32> to vector<16xf32>
      %swap3A_37 = vector.shape_cast %broadcast_in_dim3A_1 : vector<16xf32> to vector<16xf32>
      tpu.vector_store %arg5[%swap3A], %swap3A_37 {strides = array<i32>} : memref<128xf32, #tpu.memory_space<vmem>>, vector<16xf32>,
      %scan3A_38 = arith.constant 0 : i32
      scf.yield %scan3A_38 : i32
    }
    %scan3A_7 = arith.constant 8 : i32
    %broadcast_in_dim3A_8 = arith.constant 0.000000e+00 : f32
    %broadcast_in_dim3A_9 = vector.broadcast %broadcast_in_dim3A_8 : f32 to vector<16xf32>
    %scan3A_10 = arith.constant 0 : i32
    %scan3A_11 = arith.constant 0 : i32
    %scan3A_12 = arith.constant 40 : i32
    %scan3A_13 = arith.addi %scan3A_11, %scan3A_12 : i32
    %scan3A_14 = arith.constant 1 : i32
    %scan3A_15 = scf.for %scan3A_31 = %scan3A_11 to %scan3A_13 step %scan3A_14 iter_args(%scan3A_32 = %scan3A_10) -> (i32)  : i32 {
      %mul3A_33 = arith.constant 16 : i32
      %mul3A_34 = arith.muli %scan3A_31, %mul3A_33 : i32
      %swap3A = arith.index_cast %mul3A_34 : i32 to index
      %swap3A_35 = tpu.vector_load %arg6[%swap3A] {strides = array<i32>} : memref<640xf32, #tpu.memory_space<vmem>>, vector<16xf32>,
      %swap3A_36 = vector.shape_cast %swap3A_35 : vector<16xf32> to vector<16xf32>
      %swap3A_37 = vector.shape_cast %broadcast_in_dim3A_9 : vector<16xf32> to vector<16xf32>
      tpu.vector_store %arg6[%swap3A], %swap3A_37 {strides = array<i32>} : memref<640xf32, #tpu.memory_space<vmem>>, vector<16xf32>,
      %scan3A_38 = arith.constant 0 : i32
      scf.yield %scan3A_38 : i32
    }
    %scan3A_16 = arith.constant 40 : i32
    %mul3A_17 = arith.constant 640 : i32
    %mul3A_18 = arith.muli %arg1, %mul3A_17 : i32
    "tpu.region"() ({
      %run_scoped3A_31 = tpu.sem_alloc : memref<!tpu.dma_semaphore, #tpu.memory_space<semaphore_mem>>
      %dma_start3A = tpu.memref_slice %arg7[%mul3A_18] : memref<10240xf32, #tpu.memory_space<vmem_shared>> -> memref<640xf32, #tpu.memory_space<vmem_shared>>
      %dma_start3A_32 = tpu.memref_slice %arg7[%mul3A_18] : memref<10240xf32, #tpu.memory_space<vmem_shared>> -> memref<640xf32, #tpu.memory_space<vmem_shared>>
      tpu.enqueue_dma source(%arg6 : memref<640xf32, #tpu.memory_space<vmem>>) target(%dma_start3A_32 : memref<640xf32, #tpu.memory_space<vmem_shared>>) target_semaphore(%run_scoped3A_31 : memref<!tpu.dma_semaphore, #tpu.memory_space<semaphore_mem>>)
      %dma_wait3A = tpu.memref_slice %arg7[%mul3A_18] : memref<10240xf32, #tpu.memory_space<vmem_shared>> -> memref<640xf32, #tpu.memory_space<vmem_shared>>
      %dma_wait3A_33 = tpu.memref_slice %arg7[%mul3A_18] : memref<10240xf32, #tpu.memory_space<vmem_shared>> -> memref<640xf32, #tpu.memory_space<vmem_shared>>
      tpu.wait_dma2 semaphore(%run_scoped3A_31 : memref<!tpu.dma_semaphore, #tpu.memory_space<semaphore_mem>>) src(%arg6 : memref<640xf32, #tpu.memory_space<vmem>>) dst(%dma_wait3A_33 : memref<640xf32, #tpu.memory_space<vmem_shared>>)
      tpu.yield
    }) : () -> ()
    %run_scoped3A = arith.constant 1 : i32
    "tpu.region"() ({
      %run_scoped3A_31 = tpu.sem_alloc : memref<!tpu.dma_semaphore, #tpu.memory_space<semaphore_mem>>
      %dma_start3A = arith.constant 0 : i32
      %dma_start3A_32 = arith.constant 0 : i32
      %dma_start3A_33 = tpu.memref_slice %arg2[%run_scoped3A, %add3A, %dma_start3A, %dma_start3A_32] : memref<2x32x80x125xi32, #tpu.memory_space<hbm>> -> memref<1x1x80x125xi32, #tpu.memory_space<hbm>>
      %dma_start3A_34 = tpu.memref_squeeze %dma_start3A_33 : memref<1x1x80x125xi32, #tpu.memory_space<hbm>> -> memref<80x125xi32, #tpu.memory_space<hbm>>
      %dma_start3A_35 = arith.constant 0 : i32
      %dma_start3A_36 = arith.constant 0 : i32
      %dma_start3A_37 = tpu.memref_slice %arg2[%run_scoped3A, %add3A, %dma_start3A_35, %dma_start3A_36] : memref<2x32x80x125xi32, #tpu.memory_space<hbm>> -> memref<1x1x80x125xi32, #tpu.memory_space<hbm>>
      %dma_start3A_38 = tpu.memref_squeeze %dma_start3A_37 : memref<1x1x80x125xi32, #tpu.memory_space<hbm>> -> memref<80x125xi32, #tpu.memory_space<hbm>>
      tpu.enqueue_dma source(%dma_start3A_38 : memref<80x125xi32, #tpu.memory_space<hbm>>) target(%arg4 : memref<80x125xi32, #tpu.memory_space<vmem>>) target_semaphore(%run_scoped3A_31 : memref<!tpu.dma_semaphore, #tpu.memory_space<semaphore_mem>>)
      %dma_wait3A = arith.constant 0 : i32
      %dma_wait3A_39 = arith.constant 0 : i32
      %dma_wait3A_40 = tpu.memref_slice %arg2[%run_scoped3A, %add3A, %dma_wait3A, %dma_wait3A_39] : memref<2x32x80x125xi32, #tpu.memory_space<hbm>> -> memref<1x1x80x125xi32, #tpu.memory_space<hbm>>
      %dma_wait3A_41 = tpu.memref_squeeze %dma_wait3A_40 : memref<1x1x80x125xi32, #tpu.memory_space<hbm>> -> memref<80x125xi32, #tpu.memory_space<hbm>>
      %dma_wait3A_42 = arith.constant 0 : i32
      %dma_wait3A_43 = arith.constant 0 : i32
      %dma_wait3A_44 = tpu.memref_slice %arg2[%run_scoped3A, %add3A, %dma_wait3A_42, %dma_wait3A_43] : memref<2x32x80x125xi32, #tpu.memory_space<hbm>> -> memref<1x1x80x125xi32, #tpu.memory_space<hbm>>
      %dma_wait3A_45 = tpu.memref_squeeze %dma_wait3A_44 : memref<1x1x80x125xi32, #tpu.memory_space<hbm>> -> memref<80x125xi32, #tpu.memory_space<hbm>>
      tpu.wait_dma2 semaphore(%run_scoped3A_31 : memref<!tpu.dma_semaphore, #tpu.memory_space<semaphore_mem>>) src(%dma_wait3A_45 : memref<80x125xi32, #tpu.memory_space<hbm>>) dst(%arg4 : memref<80x125xi32, #tpu.memory_space<vmem>>)
      tpu.yield
    }) : () -> ()
    %barrier3A = arith.constant 0 : index
    tpu.barrier barrier_id(%barrier3A)
    %scan3A_19 = arith.constant 0 : i32
    %scan3A_20 = arith.constant 0 : i32
    %scan3A_21 = arith.constant 80 : i32
    %scan3A_22 = arith.addi %scan3A_20, %scan3A_21 : i32
    %scan3A_23 = arith.constant 1 : i32
    %scan3A_24 = scf.for %scan3A_31 = %scan3A_20 to %scan3A_22 step %scan3A_23 iter_args(%scan3A_32 = %scan3A_19) -> (i32)  : i32 {
      "tpu.region"() ({
        %run_scoped3A_34 = tpu.sem_alloc : memref<!tpu.dma_semaphore, #tpu.memory_space<semaphore_mem>>
        %dma_start3A = arith.constant 0 : i32
        %dma_start3A_35 = tpu.memref_slice %arg5[%dma_start3A] : memref<128xf32, #tpu.memory_space<vmem>> -> memref<125xf32, #tpu.memory_space<vmem>>
        %dma_start3A_36 = arith.constant 0 : i32
        %dma_start3A_37 = tpu.memref_slice %arg4[%scan3A_31, %dma_start3A_36] : memref<80x125xi32, #tpu.memory_space<vmem>> -> memref<1x125xi32, #tpu.memory_space<vmem>>
        %dma_start3A_38 = tpu.memref_squeeze %dma_start3A_37 : memref<1x125xi32, #tpu.memory_space<vmem>> -> memref<125xi32, #tpu.memory_space<vmem>>
        %dma_start3A_39 = arith.constant 0 : i32
        %dma_start3A_40 = tpu.memref_slice %arg7[%dma_start3A_39] : memref<10240xf32, #tpu.memory_space<vmem_shared>> -> memref<10240xf32, #tpu.memory_space<vmem_shared>>
        tpu.enqueue_indirect_dma source(%dma_start3A_35 : memref<125xf32, #tpu.memory_space<vmem>>) target(%dma_start3A_40 : memref<10240xf32, #tpu.memory_space<vmem_shared>>) offsets(%dma_start3A_38 : memref<125xi32, #tpu.memory_space<vmem>>) semaphore(%run_scoped3A_34 : memref<!tpu.dma_semaphore, #tpu.memory_space<semaphore_mem>>) {add = true}
        %dma_wait3A = arith.constant 0 : i32
        %dma_wait3A_41 = tpu.memref_slice %arg5[%dma_wait3A] : memref<128xf32, #tpu.memory_space<vmem>> -> memref<125xf32, #tpu.memory_space<vmem>>
        %dma_wait3A_42 = arith.constant 0 : i32
        %dma_wait3A_43 = tpu.memref_slice %arg4[%scan3A_31, %dma_wait3A_42] : memref<80x125xi32, #tpu.memory_space<vmem>> -> memref<1x125xi32, #tpu.memory_space<vmem>>
        %dma_wait3A_44 = tpu.memref_squeeze %dma_wait3A_43 : memref<1x125xi32, #tpu.memory_space<vmem>> -> memref<125xi32, #tpu.memory_space<vmem>>
        %dma_wait3A_45 = arith.constant 0 : i32
        %dma_wait3A_46 = tpu.memref_slice %arg7[%dma_wait3A_45] : memref<10240xf32, #tpu.memory_space<vmem_shared>> -> memref<10240xf32, #tpu.memory_space<vmem_shared>>
        tpu.wait_indirect_dma semaphore(%run_scoped3A_34 : memref<!tpu.dma_semaphore, #tpu.memory_space<semaphore_mem>>) src(%dma_wait3A_41 : memref<125xf32, #tpu.memory_space<vmem>>) dst(%dma_wait3A_46 : memref<10240xf32, #tpu.memory_space<vmem_shared>>)
        tpu.yield
      }) : () -> ()
      %scan3A_33 = arith.constant 0 : i32
      scf.yield %scan3A_33 : i32
    }
    %scan3A_25 = arith.constant 80 : i32
    %barrier3A_26 = arith.constant 0 : index
    tpu.barrier barrier_id(%barrier3A_26)
    %mul3A_27 = arith.constant 640 : i32
    %mul3A_28 = arith.muli %arg1, %mul3A_27 : i32
    %mul3A_29 = arith.constant 640 : i32
    %mul3A_30 = arith.muli %arg1, %mul3A_29 : i32
    "tpu.region"() ({
      %run_scoped3A_31 = tpu.sem_alloc : memref<!tpu.dma_semaphore, #tpu.memory_space<semaphore_mem>>
      %dma_start3A = tpu.memref_slice %arg3[%arg0, %mul3A_30] : memref<2x10240xf32, #tpu.memory_space<hbm>> -> memref<1x640xf32, #tpu.memory_space<hbm>>
      %dma_start3A_32 = tpu.memref_squeeze %dma_start3A : memref<1x640xf32, #tpu.memory_space<hbm>> -> memref<640xf32, #tpu.memory_space<hbm>>
      %dma_start3A_33 = tpu.memref_slice %arg7[%mul3A_28] : memref<10240xf32, #tpu.memory_space<vmem_shared>> -> memref<640xf32, #tpu.memory_space<vmem_shared>>
      tpu.enqueue_dma source(%dma_start3A_33 : memref<640xf32, #tpu.memory_space<vmem_shared>>) target(%dma_start3A_32 : memref<640xf32, #tpu.memory_space<hbm>>) target_semaphore(%run_scoped3A_31 : memref<!tpu.dma_semaphore, #tpu.memory_space<semaphore_mem>>)
      %dma_wait3A = tpu.memref_slice %arg3[%arg0, %mul3A_30] : memref<2x10240xf32, #tpu.memory_space<hbm>> -> memref<1x640xf32, #tpu.memory_space<hbm>>
      %dma_wait3A_34 = tpu.memref_squeeze %dma_wait3A : memref<1x640xf32, #tpu.memory_space<hbm>> -> memref<640xf32, #tpu.memory_space<hbm>>
      %dma_wait3A_35 = tpu.memref_slice %arg7[%mul3A_28] : memref<10240xf32, #tpu.memory_space<vmem_shared>> -> memref<640xf32, #tpu.memory_space<vmem_shared>>
      tpu.wait_dma2 semaphore(%run_scoped3A_31 : memref<!tpu.dma_semaphore, #tpu.memory_space<semaphore_mem>>) src(%dma_wait3A_35 : memref<640xf32, #tpu.memory_space<vmem_shared>>) dst(%dma_wait3A_34 : memref<640xf32, #tpu.memory_space<hbm>>)
      tpu.yield
    }) : () -> ()
    return
  }
}

#map = affine_map<(d0, d1) -> (0, 0, 0, 0)>
#map1 = affine_map<(d0, d1) -> (0, 0)>
#map2 = affine_map<(d0, d1) -> (0, 0, 0)>
module attributes {stable_mosaic.version = 14 : i64} {
  func.func @_agg_kernel(%arg0: i32, %arg1: i32, %arg2: memref<2x32x80x125xi32, #tpu.memory_space<hbm>>, %arg3: memref<10240x64xf32, #tpu.memory_space<hbm>>, %arg4: memref<2x10240x64xf32, #tpu.memory_space<hbm>>, %arg5: memref<80x125xi32, #tpu.memory_space<vmem>>, %arg6: memref<80x125xi32, #tpu.memory_space<vmem>>, %arg7: memref<125x64xf32, #tpu.memory_space<vmem>>, %arg8: memref<125x64xf32, #tpu.memory_space<vmem>>, %arg9: memref<125x64xf32, #tpu.memory_space<vmem>>, %arg10: memref<125x64xf32, #tpu.memory_space<vmem>>, %arg11: memref<125x64xf32, #tpu.memory_space<vmem>>, %arg12: memref<10240x64xf32, #tpu.memory_space<vmem_shared>>, %arg13: memref<!tpu.dma_semaphore, #tpu.memory_space<semaphore_mem>>, %arg14: memref<!tpu.dma_semaphore, #tpu.memory_space<semaphore_mem>>, %arg15: memref<!tpu.dma_semaphore, #tpu.memory_space<semaphore_mem>>, %arg16: memref<!tpu.dma_semaphore, #tpu.memory_space<semaphore_mem>>, %arg17: memref<!tpu.dma_semaphore, #tpu.memory_space<semaphore_mem>>) attributes {dimension_semantics = [#tpu.dimension_semantics<core_parallel>, #tpu.dimension_semantics<subcore_parallel>], iteration_bounds = array<i64: 2, 16>, scalar_prefetch = 0 : i64, scratch_operands = 13 : i64, tpu.core_type = #tpu.core_type<sc_vector_subcore>, window_params = [{transform_indices = #map}, {transform_indices = #map1}, {transform_indices = #map2}]} {
    %mul3A = arith.constant 2 : i32
    %mul3A_0 = arith.muli %arg1, %mul3A : i32
    %add3A = arith.addi %mul3A_0, %arg0 : i32
    %run_scoped3A = arith.constant 0 : i32
    "tpu.region"() ({
      %run_scoped3A_53 = tpu.sem_alloc : memref<!tpu.dma_semaphore, #tpu.memory_space<semaphore_mem>>
      %dma_start3A_54 = arith.constant 0 : i32
      %dma_start3A_55 = arith.constant 0 : i32
      %dma_start3A_56 = tpu.memref_slice %arg2[%run_scoped3A, %add3A, %dma_start3A_54, %dma_start3A_55] : memref<2x32x80x125xi32, #tpu.memory_space<hbm>> -> memref<1x1x80x125xi32, #tpu.memory_space<hbm>>
      %dma_start3A_57 = tpu.memref_squeeze %dma_start3A_56 : memref<1x1x80x125xi32, #tpu.memory_space<hbm>> -> memref<80x125xi32, #tpu.memory_space<hbm>>
      %dma_start3A_58 = arith.constant 0 : i32
      %dma_start3A_59 = arith.constant 0 : i32
      %dma_start3A_60 = tpu.memref_slice %arg2[%run_scoped3A, %add3A, %dma_start3A_58, %dma_start3A_59] : memref<2x32x80x125xi32, #tpu.memory_space<hbm>> -> memref<1x1x80x125xi32, #tpu.memory_space<hbm>>
      %dma_start3A_61 = tpu.memref_squeeze %dma_start3A_60 : memref<1x1x80x125xi32, #tpu.memory_space<hbm>> -> memref<80x125xi32, #tpu.memory_space<hbm>>
      tpu.enqueue_dma source(%dma_start3A_61 : memref<80x125xi32, #tpu.memory_space<hbm>>) target(%arg5 : memref<80x125xi32, #tpu.memory_space<vmem>>) target_semaphore(%run_scoped3A_53 : memref<!tpu.dma_semaphore, #tpu.memory_space<semaphore_mem>>)
      %dma_wait3A = arith.constant 0 : i32
      %dma_wait3A_62 = arith.constant 0 : i32
      %dma_wait3A_63 = tpu.memref_slice %arg2[%run_scoped3A, %add3A, %dma_wait3A, %dma_wait3A_62] : memref<2x32x80x125xi32, #tpu.memory_space<hbm>> -> memref<1x1x80x125xi32, #tpu.memory_space<hbm>>
      %dma_wait3A_64 = tpu.memref_squeeze %dma_wait3A_63 : memref<1x1x80x125xi32, #tpu.memory_space<hbm>> -> memref<80x125xi32, #tpu.memory_space<hbm>>
      %dma_wait3A_65 = arith.constant 0 : i32
      %dma_wait3A_66 = arith.constant 0 : i32
      %dma_wait3A_67 = tpu.memref_slice %arg2[%run_scoped3A, %add3A, %dma_wait3A_65, %dma_wait3A_66] : memref<2x32x80x125xi32, #tpu.memory_space<hbm>> -> memref<1x1x80x125xi32, #tpu.memory_space<hbm>>
      %dma_wait3A_68 = tpu.memref_squeeze %dma_wait3A_67 : memref<1x1x80x125xi32, #tpu.memory_space<hbm>> -> memref<80x125xi32, #tpu.memory_space<hbm>>
      tpu.wait_dma2 semaphore(%run_scoped3A_53 : memref<!tpu.dma_semaphore, #tpu.memory_space<semaphore_mem>>) src(%dma_wait3A_68 : memref<80x125xi32, #tpu.memory_space<hbm>>) dst(%arg5 : memref<80x125xi32, #tpu.memory_space<vmem>>)
      tpu.yield
    }) : () -> ()
    %run_scoped3A_1 = arith.constant 1 : i32
    "tpu.region"() ({
      %run_scoped3A_53 = tpu.sem_alloc : memref<!tpu.dma_semaphore, #tpu.memory_space<semaphore_mem>>
      %dma_start3A_54 = arith.constant 0 : i32
      %dma_start3A_55 = arith.constant 0 : i32
      %dma_start3A_56 = tpu.memref_slice %arg2[%run_scoped3A_1, %add3A, %dma_start3A_54, %dma_start3A_55] : memref<2x32x80x125xi32, #tpu.memory_space<hbm>> -> memref<1x1x80x125xi32, #tpu.memory_space<hbm>>
      %dma_start3A_57 = tpu.memref_squeeze %dma_start3A_56 : memref<1x1x80x125xi32, #tpu.memory_space<hbm>> -> memref<80x125xi32, #tpu.memory_space<hbm>>
      %dma_start3A_58 = arith.constant 0 : i32
      %dma_start3A_59 = arith.constant 0 : i32
      %dma_start3A_60 = tpu.memref_slice %arg2[%run_scoped3A_1, %add3A, %dma_start3A_58, %dma_start3A_59] : memref<2x32x80x125xi32, #tpu.memory_space<hbm>> -> memref<1x1x80x125xi32, #tpu.memory_space<hbm>>
      %dma_start3A_61 = tpu.memref_squeeze %dma_start3A_60 : memref<1x1x80x125xi32, #tpu.memory_space<hbm>> -> memref<80x125xi32, #tpu.memory_space<hbm>>
      tpu.enqueue_dma source(%dma_start3A_61 : memref<80x125xi32, #tpu.memory_space<hbm>>) target(%arg6 : memref<80x125xi32, #tpu.memory_space<vmem>>) target_semaphore(%run_scoped3A_53 : memref<!tpu.dma_semaphore, #tpu.memory_space<semaphore_mem>>)
      %dma_wait3A = arith.constant 0 : i32
      %dma_wait3A_62 = arith.constant 0 : i32
      %dma_wait3A_63 = tpu.memref_slice %arg2[%run_scoped3A_1, %add3A, %dma_wait3A, %dma_wait3A_62] : memref<2x32x80x125xi32, #tpu.memory_space<hbm>> -> memref<1x1x80x125xi32, #tpu.memory_space<hbm>>
      %dma_wait3A_64 = tpu.memref_squeeze %dma_wait3A_63 : memref<1x1x80x125xi32, #tpu.memory_space<hbm>> -> memref<80x125xi32, #tpu.memory_space<hbm>>
      %dma_wait3A_65 = arith.constant 0 : i32
      %dma_wait3A_66 = arith.constant 0 : i32
      %dma_wait3A_67 = tpu.memref_slice %arg2[%run_scoped3A_1, %add3A, %dma_wait3A_65, %dma_wait3A_66] : memref<2x32x80x125xi32, #tpu.memory_space<hbm>> -> memref<1x1x80x125xi32, #tpu.memory_space<hbm>>
      %dma_wait3A_68 = tpu.memref_squeeze %dma_wait3A_67 : memref<1x1x80x125xi32, #tpu.memory_space<hbm>> -> memref<80x125xi32, #tpu.memory_space<hbm>>
      tpu.wait_dma2 semaphore(%run_scoped3A_53 : memref<!tpu.dma_semaphore, #tpu.memory_space<semaphore_mem>>) src(%dma_wait3A_68 : memref<80x125xi32, #tpu.memory_space<hbm>>) dst(%arg6 : memref<80x125xi32, #tpu.memory_space<vmem>>)
      tpu.yield
    }) : () -> ()
    %eq3A = arith.constant 0 : i32
    %eq3A_2 = arith.cmpi eq, %arg0, %eq3A : i32
    %convert_element_type3A = arith.extui %eq3A_2 : i1 to i32
    %cond3A = arith.constant 0 : i32
    %cond3A_3 = arith.cmpi ne, %convert_element_type3A, %cond3A : i32
    scf.if %cond3A_3 {
      %mul3A_53 = arith.constant 640 : i32
      %mul3A_54 = arith.muli %arg1, %mul3A_53 : i32
      %mul3A_55 = arith.constant 640 : i32
      %mul3A_56 = arith.muli %arg1, %mul3A_55 : i32
      "tpu.region"() ({
        %run_scoped3A_57 = tpu.sem_alloc : memref<!tpu.dma_semaphore, #tpu.memory_space<semaphore_mem>>
        %dma_start3A_58 = arith.constant 0 : i32
        %dma_start3A_59 = tpu.memref_slice %arg12[%mul3A_56, %dma_start3A_58] : memref<10240x64xf32, #tpu.memory_space<vmem_shared>> -> memref<640x64xf32, #tpu.memory_space<vmem_shared>>
        %dma_start3A_60 = arith.constant 0 : i32
        %dma_start3A_61 = tpu.memref_slice %arg3[%mul3A_54, %dma_start3A_60] : memref<10240x64xf32, #tpu.memory_space<hbm>> -> memref<640x64xf32, #tpu.memory_space<hbm>>
        tpu.enqueue_dma source(%dma_start3A_61 : memref<640x64xf32, #tpu.memory_space<hbm>>) target(%dma_start3A_59 : memref<640x64xf32, #tpu.memory_space<vmem_shared>>) target_semaphore(%run_scoped3A_57 : memref<!tpu.dma_semaphore, #tpu.memory_space<semaphore_mem>>)
        %dma_wait3A = arith.constant 0 : i32
        %dma_wait3A_62 = tpu.memref_slice %arg12[%mul3A_56, %dma_wait3A] : memref<10240x64xf32, #tpu.memory_space<vmem_shared>> -> memref<640x64xf32, #tpu.memory_space<vmem_shared>>
        %dma_wait3A_63 = arith.constant 0 : i32
        %dma_wait3A_64 = tpu.memref_slice %arg3[%mul3A_54, %dma_wait3A_63] : memref<10240x64xf32, #tpu.memory_space<hbm>> -> memref<640x64xf32, #tpu.memory_space<hbm>>
        tpu.wait_dma2 semaphore(%run_scoped3A_57 : memref<!tpu.dma_semaphore, #tpu.memory_space<semaphore_mem>>) src(%dma_wait3A_64 : memref<640x64xf32, #tpu.memory_space<hbm>>) dst(%dma_wait3A_62 : memref<640x64xf32, #tpu.memory_space<vmem_shared>>)
        tpu.yield
      }) : () -> ()
    } else {
    }
    %ne3A = arith.constant 0 : i32
    %ne3A_4 = arith.cmpi ne, %arg0, %ne3A : i32
    %convert_element_type3A_5 = arith.extui %ne3A_4 : i1 to i32
    %cond3A_6 = arith.constant 0 : i32
    %cond3A_7 = arith.cmpi ne, %convert_element_type3A_5, %cond3A_6 : i32
    scf.if %cond3A_7 {
      %broadcast_in_dim3A = arith.constant 0.000000e+00 : f32
      %broadcast_in_dim3A_53 = vector.broadcast %broadcast_in_dim3A : f32 to vector<16xf32>
      %scan3A_54 = arith.constant 0 : i32
      %scan3A_55 = arith.constant 0 : i32
      %scan3A_56 = arith.constant 500 : i32
      %scan3A_57 = arith.addi %scan3A_55, %scan3A_56 : i32
      %scan3A_58 = arith.constant 1 : i32
      %scan3A_59 = scf.for %scan3A_85 = %scan3A_55 to %scan3A_57 step %scan3A_58 iter_args(%scan3A_86 = %scan3A_54) -> (i32)  : i32 {
        %jit3A = arith.constant 4 : i32
        %div3A = arith.divsi %scan3A_85, %jit3A : i32
        %sign3A = arith.constant 0 : i32
        %sign3A_87 = arith.cmpi sgt, %scan3A_85, %sign3A : i32
        %sign3A_88 = arith.extui %sign3A_87 : i1 to i32
        %sign3A_89 = arith.constant 0 : i32
        %sign3A_90 = arith.cmpi slt, %scan3A_85, %sign3A_89 : i32
        %sign3A_91 = arith.extui %sign3A_90 : i1 to i32
        %sign3A_92 = arith.subi %sign3A_88, %sign3A_91 : i32
        %sign3A_93 = arith.constant 0 : i32
        %sign3A_94 = arith.cmpi sgt, %jit3A, %sign3A_93 : i32
        %sign3A_95 = arith.extui %sign3A_94 : i1 to i32
        %sign3A_96 = arith.constant 0 : i32
        %sign3A_97 = arith.cmpi slt, %jit3A, %sign3A_96 : i32
        %sign3A_98 = arith.extui %sign3A_97 : i1 to i32
        %sign3A_99 = arith.subi %sign3A_95, %sign3A_98 : i32
        %ne3A_100 = arith.cmpi ne, %sign3A_92, %sign3A_99 : i32
        %rem3A = arith.remsi %scan3A_85, %jit3A : i32
        %ne3A_101 = arith.constant 0 : i32
        %ne3A_102 = arith.cmpi ne, %rem3A, %ne3A_101 : i32
        %and3A = arith.andi %ne3A_100, %ne3A_102 : i1
        %sub3A = arith.constant 1 : i32
        %sub3A_103 = arith.subi %div3A, %sub3A : i32
        %select_n3A = arith.select %and3A, %sub3A_103, %div3A : i32
        %jit3A_104 = arith.constant 4 : i32
        %eq3A_105 = arith.constant 0 : i32
        %eq3A_106 = arith.cmpi eq, %jit3A_104, %eq3A_105 : i32
        %jit3A_107 = arith.constant 1 : i32
        %select_n3A_108 = arith.select %eq3A_106, %jit3A_107, %jit3A_104 : i32
        %rem3A_109 = arith.remsi %scan3A_85, %select_n3A_108 : i32
        %ne3A_110 = arith.constant 0 : i32
        %ne3A_111 = arith.cmpi ne, %rem3A_109, %ne3A_110 : i32
        %lt3A = arith.constant 0 : i32
        %lt3A_112 = arith.cmpi slt, %rem3A_109, %lt3A : i32
        %lt3A_113 = arith.constant 0 : i32
        %lt3A_114 = arith.cmpi slt, %select_n3A_108, %lt3A_113 : i32
        %ne3A_115 = arith.xori %lt3A_112, %lt3A_114 : i1
        %and3A_116 = arith.andi %ne3A_115, %ne3A_111 : i1
        %add3A_117 = arith.addi %rem3A_109, %select_n3A_108 : i32
        %select_n3A_118 = arith.select %and3A_116, %add3A_117, %rem3A_109 : i32
        %mul3A_119 = arith.constant 16 : i32
        %mul3A_120 = arith.muli %select_n3A_118, %mul3A_119 : i32
        %swap3A = arith.index_cast %select_n3A : i32 to index
        %swap3A_121 = arith.index_cast %mul3A_120 : i32 to index
        %swap3A_122 = tpu.vector_load %arg7[%swap3A, %swap3A_121] {strides = array<i32>} : memref<125x64xf32, #tpu.memory_space<vmem>>, vector<1x16xf32>,
        %swap3A_123 = vector.shape_cast %swap3A_122 : vector<1x16xf32> to vector<16xf32>
        %swap3A_124 = vector.shape_cast %broadcast_in_dim3A_53 : vector<16xf32> to vector<1x16xf32>
        tpu.vector_store %arg7[%swap3A, %swap3A_121], %swap3A_124 {strides = array<i32>} : memref<125x64xf32, #tpu.memory_space<vmem>>, vector<1x16xf32>,
        %scan3A_125 = arith.constant 0 : i32
        scf.yield %scan3A_125 : i32
      }
      %scan3A_60 = arith.constant 500 : i32
      %mul3A_61 = arith.constant 640 : i32
      %mul3A_62 = arith.muli %arg1, %mul3A_61 : i32
      %add3A_63 = arith.constant 0 : i32
      %add3A_64 = arith.addi %mul3A_62, %add3A_63 : i32
      "tpu.region"() ({
        %run_scoped3A_85 = tpu.sem_alloc : memref<!tpu.dma_semaphore, #tpu.memory_space<semaphore_mem>>
        %dma_start3A_86 = arith.constant 0 : i32
        %dma_start3A_87 = tpu.memref_slice %arg12[%add3A_64, %dma_start3A_86] : memref<10240x64xf32, #tpu.memory_space<vmem_shared>> -> memref<125x64xf32, #tpu.memory_space<vmem_shared>>
        %dma_start3A_88 = arith.constant 0 : i32
        %dma_start3A_89 = tpu.memref_slice %arg12[%add3A_64, %dma_start3A_88] : memref<10240x64xf32, #tpu.memory_space<vmem_shared>> -> memref<125x64xf32, #tpu.memory_space<vmem_shared>>
        tpu.enqueue_dma source(%arg7 : memref<125x64xf32, #tpu.memory_space<vmem>>) target(%dma_start3A_89 : memref<125x64xf32, #tpu.memory_space<vmem_shared>>) target_semaphore(%run_scoped3A_85 : memref<!tpu.dma_semaphore, #tpu.memory_space<semaphore_mem>>)
        %dma_wait3A = arith.constant 0 : i32
        %dma_wait3A_90 = tpu.memref_slice %arg12[%add3A_64, %dma_wait3A] : memref<10240x64xf32, #tpu.memory_space<vmem_shared>> -> memref<125x64xf32, #tpu.memory_space<vmem_shared>>
        %dma_wait3A_91 = arith.constant 0 : i32
        %dma_wait3A_92 = tpu.memref_slice %arg12[%add3A_64, %dma_wait3A_91] : memref<10240x64xf32, #tpu.memory_space<vmem_shared>> -> memref<125x64xf32, #tpu.memory_space<vmem_shared>>
        tpu.wait_dma2 semaphore(%run_scoped3A_85 : memref<!tpu.dma_semaphore, #tpu.memory_space<semaphore_mem>>) src(%arg7 : memref<125x64xf32, #tpu.memory_space<vmem>>) dst(%dma_wait3A_92 : memref<125x64xf32, #tpu.memory_space<vmem_shared>>)
        tpu.yield
      }) : () -> ()
      %mul3A_65 = arith.constant 640 : i32
      %mul3A_66 = arith.muli %arg1, %mul3A_65 : i32
      %add3A_67 = arith.constant 125 : i32
      %add3A_68 = arith.addi %mul3A_66, %add3A_67 : i32
      "tpu.region"() ({
        %run_scoped3A_85 = tpu.sem_alloc : memref<!tpu.dma_semaphore, #tpu.memory_space<semaphore_mem>>
        %dma_start3A_86 = arith.constant 0 : i32
        %dma_start3A_87 = tpu.memref_slice %arg12[%add3A_68, %dma_start3A_86] : memref<10240x64xf32, #tpu.memory_space<vmem_shared>> -> memref<125x64xf32, #tpu.memory_space<vmem_shared>>
        %dma_start3A_88 = arith.constant 0 : i32
        %dma_start3A_89 = tpu.memref_slice %arg12[%add3A_68, %dma_start3A_88] : memref<10240x64xf32, #tpu.memory_space<vmem_shared>> -> memref<125x64xf32, #tpu.memory_space<vmem_shared>>
        tpu.enqueue_dma source(%arg7 : memref<125x64xf32, #tpu.memory_space<vmem>>) target(%dma_start3A_89 : memref<125x64xf32, #tpu.memory_space<vmem_shared>>) target_semaphore(%run_scoped3A_85 : memref<!tpu.dma_semaphore, #tpu.memory_space<semaphore_mem>>)
        %dma_wait3A = arith.constant 0 : i32
        %dma_wait3A_90 = tpu.memref_slice %arg12[%add3A_68, %dma_wait3A] : memref<10240x64xf32, #tpu.memory_space<vmem_shared>> -> memref<125x64xf32, #tpu.memory_space<vmem_shared>>
        %dma_wait3A_91 = arith.constant 0 : i32
        %dma_wait3A_92 = tpu.memref_slice %arg12[%add3A_68, %dma_wait3A_91] : memref<10240x64xf32, #tpu.memory_space<vmem_shared>> -> memref<125x64xf32, #tpu.memory_space<vmem_shared>>
        tpu.wait_dma2 semaphore(%run_scoped3A_85 : memref<!tpu.dma_semaphore, #tpu.memory_space<semaphore_mem>>) src(%arg7 : memref<125x64xf32, #tpu.memory_space<vmem>>) dst(%dma_wait3A_92 : memref<125x64xf32, #tpu.memory_space<vmem_shared>>)
        tpu.yield
      }) : () -> ()
      %mul3A_69 = arith.constant 640 : i32
      %mul3A_70 = arith.muli %arg1, %mul3A_69 : i32
      %add3A_71 = arith.constant 250 : i32
      %add3A_72 = arith.addi %mul3A_70, %add3A_71 : i32
      "tpu.region"() ({
        %run_scoped3A_85 = tpu.sem_alloc : memref<!tpu.dma_semaphore, #tpu.memory_space<semaphore_mem>>
        %dma_start3A_86 = arith.constant 0 : i32
        %dma_start3A_87 = tpu.memref_slice %arg12[%add3A_72, %dma_start3A_86] : memref<10240x64xf32, #tpu.memory_space<vmem_shared>> -> memref<125x64xf32, #tpu.memory_space<vmem_shared>>
        %dma_start3A_88 = arith.constant 0 : i32
        %dma_start3A_89 = tpu.memref_slice %arg12[%add3A_72, %dma_start3A_88] : memref<10240x64xf32, #tpu.memory_space<vmem_shared>> -> memref<125x64xf32, #tpu.memory_space<vmem_shared>>
        tpu.enqueue_dma source(%arg7 : memref<125x64xf32, #tpu.memory_space<vmem>>) target(%dma_start3A_89 : memref<125x64xf32, #tpu.memory_space<vmem_shared>>) target_semaphore(%run_scoped3A_85 : memref<!tpu.dma_semaphore, #tpu.memory_space<semaphore_mem>>)
        %dma_wait3A = arith.constant 0 : i32
        %dma_wait3A_90 = tpu.memref_slice %arg12[%add3A_72, %dma_wait3A] : memref<10240x64xf32, #tpu.memory_space<vmem_shared>> -> memref<125x64xf32, #tpu.memory_space<vmem_shared>>
        %dma_wait3A_91 = arith.constant 0 : i32
        %dma_wait3A_92 = tpu.memref_slice %arg12[%add3A_72, %dma_wait3A_91] : memref<10240x64xf32, #tpu.memory_space<vmem_shared>> -> memref<125x64xf32, #tpu.memory_space<vmem_shared>>
        tpu.wait_dma2 semaphore(%run_scoped3A_85 : memref<!tpu.dma_semaphore, #tpu.memory_space<semaphore_mem>>) src(%arg7 : memref<125x64xf32, #tpu.memory_space<vmem>>) dst(%dma_wait3A_92 : memref<125x64xf32, #tpu.memory_space<vmem_shared>>)
        tpu.yield
      }) : () -> ()
      %mul3A_73 = arith.constant 640 : i32
      %mul3A_74 = arith.muli %arg1, %mul3A_73 : i32
      %add3A_75 = arith.constant 375 : i32
      %add3A_76 = arith.addi %mul3A_74, %add3A_75 : i32
      "tpu.region"() ({
        %run_scoped3A_85 = tpu.sem_alloc : memref<!tpu.dma_semaphore, #tpu.memory_space<semaphore_mem>>
        %dma_start3A_86 = arith.constant 0 : i32
        %dma_start3A_87 = tpu.memref_slice %arg12[%add3A_76, %dma_start3A_86] : memref<10240x64xf32, #tpu.memory_space<vmem_shared>> -> memref<125x64xf32, #tpu.memory_space<vmem_shared>>
        %dma_start3A_88 = arith.constant 0 : i32
        %dma_start3A_89 = tpu.memref_slice %arg12[%add3A_76, %dma_start3A_88] : memref<10240x64xf32, #tpu.memory_space<vmem_shared>> -> memref<125x64xf32, #tpu.memory_space<vmem_shared>>
        tpu.enqueue_dma source(%arg7 : memref<125x64xf32, #tpu.memory_space<vmem>>) target(%dma_start3A_89 : memref<125x64xf32, #tpu.memory_space<vmem_shared>>) target_semaphore(%run_scoped3A_85 : memref<!tpu.dma_semaphore, #tpu.memory_space<semaphore_mem>>)
        %dma_wait3A = arith.constant 0 : i32
        %dma_wait3A_90 = tpu.memref_slice %arg12[%add3A_76, %dma_wait3A] : memref<10240x64xf32, #tpu.memory_space<vmem_shared>> -> memref<125x64xf32, #tpu.memory_space<vmem_shared>>
        %dma_wait3A_91 = arith.constant 0 : i32
        %dma_wait3A_92 = tpu.memref_slice %arg12[%add3A_76, %dma_wait3A_91] : memref<10240x64xf32, #tpu.memory_space<vmem_shared>> -> memref<125x64xf32, #tpu.memory_space<vmem_shared>>
        tpu.wait_dma2 semaphore(%run_scoped3A_85 : memref<!tpu.dma_semaphore, #tpu.memory_space<semaphore_mem>>) src(%arg7 : memref<125x64xf32, #tpu.memory_space<vmem>>) dst(%dma_wait3A_92 : memref<125x64xf32, #tpu.memory_space<vmem_shared>>)
        tpu.yield
      }) : () -> ()
      %mul3A_77 = arith.constant 640 : i32
      %mul3A_78 = arith.muli %arg1, %mul3A_77 : i32
      %add3A_79 = arith.constant 500 : i32
      %add3A_80 = arith.addi %mul3A_78, %add3A_79 : i32
      "tpu.region"() ({
        %run_scoped3A_85 = tpu.sem_alloc : memref<!tpu.dma_semaphore, #tpu.memory_space<semaphore_mem>>
        %dma_start3A_86 = arith.constant 0 : i32
        %dma_start3A_87 = tpu.memref_slice %arg12[%add3A_80, %dma_start3A_86] : memref<10240x64xf32, #tpu.memory_space<vmem_shared>> -> memref<125x64xf32, #tpu.memory_space<vmem_shared>>
        %dma_start3A_88 = arith.constant 0 : i32
        %dma_start3A_89 = tpu.memref_slice %arg12[%add3A_80, %dma_start3A_88] : memref<10240x64xf32, #tpu.memory_space<vmem_shared>> -> memref<125x64xf32, #tpu.memory_space<vmem_shared>>
        tpu.enqueue_dma source(%arg7 : memref<125x64xf32, #tpu.memory_space<vmem>>) target(%dma_start3A_89 : memref<125x64xf32, #tpu.memory_space<vmem_shared>>) target_semaphore(%run_scoped3A_85 : memref<!tpu.dma_semaphore, #tpu.memory_space<semaphore_mem>>)
        %dma_wait3A = arith.constant 0 : i32
        %dma_wait3A_90 = tpu.memref_slice %arg12[%add3A_80, %dma_wait3A] : memref<10240x64xf32, #tpu.memory_space<vmem_shared>> -> memref<125x64xf32, #tpu.memory_space<vmem_shared>>
        %dma_wait3A_91 = arith.constant 0 : i32
        %dma_wait3A_92 = tpu.memref_slice %arg12[%add3A_80, %dma_wait3A_91] : memref<10240x64xf32, #tpu.memory_space<vmem_shared>> -> memref<125x64xf32, #tpu.memory_space<vmem_shared>>
        tpu.wait_dma2 semaphore(%run_scoped3A_85 : memref<!tpu.dma_semaphore, #tpu.memory_space<semaphore_mem>>) src(%arg7 : memref<125x64xf32, #tpu.memory_space<vmem>>) dst(%dma_wait3A_92 : memref<125x64xf32, #tpu.memory_space<vmem_shared>>)
        tpu.yield
      }) : () -> ()
      %mul3A_81 = arith.constant 640 : i32
      %mul3A_82 = arith.muli %arg1, %mul3A_81 : i32
      %add3A_83 = arith.constant 625 : i32
      %add3A_84 = arith.addi %mul3A_82, %add3A_83 : i32
      "tpu.region"() ({
        %run_scoped3A_85 = tpu.sem_alloc : memref<!tpu.dma_semaphore, #tpu.memory_space<semaphore_mem>>
        %dma_start3A_86 = arith.constant 0 : i32
        %dma_start3A_87 = arith.constant 0 : i32
        %dma_start3A_88 = tpu.memref_slice %arg7[%dma_start3A_86, %dma_start3A_87] : memref<125x64xf32, #tpu.memory_space<vmem>> -> memref<15x64xf32, #tpu.memory_space<vmem>>
        %dma_start3A_89 = arith.constant 0 : i32
        %dma_start3A_90 = tpu.memref_slice %arg12[%add3A_84, %dma_start3A_89] : memref<10240x64xf32, #tpu.memory_space<vmem_shared>> -> memref<15x64xf32, #tpu.memory_space<vmem_shared>>
        %dma_start3A_91 = arith.constant 0 : i32
        %dma_start3A_92 = tpu.memref_slice %arg12[%add3A_84, %dma_start3A_91] : memref<10240x64xf32, #tpu.memory_space<vmem_shared>> -> memref<15x64xf32, #tpu.memory_space<vmem_shared>>
        %dma_start3A_93 = arith.constant 0 : i32
        %dma_start3A_94 = arith.constant 0 : i32
        %dma_start3A_95 = tpu.memref_slice %arg7[%dma_start3A_93, %dma_start3A_94] : memref<125x64xf32, #tpu.memory_space<vmem>> -> memref<15x64xf32, #tpu.memory_space<vmem>>
        tpu.enqueue_dma source(%dma_start3A_95 : memref<15x64xf32, #tpu.memory_space<vmem>>) target(%dma_start3A_92 : memref<15x64xf32, #tpu.memory_space<vmem_shared>>) target_semaphore(%run_scoped3A_85 : memref<!tpu.dma_semaphore, #tpu.memory_space<semaphore_mem>>)
        %dma_wait3A = arith.constant 0 : i32
        %dma_wait3A_96 = arith.constant 0 : i32
        %dma_wait3A_97 = tpu.memref_slice %arg7[%dma_wait3A, %dma_wait3A_96] : memref<125x64xf32, #tpu.memory_space<vmem>> -> memref<15x64xf32, #tpu.memory_space<vmem>>
        %dma_wait3A_98 = arith.constant 0 : i32
        %dma_wait3A_99 = tpu.memref_slice %arg12[%add3A_84, %dma_wait3A_98] : memref<10240x64xf32, #tpu.memory_space<vmem_shared>> -> memref<15x64xf32, #tpu.memory_space<vmem_shared>>
        %dma_wait3A_100 = arith.constant 0 : i32
        %dma_wait3A_101 = tpu.memref_slice %arg12[%add3A_84, %dma_wait3A_100] : memref<10240x64xf32, #tpu.memory_space<vmem_shared>> -> memref<15x64xf32, #tpu.memory_space<vmem_shared>>
        %dma_wait3A_102 = arith.constant 0 : i32
        %dma_wait3A_103 = arith.constant 0 : i32
        %dma_wait3A_104 = tpu.memref_slice %arg7[%dma_wait3A_102, %dma_wait3A_103] : memref<125x64xf32, #tpu.memory_space<vmem>> -> memref<15x64xf32, #tpu.memory_space<vmem>>
        tpu.wait_dma2 semaphore(%run_scoped3A_85 : memref<!tpu.dma_semaphore, #tpu.memory_space<semaphore_mem>>) src(%dma_wait3A_104 : memref<15x64xf32, #tpu.memory_space<vmem>>) dst(%dma_wait3A_101 : memref<15x64xf32, #tpu.memory_space<vmem_shared>>)
        tpu.yield
      }) : () -> ()
    } else {
    }
    %barrier3A = arith.constant 0 : index
    tpu.barrier barrier_id(%barrier3A)
    %dma_start3A = arith.constant 0 : i32
    %dma_start3A_8 = arith.constant 0 : i32
    %dma_start3A_9 = tpu.memref_slice %arg5[%dma_start3A, %dma_start3A_8] : memref<80x125xi32, #tpu.memory_space<vmem>> -> memref<1x125xi32, #tpu.memory_space<vmem>>
    %dma_start3A_10 = tpu.memref_squeeze %dma_start3A_9 : memref<1x125xi32, #tpu.memory_space<vmem>> -> memref<125xi32, #tpu.memory_space<vmem>>
    %dma_start3A_11 = arith.constant 0 : i32
    %dma_start3A_12 = arith.constant 0 : i32
    %dma_start3A_13 = tpu.memref_slice %arg3[%dma_start3A_11, %dma_start3A_12] : memref<10240x64xf32, #tpu.memory_space<hbm>> -> memref<10240x64xf32, #tpu.memory_space<hbm>>
    tpu.enqueue_indirect_dma source(%dma_start3A_13 : memref<10240x64xf32, #tpu.memory_space<hbm>>) target(%arg7 : memref<125x64xf32, #tpu.memory_space<vmem>>) offsets(%dma_start3A_10 : memref<125xi32, #tpu.memory_space<vmem>>) semaphore(%arg13 : memref<!tpu.dma_semaphore, #tpu.memory_space<semaphore_mem>>)
    %dma_start3A_14 = arith.constant 1 : i32
    %dma_start3A_15 = arith.constant 0 : i32
    %dma_start3A_16 = tpu.memref_slice %arg5[%dma_start3A_14, %dma_start3A_15] : memref<80x125xi32, #tpu.memory_space<vmem>> -> memref<1x125xi32, #tpu.memory_space<vmem>>
    %dma_start3A_17 = tpu.memref_squeeze %dma_start3A_16 : memref<1x125xi32, #tpu.memory_space<vmem>> -> memref<125xi32, #tpu.memory_space<vmem>>
    %dma_start3A_18 = arith.constant 0 : i32
    %dma_start3A_19 = arith.constant 0 : i32
    %dma_start3A_20 = tpu.memref_slice %arg3[%dma_start3A_18, %dma_start3A_19] : memref<10240x64xf32, #tpu.memory_space<hbm>> -> memref<10240x64xf32, #tpu.memory_space<hbm>>
    tpu.enqueue_indirect_dma source(%dma_start3A_20 : memref<10240x64xf32, #tpu.memory_space<hbm>>) target(%arg8 : memref<125x64xf32, #tpu.memory_space<vmem>>) offsets(%dma_start3A_17 : memref<125xi32, #tpu.memory_space<vmem>>) semaphore(%arg14 : memref<!tpu.dma_semaphore, #tpu.memory_space<semaphore_mem>>)
    %dma_start3A_21 = arith.constant 2 : i32
    %dma_start3A_22 = arith.constant 0 : i32
    %dma_start3A_23 = tpu.memref_slice %arg5[%dma_start3A_21, %dma_start3A_22] : memref<80x125xi32, #tpu.memory_space<vmem>> -> memref<1x125xi32, #tpu.memory_space<vmem>>
    %dma_start3A_24 = tpu.memref_squeeze %dma_start3A_23 : memref<1x125xi32, #tpu.memory_space<vmem>> -> memref<125xi32, #tpu.memory_space<vmem>>
    %dma_start3A_25 = arith.constant 0 : i32
    %dma_start3A_26 = arith.constant 0 : i32
    %dma_start3A_27 = tpu.memref_slice %arg3[%dma_start3A_25, %dma_start3A_26] : memref<10240x64xf32, #tpu.memory_space<hbm>> -> memref<10240x64xf32, #tpu.memory_space<hbm>>
    tpu.enqueue_indirect_dma source(%dma_start3A_27 : memref<10240x64xf32, #tpu.memory_space<hbm>>) target(%arg9 : memref<125x64xf32, #tpu.memory_space<vmem>>) offsets(%dma_start3A_24 : memref<125xi32, #tpu.memory_space<vmem>>) semaphore(%arg15 : memref<!tpu.dma_semaphore, #tpu.memory_space<semaphore_mem>>)
    %dma_start3A_28 = arith.constant 3 : i32
    %dma_start3A_29 = arith.constant 0 : i32
    %dma_start3A_30 = tpu.memref_slice %arg5[%dma_start3A_28, %dma_start3A_29] : memref<80x125xi32, #tpu.memory_space<vmem>> -> memref<1x125xi32, #tpu.memory_space<vmem>>
    %dma_start3A_31 = tpu.memref_squeeze %dma_start3A_30 : memref<1x125xi32, #tpu.memory_space<vmem>> -> memref<125xi32, #tpu.memory_space<vmem>>
    %dma_start3A_32 = arith.constant 0 : i32
    %dma_start3A_33 = arith.constant 0 : i32
    %dma_start3A_34 = tpu.memref_slice %arg3[%dma_start3A_32, %dma_start3A_33] : memref<10240x64xf32, #tpu.memory_space<hbm>> -> memref<10240x64xf32, #tpu.memory_space<hbm>>
    tpu.enqueue_indirect_dma source(%dma_start3A_34 : memref<10240x64xf32, #tpu.memory_space<hbm>>) target(%arg10 : memref<125x64xf32, #tpu.memory_space<vmem>>) offsets(%dma_start3A_31 : memref<125xi32, #tpu.memory_space<vmem>>) semaphore(%arg16 : memref<!tpu.dma_semaphore, #tpu.memory_space<semaphore_mem>>)
    %dma_start3A_35 = arith.constant 4 : i32
    %dma_start3A_36 = arith.constant 0 : i32
    %dma_start3A_37 = tpu.memref_slice %arg5[%dma_start3A_35, %dma_start3A_36] : memref<80x125xi32, #tpu.memory_space<vmem>> -> memref<1x125xi32, #tpu.memory_space<vmem>>
    %dma_start3A_38 = tpu.memref_squeeze %dma_start3A_37 : memref<1x125xi32, #tpu.memory_space<vmem>> -> memref<125xi32, #tpu.memory_space<vmem>>
    %dma_start3A_39 = arith.constant 0 : i32
    %dma_start3A_40 = arith.constant 0 : i32
    %dma_start3A_41 = tpu.memref_slice %arg3[%dma_start3A_39, %dma_start3A_40] : memref<10240x64xf32, #tpu.memory_space<hbm>> -> memref<10240x64xf32, #tpu.memory_space<hbm>>
    tpu.enqueue_indirect_dma source(%dma_start3A_41 : memref<10240x64xf32, #tpu.memory_space<hbm>>) target(%arg11 : memref<125x64xf32, #tpu.memory_space<vmem>>) offsets(%dma_start3A_38 : memref<125xi32, #tpu.memory_space<vmem>>) semaphore(%arg17 : memref<!tpu.dma_semaphore, #tpu.memory_space<semaphore_mem>>)
    %scan3A = arith.constant 0 : i32
    %scan3A_42 = arith.constant 0 : i32
    %scan3A_43 = arith.constant 16 : i32
    %scan3A_44 = arith.addi %scan3A_42, %scan3A_43 : i32
    %scan3A_45 = arith.constant 1 : i32
    %scan3A_46 = scf.for %scan3A_53 = %scan3A_42 to %scan3A_44 step %scan3A_45 iter_args(%scan3A_54 = %scan3A) -> (i32)  : i32 {
      %mul3A_55 = arith.constant 5 : i32
      %mul3A_56 = arith.muli %mul3A_55, %scan3A_53 : i32
      %add3A_57 = arith.constant 0 : i32
      %add3A_58 = arith.addi %mul3A_56, %add3A_57 : i32
      %dma_wait3A = arith.constant 0 : i32
      %dma_wait3A_59 = tpu.memref_slice %arg5[%add3A_58, %dma_wait3A] : memref<80x125xi32, #tpu.memory_space<vmem>> -> memref<1x125xi32, #tpu.memory_space<vmem>>
      %dma_wait3A_60 = tpu.memref_squeeze %dma_wait3A_59 : memref<1x125xi32, #tpu.memory_space<vmem>> -> memref<125xi32, #tpu.memory_space<vmem>>
      %dma_wait3A_61 = arith.constant 0 : i32
      %dma_wait3A_62 = arith.constant 0 : i32
      %dma_wait3A_63 = tpu.memref_slice %arg3[%dma_wait3A_61, %dma_wait3A_62] : memref<10240x64xf32, #tpu.memory_space<hbm>> -> memref<10240x64xf32, #tpu.memory_space<hbm>>
      tpu.wait_indirect_dma semaphore(%arg13 : memref<!tpu.dma_semaphore, #tpu.memory_space<semaphore_mem>>) src(%dma_wait3A_63 : memref<10240x64xf32, #tpu.memory_space<hbm>>) dst(%arg7 : memref<125x64xf32, #tpu.memory_space<vmem>>)
      "tpu.region"() ({
        %run_scoped3A_139 = tpu.sem_alloc : memref<!tpu.dma_semaphore, #tpu.memory_space<semaphore_mem>>
        %dma_start3A_140 = arith.constant 0 : i32
        %dma_start3A_141 = tpu.memref_slice %arg6[%add3A_58, %dma_start3A_140] : memref<80x125xi32, #tpu.memory_space<vmem>> -> memref<1x125xi32, #tpu.memory_space<vmem>>
        %dma_start3A_142 = tpu.memref_squeeze %dma_start3A_141 : memref<1x125xi32, #tpu.memory_space<vmem>> -> memref<125xi32, #tpu.memory_space<vmem>>
        %dma_start3A_143 = arith.constant 0 : i32
        %dma_start3A_144 = arith.constant 0 : i32
        %dma_start3A_145 = tpu.memref_slice %arg12[%dma_start3A_143, %dma_start3A_144] : memref<10240x64xf32, #tpu.memory_space<vmem_shared>> -> memref<10240x64xf32, #tpu.memory_space<vmem_shared>>
        tpu.enqueue_indirect_dma source(%arg7 : memref<125x64xf32, #tpu.memory_space<vmem>>) target(%dma_start3A_145 : memref<10240x64xf32, #tpu.memory_space<vmem_shared>>) offsets(%dma_start3A_142 : memref<125xi32, #tpu.memory_space<vmem>>) semaphore(%run_scoped3A_139 : memref<!tpu.dma_semaphore, #tpu.memory_space<semaphore_mem>>) {add = true}
        %dma_wait3A_146 = arith.constant 0 : i32
        %dma_wait3A_147 = tpu.memref_slice %arg6[%add3A_58, %dma_wait3A_146] : memref<80x125xi32, #tpu.memory_space<vmem>> -> memref<1x125xi32, #tpu.memory_space<vmem>>
        %dma_wait3A_148 = tpu.memref_squeeze %dma_wait3A_147 : memref<1x125xi32, #tpu.memory_space<vmem>> -> memref<125xi32, #tpu.memory_space<vmem>>
        %dma_wait3A_149 = arith.constant 0 : i32
        %dma_wait3A_150 = arith.constant 0 : i32
        %dma_wait3A_151 = tpu.memref_slice %arg12[%dma_wait3A_149, %dma_wait3A_150] : memref<10240x64xf32, #tpu.memory_space<vmem_shared>> -> memref<10240x64xf32, #tpu.memory_space<vmem_shared>>
        tpu.wait_indirect_dma semaphore(%run_scoped3A_139 : memref<!tpu.dma_semaphore, #tpu.memory_space<semaphore_mem>>) src(%arg7 : memref<125x64xf32, #tpu.memory_space<vmem>>) dst(%dma_wait3A_151 : memref<10240x64xf32, #tpu.memory_space<vmem_shared>>)
        tpu.yield
      }) : () -> ()
      %add3A_64 = arith.constant 5 : i32
      %add3A_65 = arith.addi %add3A_58, %add3A_64 : i32
      %lt3A = arith.constant 80 : i32
      %lt3A_66 = arith.cmpi slt, %add3A_65, %lt3A : i32
      %convert_element_type3A_67 = arith.extui %lt3A_66 : i1 to i32
      %cond3A_68 = arith.constant 0 : i32
      %cond3A_69 = arith.cmpi ne, %convert_element_type3A_67, %cond3A_68 : i32
      scf.if %cond3A_69 {
        %add3A_139 = arith.constant 5 : i32
        %add3A_140 = arith.addi %add3A_58, %add3A_139 : i32
        %dma_start3A_141 = arith.constant 0 : i32
        %dma_start3A_142 = tpu.memref_slice %arg5[%add3A_140, %dma_start3A_141] : memref<80x125xi32, #tpu.memory_space<vmem>> -> memref<1x125xi32, #tpu.memory_space<vmem>>
        %dma_start3A_143 = tpu.memref_squeeze %dma_start3A_142 : memref<1x125xi32, #tpu.memory_space<vmem>> -> memref<125xi32, #tpu.memory_space<vmem>>
        %dma_start3A_144 = arith.constant 0 : i32
        %dma_start3A_145 = arith.constant 0 : i32
        %dma_start3A_146 = tpu.memref_slice %arg3[%dma_start3A_144, %dma_start3A_145] : memref<10240x64xf32, #tpu.memory_space<hbm>> -> memref<10240x64xf32, #tpu.memory_space<hbm>>
        tpu.enqueue_indirect_dma source(%dma_start3A_146 : memref<10240x64xf32, #tpu.memory_space<hbm>>) target(%arg7 : memref<125x64xf32, #tpu.memory_space<vmem>>) offsets(%dma_start3A_143 : memref<125xi32, #tpu.memory_space<vmem>>) semaphore(%arg13 : memref<!tpu.dma_semaphore, #tpu.memory_space<semaphore_mem>>)
      } else {
      }
      %mul3A_70 = arith.constant 5 : i32
      %mul3A_71 = arith.muli %mul3A_70, %scan3A_53 : i32
      %add3A_72 = arith.constant 1 : i32
      %add3A_73 = arith.addi %mul3A_71, %add3A_72 : i32
      %dma_wait3A_74 = arith.constant 0 : i32
      %dma_wait3A_75 = tpu.memref_slice %arg5[%add3A_73, %dma_wait3A_74] : memref<80x125xi32, #tpu.memory_space<vmem>> -> memref<1x125xi32, #tpu.memory_space<vmem>>
      %dma_wait3A_76 = tpu.memref_squeeze %dma_wait3A_75 : memref<1x125xi32, #tpu.memory_space<vmem>> -> memref<125xi32, #tpu.memory_space<vmem>>
      %dma_wait3A_77 = arith.constant 0 : i32
      %dma_wait3A_78 = arith.constant 0 : i32
      %dma_wait3A_79 = tpu.memref_slice %arg3[%dma_wait3A_77, %dma_wait3A_78] : memref<10240x64xf32, #tpu.memory_space<hbm>> -> memref<10240x64xf32, #tpu.memory_space<hbm>>
      tpu.wait_indirect_dma semaphore(%arg14 : memref<!tpu.dma_semaphore, #tpu.memory_space<semaphore_mem>>) src(%dma_wait3A_79 : memref<10240x64xf32, #tpu.memory_space<hbm>>) dst(%arg8 : memref<125x64xf32, #tpu.memory_space<vmem>>)
      "tpu.region"() ({
        %run_scoped3A_139 = tpu.sem_alloc : memref<!tpu.dma_semaphore, #tpu.memory_space<semaphore_mem>>
        %dma_start3A_140 = arith.constant 0 : i32
        %dma_start3A_141 = tpu.memref_slice %arg6[%add3A_73, %dma_start3A_140] : memref<80x125xi32, #tpu.memory_space<vmem>> -> memref<1x125xi32, #tpu.memory_space<vmem>>
        %dma_start3A_142 = tpu.memref_squeeze %dma_start3A_141 : memref<1x125xi32, #tpu.memory_space<vmem>> -> memref<125xi32, #tpu.memory_space<vmem>>
        %dma_start3A_143 = arith.constant 0 : i32
        %dma_start3A_144 = arith.constant 0 : i32
        %dma_start3A_145 = tpu.memref_slice %arg12[%dma_start3A_143, %dma_start3A_144] : memref<10240x64xf32, #tpu.memory_space<vmem_shared>> -> memref<10240x64xf32, #tpu.memory_space<vmem_shared>>
        tpu.enqueue_indirect_dma source(%arg8 : memref<125x64xf32, #tpu.memory_space<vmem>>) target(%dma_start3A_145 : memref<10240x64xf32, #tpu.memory_space<vmem_shared>>) offsets(%dma_start3A_142 : memref<125xi32, #tpu.memory_space<vmem>>) semaphore(%run_scoped3A_139 : memref<!tpu.dma_semaphore, #tpu.memory_space<semaphore_mem>>) {add = true}
        %dma_wait3A_146 = arith.constant 0 : i32
        %dma_wait3A_147 = tpu.memref_slice %arg6[%add3A_73, %dma_wait3A_146] : memref<80x125xi32, #tpu.memory_space<vmem>> -> memref<1x125xi32, #tpu.memory_space<vmem>>
        %dma_wait3A_148 = tpu.memref_squeeze %dma_wait3A_147 : memref<1x125xi32, #tpu.memory_space<vmem>> -> memref<125xi32, #tpu.memory_space<vmem>>
        %dma_wait3A_149 = arith.constant 0 : i32
        %dma_wait3A_150 = arith.constant 0 : i32
        %dma_wait3A_151 = tpu.memref_slice %arg12[%dma_wait3A_149, %dma_wait3A_150] : memref<10240x64xf32, #tpu.memory_space<vmem_shared>> -> memref<10240x64xf32, #tpu.memory_space<vmem_shared>>
        tpu.wait_indirect_dma semaphore(%run_scoped3A_139 : memref<!tpu.dma_semaphore, #tpu.memory_space<semaphore_mem>>) src(%arg8 : memref<125x64xf32, #tpu.memory_space<vmem>>) dst(%dma_wait3A_151 : memref<10240x64xf32, #tpu.memory_space<vmem_shared>>)
        tpu.yield
      }) : () -> ()
      %add3A_80 = arith.constant 5 : i32
      %add3A_81 = arith.addi %add3A_73, %add3A_80 : i32
      %lt3A_82 = arith.constant 80 : i32
      %lt3A_83 = arith.cmpi slt, %add3A_81, %lt3A_82 : i32
      %convert_element_type3A_84 = arith.extui %lt3A_83 : i1 to i32
      %cond3A_85 = arith.constant 0 : i32
      %cond3A_86 = arith.cmpi ne, %convert_element_type3A_84, %cond3A_85 : i32
      scf.if %cond3A_86 {
        %add3A_139 = arith.constant 5 : i32
        %add3A_140 = arith.addi %add3A_73, %add3A_139 : i32
        %dma_start3A_141 = arith.constant 0 : i32
        %dma_start3A_142 = tpu.memref_slice %arg5[%add3A_140, %dma_start3A_141] : memref<80x125xi32, #tpu.memory_space<vmem>> -> memref<1x125xi32, #tpu.memory_space<vmem>>
        %dma_start3A_143 = tpu.memref_squeeze %dma_start3A_142 : memref<1x125xi32, #tpu.memory_space<vmem>> -> memref<125xi32, #tpu.memory_space<vmem>>
        %dma_start3A_144 = arith.constant 0 : i32
        %dma_start3A_145 = arith.constant 0 : i32
        %dma_start3A_146 = tpu.memref_slice %arg3[%dma_start3A_144, %dma_start3A_145] : memref<10240x64xf32, #tpu.memory_space<hbm>> -> memref<10240x64xf32, #tpu.memory_space<hbm>>
        tpu.enqueue_indirect_dma source(%dma_start3A_146 : memref<10240x64xf32, #tpu.memory_space<hbm>>) target(%arg8 : memref<125x64xf32, #tpu.memory_space<vmem>>) offsets(%dma_start3A_143 : memref<125xi32, #tpu.memory_space<vmem>>) semaphore(%arg14 : memref<!tpu.dma_semaphore, #tpu.memory_space<semaphore_mem>>)
      } else {
      }
      %mul3A_87 = arith.constant 5 : i32
      %mul3A_88 = arith.muli %mul3A_87, %scan3A_53 : i32
      %add3A_89 = arith.constant 2 : i32
      %add3A_90 = arith.addi %mul3A_88, %add3A_89 : i32
      %dma_wait3A_91 = arith.constant 0 : i32
      %dma_wait3A_92 = tpu.memref_slice %arg5[%add3A_90, %dma_wait3A_91] : memref<80x125xi32, #tpu.memory_space<vmem>> -> memref<1x125xi32, #tpu.memory_space<vmem>>
      %dma_wait3A_93 = tpu.memref_squeeze %dma_wait3A_92 : memref<1x125xi32, #tpu.memory_space<vmem>> -> memref<125xi32, #tpu.memory_space<vmem>>
      %dma_wait3A_94 = arith.constant 0 : i32
      %dma_wait3A_95 = arith.constant 0 : i32
      %dma_wait3A_96 = tpu.memref_slice %arg3[%dma_wait3A_94, %dma_wait3A_95] : memref<10240x64xf32, #tpu.memory_space<hbm>> -> memref<10240x64xf32, #tpu.memory_space<hbm>>
      tpu.wait_indirect_dma semaphore(%arg15 : memref<!tpu.dma_semaphore, #tpu.memory_space<semaphore_mem>>) src(%dma_wait3A_96 : memref<10240x64xf32, #tpu.memory_space<hbm>>) dst(%arg9 : memref<125x64xf32, #tpu.memory_space<vmem>>)
      "tpu.region"() ({
        %run_scoped3A_139 = tpu.sem_alloc : memref<!tpu.dma_semaphore, #tpu.memory_space<semaphore_mem>>
        %dma_start3A_140 = arith.constant 0 : i32
        %dma_start3A_141 = tpu.memref_slice %arg6[%add3A_90, %dma_start3A_140] : memref<80x125xi32, #tpu.memory_space<vmem>> -> memref<1x125xi32, #tpu.memory_space<vmem>>
        %dma_start3A_142 = tpu.memref_squeeze %dma_start3A_141 : memref<1x125xi32, #tpu.memory_space<vmem>> -> memref<125xi32, #tpu.memory_space<vmem>>
        %dma_start3A_143 = arith.constant 0 : i32
        %dma_start3A_144 = arith.constant 0 : i32
        %dma_start3A_145 = tpu.memref_slice %arg12[%dma_start3A_143, %dma_start3A_144] : memref<10240x64xf32, #tpu.memory_space<vmem_shared>> -> memref<10240x64xf32, #tpu.memory_space<vmem_shared>>
        tpu.enqueue_indirect_dma source(%arg9 : memref<125x64xf32, #tpu.memory_space<vmem>>) target(%dma_start3A_145 : memref<10240x64xf32, #tpu.memory_space<vmem_shared>>) offsets(%dma_start3A_142 : memref<125xi32, #tpu.memory_space<vmem>>) semaphore(%run_scoped3A_139 : memref<!tpu.dma_semaphore, #tpu.memory_space<semaphore_mem>>) {add = true}
        %dma_wait3A_146 = arith.constant 0 : i32
        %dma_wait3A_147 = tpu.memref_slice %arg6[%add3A_90, %dma_wait3A_146] : memref<80x125xi32, #tpu.memory_space<vmem>> -> memref<1x125xi32, #tpu.memory_space<vmem>>
        %dma_wait3A_148 = tpu.memref_squeeze %dma_wait3A_147 : memref<1x125xi32, #tpu.memory_space<vmem>> -> memref<125xi32, #tpu.memory_space<vmem>>
        %dma_wait3A_149 = arith.constant 0 : i32
        %dma_wait3A_150 = arith.constant 0 : i32
        %dma_wait3A_151 = tpu.memref_slice %arg12[%dma_wait3A_149, %dma_wait3A_150] : memref<10240x64xf32, #tpu.memory_space<vmem_shared>> -> memref<10240x64xf32, #tpu.memory_space<vmem_shared>>
        tpu.wait_indirect_dma semaphore(%run_scoped3A_139 : memref<!tpu.dma_semaphore, #tpu.memory_space<semaphore_mem>>) src(%arg9 : memref<125x64xf32, #tpu.memory_space<vmem>>) dst(%dma_wait3A_151 : memref<10240x64xf32, #tpu.memory_space<vmem_shared>>)
        tpu.yield
      }) : () -> ()
      %add3A_97 = arith.constant 5 : i32
      %add3A_98 = arith.addi %add3A_90, %add3A_97 : i32
      %lt3A_99 = arith.constant 80 : i32
      %lt3A_100 = arith.cmpi slt, %add3A_98, %lt3A_99 : i32
      %convert_element_type3A_101 = arith.extui %lt3A_100 : i1 to i32
      %cond3A_102 = arith.constant 0 : i32
      %cond3A_103 = arith.cmpi ne, %convert_element_type3A_101, %cond3A_102 : i32
      scf.if %cond3A_103 {
        %add3A_139 = arith.constant 5 : i32
        %add3A_140 = arith.addi %add3A_90, %add3A_139 : i32
        %dma_start3A_141 = arith.constant 0 : i32
        %dma_start3A_142 = tpu.memref_slice %arg5[%add3A_140, %dma_start3A_141] : memref<80x125xi32, #tpu.memory_space<vmem>> -> memref<1x125xi32, #tpu.memory_space<vmem>>
        %dma_start3A_143 = tpu.memref_squeeze %dma_start3A_142 : memref<1x125xi32, #tpu.memory_space<vmem>> -> memref<125xi32, #tpu.memory_space<vmem>>
        %dma_start3A_144 = arith.constant 0 : i32
        %dma_start3A_145 = arith.constant 0 : i32
        %dma_start3A_146 = tpu.memref_slice %arg3[%dma_start3A_144, %dma_start3A_145] : memref<10240x64xf32, #tpu.memory_space<hbm>> -> memref<10240x64xf32, #tpu.memory_space<hbm>>
        tpu.enqueue_indirect_dma source(%dma_start3A_146 : memref<10240x64xf32, #tpu.memory_space<hbm>>) target(%arg9 : memref<125x64xf32, #tpu.memory_space<vmem>>) offsets(%dma_start3A_143 : memref<125xi32, #tpu.memory_space<vmem>>) semaphore(%arg15 : memref<!tpu.dma_semaphore, #tpu.memory_space<semaphore_mem>>)
      } else {
      }
      %mul3A_104 = arith.constant 5 : i32
      %mul3A_105 = arith.muli %mul3A_104, %scan3A_53 : i32
      %add3A_106 = arith.constant 3 : i32
      %add3A_107 = arith.addi %mul3A_105, %add3A_106 : i32
      %dma_wait3A_108 = arith.constant 0 : i32
      %dma_wait3A_109 = tpu.memref_slice %arg5[%add3A_107, %dma_wait3A_108] : memref<80x125xi32, #tpu.memory_space<vmem>> -> memref<1x125xi32, #tpu.memory_space<vmem>>
      %dma_wait3A_110 = tpu.memref_squeeze %dma_wait3A_109 : memref<1x125xi32, #tpu.memory_space<vmem>> -> memref<125xi32, #tpu.memory_space<vmem>>
      %dma_wait3A_111 = arith.constant 0 : i32
      %dma_wait3A_112 = arith.constant 0 : i32
      %dma_wait3A_113 = tpu.memref_slice %arg3[%dma_wait3A_111, %dma_wait3A_112] : memref<10240x64xf32, #tpu.memory_space<hbm>> -> memref<10240x64xf32, #tpu.memory_space<hbm>>
      tpu.wait_indirect_dma semaphore(%arg16 : memref<!tpu.dma_semaphore, #tpu.memory_space<semaphore_mem>>) src(%dma_wait3A_113 : memref<10240x64xf32, #tpu.memory_space<hbm>>) dst(%arg10 : memref<125x64xf32, #tpu.memory_space<vmem>>)
      "tpu.region"() ({
        %run_scoped3A_139 = tpu.sem_alloc : memref<!tpu.dma_semaphore, #tpu.memory_space<semaphore_mem>>
        %dma_start3A_140 = arith.constant 0 : i32
        %dma_start3A_141 = tpu.memref_slice %arg6[%add3A_107, %dma_start3A_140] : memref<80x125xi32, #tpu.memory_space<vmem>> -> memref<1x125xi32, #tpu.memory_space<vmem>>
        %dma_start3A_142 = tpu.memref_squeeze %dma_start3A_141 : memref<1x125xi32, #tpu.memory_space<vmem>> -> memref<125xi32, #tpu.memory_space<vmem>>
        %dma_start3A_143 = arith.constant 0 : i32
        %dma_start3A_144 = arith.constant 0 : i32
        %dma_start3A_145 = tpu.memref_slice %arg12[%dma_start3A_143, %dma_start3A_144] : memref<10240x64xf32, #tpu.memory_space<vmem_shared>> -> memref<10240x64xf32, #tpu.memory_space<vmem_shared>>
        tpu.enqueue_indirect_dma source(%arg10 : memref<125x64xf32, #tpu.memory_space<vmem>>) target(%dma_start3A_145 : memref<10240x64xf32, #tpu.memory_space<vmem_shared>>) offsets(%dma_start3A_142 : memref<125xi32, #tpu.memory_space<vmem>>) semaphore(%run_scoped3A_139 : memref<!tpu.dma_semaphore, #tpu.memory_space<semaphore_mem>>) {add = true}
        %dma_wait3A_146 = arith.constant 0 : i32
        %dma_wait3A_147 = tpu.memref_slice %arg6[%add3A_107, %dma_wait3A_146] : memref<80x125xi32, #tpu.memory_space<vmem>> -> memref<1x125xi32, #tpu.memory_space<vmem>>
        %dma_wait3A_148 = tpu.memref_squeeze %dma_wait3A_147 : memref<1x125xi32, #tpu.memory_space<vmem>> -> memref<125xi32, #tpu.memory_space<vmem>>
        %dma_wait3A_149 = arith.constant 0 : i32
        %dma_wait3A_150 = arith.constant 0 : i32
        %dma_wait3A_151 = tpu.memref_slice %arg12[%dma_wait3A_149, %dma_wait3A_150] : memref<10240x64xf32, #tpu.memory_space<vmem_shared>> -> memref<10240x64xf32, #tpu.memory_space<vmem_shared>>
        tpu.wait_indirect_dma semaphore(%run_scoped3A_139 : memref<!tpu.dma_semaphore, #tpu.memory_space<semaphore_mem>>) src(%arg10 : memref<125x64xf32, #tpu.memory_space<vmem>>) dst(%dma_wait3A_151 : memref<10240x64xf32, #tpu.memory_space<vmem_shared>>)
        tpu.yield
      }) : () -> ()
      %add3A_114 = arith.constant 5 : i32
      %add3A_115 = arith.addi %add3A_107, %add3A_114 : i32
      %lt3A_116 = arith.constant 80 : i32
      %lt3A_117 = arith.cmpi slt, %add3A_115, %lt3A_116 : i32
      %convert_element_type3A_118 = arith.extui %lt3A_117 : i1 to i32
      %cond3A_119 = arith.constant 0 : i32
      %cond3A_120 = arith.cmpi ne, %convert_element_type3A_118, %cond3A_119 : i32
      scf.if %cond3A_120 {
        %add3A_139 = arith.constant 5 : i32
        %add3A_140 = arith.addi %add3A_107, %add3A_139 : i32
        %dma_start3A_141 = arith.constant 0 : i32
        %dma_start3A_142 = tpu.memref_slice %arg5[%add3A_140, %dma_start3A_141] : memref<80x125xi32, #tpu.memory_space<vmem>> -> memref<1x125xi32, #tpu.memory_space<vmem>>
        %dma_start3A_143 = tpu.memref_squeeze %dma_start3A_142 : memref<1x125xi32, #tpu.memory_space<vmem>> -> memref<125xi32, #tpu.memory_space<vmem>>
        %dma_start3A_144 = arith.constant 0 : i32
        %dma_start3A_145 = arith.constant 0 : i32
        %dma_start3A_146 = tpu.memref_slice %arg3[%dma_start3A_144, %dma_start3A_145] : memref<10240x64xf32, #tpu.memory_space<hbm>> -> memref<10240x64xf32, #tpu.memory_space<hbm>>
        tpu.enqueue_indirect_dma source(%dma_start3A_146 : memref<10240x64xf32, #tpu.memory_space<hbm>>) target(%arg10 : memref<125x64xf32, #tpu.memory_space<vmem>>) offsets(%dma_start3A_143 : memref<125xi32, #tpu.memory_space<vmem>>) semaphore(%arg16 : memref<!tpu.dma_semaphore, #tpu.memory_space<semaphore_mem>>)
      } else {
      }
      %mul3A_121 = arith.constant 5 : i32
      %mul3A_122 = arith.muli %mul3A_121, %scan3A_53 : i32
      %add3A_123 = arith.constant 4 : i32
      %add3A_124 = arith.addi %mul3A_122, %add3A_123 : i32
      %dma_wait3A_125 = arith.constant 0 : i32
      %dma_wait3A_126 = tpu.memref_slice %arg5[%add3A_124, %dma_wait3A_125] : memref<80x125xi32, #tpu.memory_space<vmem>> -> memref<1x125xi32, #tpu.memory_space<vmem>>
      %dma_wait3A_127 = tpu.memref_squeeze %dma_wait3A_126 : memref<1x125xi32, #tpu.memory_space<vmem>> -> memref<125xi32, #tpu.memory_space<vmem>>
      %dma_wait3A_128 = arith.constant 0 : i32
      %dma_wait3A_129 = arith.constant 0 : i32
      %dma_wait3A_130 = tpu.memref_slice %arg3[%dma_wait3A_128, %dma_wait3A_129] : memref<10240x64xf32, #tpu.memory_space<hbm>> -> memref<10240x64xf32, #tpu.memory_space<hbm>>
      tpu.wait_indirect_dma semaphore(%arg17 : memref<!tpu.dma_semaphore, #tpu.memory_space<semaphore_mem>>) src(%dma_wait3A_130 : memref<10240x64xf32, #tpu.memory_space<hbm>>) dst(%arg11 : memref<125x64xf32, #tpu.memory_space<vmem>>)
      "tpu.region"() ({
        %run_scoped3A_139 = tpu.sem_alloc : memref<!tpu.dma_semaphore, #tpu.memory_space<semaphore_mem>>
        %dma_start3A_140 = arith.constant 0 : i32
        %dma_start3A_141 = tpu.memref_slice %arg6[%add3A_124, %dma_start3A_140] : memref<80x125xi32, #tpu.memory_space<vmem>> -> memref<1x125xi32, #tpu.memory_space<vmem>>
        %dma_start3A_142 = tpu.memref_squeeze %dma_start3A_141 : memref<1x125xi32, #tpu.memory_space<vmem>> -> memref<125xi32, #tpu.memory_space<vmem>>
        %dma_start3A_143 = arith.constant 0 : i32
        %dma_start3A_144 = arith.constant 0 : i32
        %dma_start3A_145 = tpu.memref_slice %arg12[%dma_start3A_143, %dma_start3A_144] : memref<10240x64xf32, #tpu.memory_space<vmem_shared>> -> memref<10240x64xf32, #tpu.memory_space<vmem_shared>>
        tpu.enqueue_indirect_dma source(%arg11 : memref<125x64xf32, #tpu.memory_space<vmem>>) target(%dma_start3A_145 : memref<10240x64xf32, #tpu.memory_space<vmem_shared>>) offsets(%dma_start3A_142 : memref<125xi32, #tpu.memory_space<vmem>>) semaphore(%run_scoped3A_139 : memref<!tpu.dma_semaphore, #tpu.memory_space<semaphore_mem>>) {add = true}
        %dma_wait3A_146 = arith.constant 0 : i32
        %dma_wait3A_147 = tpu.memref_slice %arg6[%add3A_124, %dma_wait3A_146] : memref<80x125xi32, #tpu.memory_space<vmem>> -> memref<1x125xi32, #tpu.memory_space<vmem>>
        %dma_wait3A_148 = tpu.memref_squeeze %dma_wait3A_147 : memref<1x125xi32, #tpu.memory_space<vmem>> -> memref<125xi32, #tpu.memory_space<vmem>>
        %dma_wait3A_149 = arith.constant 0 : i32
        %dma_wait3A_150 = arith.constant 0 : i32
        %dma_wait3A_151 = tpu.memref_slice %arg12[%dma_wait3A_149, %dma_wait3A_150] : memref<10240x64xf32, #tpu.memory_space<vmem_shared>> -> memref<10240x64xf32, #tpu.memory_space<vmem_shared>>
        tpu.wait_indirect_dma semaphore(%run_scoped3A_139 : memref<!tpu.dma_semaphore, #tpu.memory_space<semaphore_mem>>) src(%arg11 : memref<125x64xf32, #tpu.memory_space<vmem>>) dst(%dma_wait3A_151 : memref<10240x64xf32, #tpu.memory_space<vmem_shared>>)
        tpu.yield
      }) : () -> ()
      %add3A_131 = arith.constant 5 : i32
      %add3A_132 = arith.addi %add3A_124, %add3A_131 : i32
      %lt3A_133 = arith.constant 80 : i32
      %lt3A_134 = arith.cmpi slt, %add3A_132, %lt3A_133 : i32
      %convert_element_type3A_135 = arith.extui %lt3A_134 : i1 to i32
      %cond3A_136 = arith.constant 0 : i32
      %cond3A_137 = arith.cmpi ne, %convert_element_type3A_135, %cond3A_136 : i32
      scf.if %cond3A_137 {
        %add3A_139 = arith.constant 5 : i32
        %add3A_140 = arith.addi %add3A_124, %add3A_139 : i32
        %dma_start3A_141 = arith.constant 0 : i32
        %dma_start3A_142 = tpu.memref_slice %arg5[%add3A_140, %dma_start3A_141] : memref<80x125xi32, #tpu.memory_space<vmem>> -> memref<1x125xi32, #tpu.memory_space<vmem>>
        %dma_start3A_143 = tpu.memref_squeeze %dma_start3A_142 : memref<1x125xi32, #tpu.memory_space<vmem>> -> memref<125xi32, #tpu.memory_space<vmem>>
        %dma_start3A_144 = arith.constant 0 : i32
        %dma_start3A_145 = arith.constant 0 : i32
        %dma_start3A_146 = tpu.memref_slice %arg3[%dma_start3A_144, %dma_start3A_145] : memref<10240x64xf32, #tpu.memory_space<hbm>> -> memref<10240x64xf32, #tpu.memory_space<hbm>>
        tpu.enqueue_indirect_dma source(%dma_start3A_146 : memref<10240x64xf32, #tpu.memory_space<hbm>>) target(%arg11 : memref<125x64xf32, #tpu.memory_space<vmem>>) offsets(%dma_start3A_143 : memref<125xi32, #tpu.memory_space<vmem>>) semaphore(%arg17 : memref<!tpu.dma_semaphore, #tpu.memory_space<semaphore_mem>>)
      } else {
      }
      %scan3A_138 = arith.constant 0 : i32
      scf.yield %scan3A_138 : i32
    }
    %scan3A_47 = arith.constant 16 : i32
    %barrier3A_48 = arith.constant 0 : index
    tpu.barrier barrier_id(%barrier3A_48)
    %mul3A_49 = arith.constant 640 : i32
    %mul3A_50 = arith.muli %arg1, %mul3A_49 : i32
    %mul3A_51 = arith.constant 640 : i32
    %mul3A_52 = arith.muli %arg1, %mul3A_51 : i32
    "tpu.region"() ({
      %run_scoped3A_53 = tpu.sem_alloc : memref<!tpu.dma_semaphore, #tpu.memory_space<semaphore_mem>>
      %dma_start3A_54 = arith.constant 0 : i32
      %dma_start3A_55 = tpu.memref_slice %arg4[%arg0, %mul3A_52, %dma_start3A_54] : memref<2x10240x64xf32, #tpu.memory_space<hbm>> -> memref<1x640x64xf32, #tpu.memory_space<hbm>>
      %dma_start3A_56 = tpu.memref_squeeze %dma_start3A_55 : memref<1x640x64xf32, #tpu.memory_space<hbm>> -> memref<640x64xf32, #tpu.memory_space<hbm>>
      %dma_start3A_57 = arith.constant 0 : i32
      %dma_start3A_58 = tpu.memref_slice %arg12[%mul3A_50, %dma_start3A_57] : memref<10240x64xf32, #tpu.memory_space<vmem_shared>> -> memref<640x64xf32, #tpu.memory_space<vmem_shared>>
      tpu.enqueue_dma source(%dma_start3A_58 : memref<640x64xf32, #tpu.memory_space<vmem_shared>>) target(%dma_start3A_56 : memref<640x64xf32, #tpu.memory_space<hbm>>) target_semaphore(%run_scoped3A_53 : memref<!tpu.dma_semaphore, #tpu.memory_space<semaphore_mem>>)
      %dma_wait3A = arith.constant 0 : i32
      %dma_wait3A_59 = tpu.memref_slice %arg4[%arg0, %mul3A_52, %dma_wait3A] : memref<2x10240x64xf32, #tpu.memory_space<hbm>> -> memref<1x640x64xf32, #tpu.memory_space<hbm>>
      %dma_wait3A_60 = tpu.memref_squeeze %dma_wait3A_59 : memref<1x640x64xf32, #tpu.memory_space<hbm>> -> memref<640x64xf32, #tpu.memory_space<hbm>>
      %dma_wait3A_61 = arith.constant 0 : i32
      %dma_wait3A_62 = tpu.memref_slice %arg12[%mul3A_50, %dma_wait3A_61] : memref<10240x64xf32, #tpu.memory_space<vmem_shared>> -> memref<640x64xf32, #tpu.memory_space<vmem_shared>>
      tpu.wait_dma2 semaphore(%run_scoped3A_53 : memref<!tpu.dma_semaphore, #tpu.memory_space<semaphore_mem>>) src(%dma_wait3A_62 : memref<640x64xf32, #tpu.memory_space<vmem_shared>>) dst(%dma_wait3A_60 : memref<640x64xf32, #tpu.memory_space<hbm>>)
      tpu.yield
    }) : () -> ()
    return
  }
}

module attributes {stable_mosaic.version = 14 : i64} {
  func.func @_transform_body(%arg0: i32, %arg1: memref<2x1280xf32, #tpu.memory_space<vmem>>, %arg2: memref<1280x128xf32, #tpu.memory_space<vmem>>, %arg3: memref<128x128xf32, #tpu.memory_space<vmem>>, %arg4: memref<1280x64xf32, #tpu.memory_space<vmem>>, %arg5: memref<1280x64xf32, #tpu.memory_space<vmem>>) attributes {dimension_semantics = [#tpu.dimension_semantics<arbitrary>], iteration_bounds = array<i64: 8>, scalar_prefetch = 0 : i64, scratch_operands = 0 : i64, tpu.core_type = #tpu.core_type<tc>, window_params = [{transform_indices = @transform_0, window_bounds = array<i64: 2, 1280>}, {transform_indices = @transform_1, window_bounds = array<i64: 1280, 128>}, {pipeline_mode = #tpu.pipeline_mode<synchronous>, transform_indices = @transform_2, window_bounds = array<i64: 128, 128>}, {transform_indices = @transform_3, window_bounds = array<i64: 1280, 64>}, {transform_indices = @transform_4, window_bounds = array<i64: 1280, 64>}]} {
    %get3A = arith.constant 0 : index
    %get3A_0 = arith.constant 0 : index
    %get3A_1 = vector.load %arg1[%get3A, %get3A_0] : memref<2x1280xf32, #tpu.memory_space<vmem>>, vector<1x1280xf32>
    %get3A_2 = vector.shape_cast %get3A_1 : vector<1x1280xf32> to vector<1280xf32>
    %get3A_3 = arith.constant 1 : index
    %get3A_4 = arith.constant 0 : index
    %get3A_5 = vector.load %arg1[%get3A_3, %get3A_4] : memref<2x1280xf32, #tpu.memory_space<vmem>>, vector<1x1280xf32>
    %get3A_6 = vector.shape_cast %get3A_5 : vector<1x1280xf32> to vector<1280xf32>
    %add3A = arith.addf %get3A_2, %get3A_6 : vector<1280xf32>
    %add3A_7 = arith.constant 1.000000e+00 : f32
    %add3A_8 = vector.broadcast %add3A_7 : f32 to vector<1280xf32>
    %add3A_9 = arith.addf %add3A, %add3A_8 : vector<1280xf32>
    %rsqrt3A = math.rsqrt %add3A_9 : vector<1280xf32>
    %get3A_10 = arith.constant 0 : index
    %get3A_11 = arith.constant 0 : index
    %get3A_12 = vector.load %arg2[%get3A_10, %get3A_11] : memref<1280x128xf32, #tpu.memory_space<vmem>>, vector<1280x128xf32>
    %get3A_13 = arith.constant 0 : index
    %get3A_14 = arith.constant 0 : index
    %get3A_15 = vector.load %arg3[%get3A_13, %get3A_14] : memref<128x128xf32, #tpu.memory_space<vmem>>, vector<128x128xf32>
    %dot_general3A = arith.constant dense<0.000000e+00> : vector<1280x128xf32>
    %dot_general3A_16 = tpu.matmul %get3A_12, %get3A_15, %dot_general3A {dimension_numbers = #tpu.dot_dimension_numbers<[1], [0], [0], [1], [0, 0, 1, 1], [], []>, transpose_lhs_hint = false} : vector<1280x128xf32>, vector<128x128xf32>, vector<1280x128xf32> -> vector<1280x128xf32>
    %broadcast_in_dim3A = vector.shape_cast %rsqrt3A : vector<1280xf32> to vector<1280x1xf32>
    %mul3A = vector.broadcast %broadcast_in_dim3A : vector<1280x1xf32> to vector<1280x128xf32>
    %mul3A_17 = arith.mulf %dot_general3A_16, %mul3A : vector<1280x128xf32>
    %slice3A = vector.extract_strided_slice %mul3A_17 {offsets = [0, 0], sizes = [1280, 64], strides = [1, 1]} : vector<1280x128xf32> to vector<1280x64xf32>
    %swap3A = arith.constant 0 : index
    %swap3A_18 = arith.constant 0 : index
    %swap3A_19 = vector.load %arg4[%swap3A, %swap3A_18] : memref<1280x64xf32, #tpu.memory_space<vmem>>, vector<1280x64xf32>
    tpu.vector_store %arg4[%swap3A, %swap3A_18], %slice3A {strides = array<i32>} : memref<1280x64xf32, #tpu.memory_space<vmem>>, vector<1280x64xf32>,
    %slice3A_20 = vector.extract_strided_slice %mul3A_17 {offsets = [0, 64], sizes = [1280, 64], strides = [1, 1]} : vector<1280x128xf32> to vector<1280x64xf32>
    %swap3A_21 = arith.constant 0 : index
    %swap3A_22 = arith.constant 0 : index
    %swap3A_23 = vector.load %arg5[%swap3A_21, %swap3A_22] : memref<1280x64xf32, #tpu.memory_space<vmem>>, vector<1280x64xf32>
    tpu.vector_store %arg5[%swap3A_21, %swap3A_22], %slice3A_20 {strides = array<i32>} : memref<1280x64xf32, #tpu.memory_space<vmem>>, vector<1280x64xf32>,
    return
  }
  func.func @transform_0(%arg0: i32) -> (i32, i32) {
    %c0_i32 = arith.constant 0 : i32
    %c0_i32_0 = arith.constant 0 : i32
    return %c0_i32, %arg0 : i32, i32
  }
  func.func @transform_1(%arg0: i32) -> (i32, i32) {
    %c0_i32 = arith.constant 0 : i32
    %c0_i32_0 = arith.constant 0 : i32
    return %arg0, %c0_i32 : i32, i32
  }
  func.func @transform_2(%arg0: i32) -> (i32, i32) {
    %c0_i32 = arith.constant 0 : i32
    %c0_i32_0 = arith.constant 0 : i32
    %c0_i32_1 = arith.constant 0 : i32
    return %c0_i32, %c0_i32_0 : i32, i32
  }
  func.func @transform_3(%arg0: i32) -> (i32, i32) {
    %c0_i32 = arith.constant 0 : i32
    %c0_i32_0 = arith.constant 0 : i32
    return %arg0, %c0_i32 : i32, i32
  }
  func.func @transform_4(%arg0: i32) -> (i32, i32) {
    %c0_i32 = arith.constant 0 : i32
    %c0_i32_0 = arith.constant 0 : i32
    return %arg0, %c0_i32 : i32, i32
  }
}

module attributes {stable_mosaic.version = 14 : i64} {
  func.func @_final_body(%arg0: i32, %arg1: memref<2x1280xf32, #tpu.memory_space<vmem>>, %arg2: memref<2x1280x64xf32, #tpu.memory_space<vmem>>, %arg3: memref<2x1280x64xf32, #tpu.memory_space<vmem>>, %arg4: memref<1x128xf32, #tpu.memory_space<vmem>>, %arg5: memref<1280x128xf32, #tpu.memory_space<vmem>>) attributes {dimension_semantics = [#tpu.dimension_semantics<arbitrary>], iteration_bounds = array<i64: 8>, scalar_prefetch = 0 : i64, scratch_operands = 0 : i64, tpu.core_type = #tpu.core_type<tc>, window_params = [{transform_indices = @transform_0, window_bounds = array<i64: 2, 1280>}, {transform_indices = @transform_1, window_bounds = array<i64: 2, 1280, 64>}, {transform_indices = @transform_2, window_bounds = array<i64: 2, 1280, 64>}, {pipeline_mode = #tpu.pipeline_mode<synchronous>, transform_indices = @transform_3, window_bounds = array<i64: 1, 128>}, {transform_indices = @transform_4, window_bounds = array<i64: 1280, 128>}]} {
    %get3A = arith.constant 0 : index
    %get3A_0 = arith.constant 0 : index
    %get3A_1 = vector.load %arg1[%get3A, %get3A_0] : memref<2x1280xf32, #tpu.memory_space<vmem>>, vector<1x1280xf32>
    %get3A_2 = vector.shape_cast %get3A_1 : vector<1x1280xf32> to vector<1280xf32>
    %get3A_3 = arith.constant 1 : index
    %get3A_4 = arith.constant 0 : index
    %get3A_5 = vector.load %arg1[%get3A_3, %get3A_4] : memref<2x1280xf32, #tpu.memory_space<vmem>>, vector<1x1280xf32>
    %get3A_6 = vector.shape_cast %get3A_5 : vector<1x1280xf32> to vector<1280xf32>
    %add3A = arith.addf %get3A_2, %get3A_6 : vector<1280xf32>
    %add3A_7 = arith.constant 1.000000e+00 : f32
    %add3A_8 = vector.broadcast %add3A_7 : f32 to vector<1280xf32>
    %add3A_9 = arith.addf %add3A, %add3A_8 : vector<1280xf32>
    %rsqrt3A = math.rsqrt %add3A_9 : vector<1280xf32>
    %get3A_10 = arith.constant 0 : index
    %get3A_11 = arith.constant 0 : index
    %get3A_12 = arith.constant 0 : index
    %get3A_13 = vector.load %arg2[%get3A_10, %get3A_11, %get3A_12] : memref<2x1280x64xf32, #tpu.memory_space<vmem>>, vector<1x1280x64xf32>
    %get3A_14 = vector.shape_cast %get3A_13 : vector<1x1280x64xf32> to vector<1280x64xf32>
    %get3A_15 = arith.constant 1 : index
    %get3A_16 = arith.constant 0 : index
    %get3A_17 = arith.constant 0 : index
    %get3A_18 = vector.load %arg2[%get3A_15, %get3A_16, %get3A_17] : memref<2x1280x64xf32, #tpu.memory_space<vmem>>, vector<1x1280x64xf32>
    %get3A_19 = vector.shape_cast %get3A_18 : vector<1x1280x64xf32> to vector<1280x64xf32>
    %add3A_20 = arith.addf %get3A_14, %get3A_19 : vector<1280x64xf32>
    %get3A_21 = arith.constant 0 : index
    %get3A_22 = arith.constant 0 : index
    %get3A_23 = arith.constant 0 : index
    %get3A_24 = vector.load %arg3[%get3A_21, %get3A_22, %get3A_23] : memref<2x1280x64xf32, #tpu.memory_space<vmem>>, vector<1x1280x64xf32>
    %get3A_25 = vector.shape_cast %get3A_24 : vector<1x1280x64xf32> to vector<1280x64xf32>
    %get3A_26 = arith.constant 1 : index
    %get3A_27 = arith.constant 0 : index
    %get3A_28 = arith.constant 0 : index
    %get3A_29 = vector.load %arg3[%get3A_26, %get3A_27, %get3A_28] : memref<2x1280x64xf32, #tpu.memory_space<vmem>>, vector<1x1280x64xf32>
    %get3A_30 = vector.shape_cast %get3A_29 : vector<1x1280x64xf32> to vector<1280x64xf32>
    %add3A_31 = arith.addf %get3A_25, %get3A_30 : vector<1280x64xf32>
    %concatenate3A = tpu.concatenate %add3A_20, %add3A_31 in 1 : vector<1280x64xf32>, vector<1280x64xf32> -> vector<1280x128xf32>
    %broadcast_in_dim3A = vector.shape_cast %rsqrt3A : vector<1280xf32> to vector<1280x1xf32>
    %mul3A = vector.broadcast %broadcast_in_dim3A : vector<1280x1xf32> to vector<1280x128xf32>
    %mul3A_32 = arith.mulf %concatenate3A, %mul3A : vector<1280x128xf32>
    %get3A_33 = arith.constant 0 : index
    %get3A_34 = arith.constant 0 : index
    %get3A_35 = vector.load %arg4[%get3A_33, %get3A_34] : memref<1x128xf32, #tpu.memory_space<vmem>>, vector<1x128xf32>
    %add3A_36 = vector.broadcast %get3A_35 : vector<1x128xf32> to vector<1280x128xf32>
    %add3A_37 = arith.addf %mul3A_32, %add3A_36 : vector<1280x128xf32>
    %max3A = arith.constant 0.000000e+00 : f32
    %max3A_38 = vector.broadcast %max3A : f32 to vector<1280x128xf32>
    %max3A_39 = arith.maximumf %add3A_37, %max3A_38 : vector<1280x128xf32>
    %swap3A = arith.constant 0 : index
    %swap3A_40 = arith.constant 0 : index
    %swap3A_41 = vector.load %arg5[%swap3A, %swap3A_40] : memref<1280x128xf32, #tpu.memory_space<vmem>>, vector<1280x128xf32>
    tpu.vector_store %arg5[%swap3A, %swap3A_40], %max3A_39 {strides = array<i32>} : memref<1280x128xf32, #tpu.memory_space<vmem>>, vector<1280x128xf32>,
    return
  }
  func.func @transform_0(%arg0: i32) -> (i32, i32) {
    %c0_i32 = arith.constant 0 : i32
    %c0_i32_0 = arith.constant 0 : i32
    return %c0_i32, %arg0 : i32, i32
  }
  func.func @transform_1(%arg0: i32) -> (i32, i32, i32) {
    %c0_i32 = arith.constant 0 : i32
    %c0_i32_0 = arith.constant 0 : i32
    %c0_i32_1 = arith.constant 0 : i32
    return %c0_i32, %arg0, %c0_i32_0 : i32, i32, i32
  }
  func.func @transform_2(%arg0: i32) -> (i32, i32, i32) {
    %c0_i32 = arith.constant 0 : i32
    %c0_i32_0 = arith.constant 0 : i32
    %c0_i32_1 = arith.constant 0 : i32
    return %c0_i32, %arg0, %c0_i32_0 : i32, i32, i32
  }
  func.func @transform_3(%arg0: i32) -> (i32, i32) {
    %c0_i32 = arith.constant 0 : i32
    %c0_i32_0 = arith.constant 0 : i32
    %c0_i32_1 = arith.constant 0 : i32
    return %c0_i32, %c0_i32_0 : i32, i32
  }
  func.func @transform_4(%arg0: i32) -> (i32, i32) {
    %c0_i32 = arith.constant 0 : i32
    %c0_i32_0 = arith.constant 0 : i32
    return %arg0, %c0_i32 : i32, i32
  }
}

</mosaic_0001>

<sc_bundles>
// kernel: kernel.10.cloned.1.call-start
scs
__scs_entry_jumppad:
0x0: {  	(pc) =	sbr.rel $0x88, $3  }
0x1: {  	(tag) =	ssettag $0x0;
	lr =	simm.s32 $0x1  }
0x2: {  	[smem:$0x3F9D] =	sst lr;
	_ =	strace $0xD0000000  }
0x3: {  	_ = 	snop  }
0x4: {  	_ = 	snop  }
0x5: {  	_ = 	snop  }
0x6: {  	_ = 	snop  }
0x7: {  	_ = 	snop  }
__scs_overlays_trampoline_lowered:
0x8: {  	[smem:$0x3FAC] =	sst s0  }
0x9: {  	[smem:$0x3FAD] =	sst s1  }
0xa: {  	[smem:$0x3FAE] =	sst s2  }
0xb: {  	[smem:$0x3FAF] =	sst s3  }
0xc: {  	[smem:$0x3FB0] =	sst s4  }
0xd: {  	[smem:$0x3FB1] =	sst s5  }
0xe: {  	[smem:$0x3FB2] =	sst s6  }
0xf: {  	[smem:$0x3FB3] =	sst s7  }
0x10: {  	[smem:$0x3FB4] =	sst s8  }
0x11: {  	[smem:$0x3FB5] =	sst s9;
	s0 =	simm.s32 @!p0 $0x0  }
0x12: {  	s1 =	sld [smem:$0x3F9B];
	s0 =	simm.s32 @p0 $0x1  }
0x13: {  	[smem:$0x3FB6] =	sst s0;
	s0 =	simm.s32 @!p1 $0x0  }
0x14: {  	s2 =	sld [smem:$0x3F9A];
	s0 =	simm.s32 @p1 $0x1  }
0x15: {  	[smem:$0x3FB7] =	sst s0;
	s0 =	simm.s32 @!p2 $0x0  }
0x16: {  	s3 =	sld [smem:$0x3FDB];
	s0 =	simm.s32 @p2 $0x1  }
0x17: {  	s4 =	simm.s32 $0x1BF5;
	[smem:$0x3FB9] =	sst s0  }
0x18: {  	s0 =	sld [smem:$0x3F9C];
	_ =	swait.ge [sflag:s4], $0x0  }
0x19: {  	s7 =	sld [smem:$0x3F9D]  }
0x1a: {  	s8 =	sadd.s32 $0xFFFFE003, lr  }
0x1b: {  	s9 =	sadd.s32 $0xFFFFFEF7, lr;
	s5 =	simm.s32 $0xFFFFFFFF;
	p2 =	slt.u32 s8, $0xFFFFF086  }
0x1c: {  	p1 =	slt.u32 s9, $0xF7A;
	s5 =	simm.s32 @!p2 $0x0  }
0x1d: {  	s5 =	simm.s32 @p1 $0x1;
	p0 =	seq.s32 s7, s2  }
0x1e: {  	s7 =	smul.u32 @!p0 $0xF7A, s2;
	p2 =	seq.s32 @!p0 s5, $0x0  }
0x1f: {  	s9 =	smul.u32 $0xF7A, s1;
	s8 =	simm.s32 @!p0 $0x1BF5;
	p2 =	por !p2, p0  }
0x20: {  	[sflag:s8] =	ssyncset.s32 @!p0 $0xFFFFF086;
	s6 =	sadd.s32 @!p0 s3, s7;
	s7 =	simm.s32 @!p0 $0x108  }
0x21: {  	s3 =	sadd.s32 s3, s9;
	s6 =	sadd.s32 @!p0 $0x88, s6;
	s7 =	simm.s32 @p2 $0x1082  }
0x22: {  	[simem:s7], [sflag:s8] =	dma.local @!p0 [hbm:s6], $0xF7A  }
0x23: {  	s9 =	sor.u32 $0xD0000000, s2;
	s6 =	simm.s32 $0x108;
	_ =	swait.ge @!p0 [sflag:s8], $0x0  }
0x24: {  	s3 =	sadd.s32 $0x88, s3;
	s6 =	simm.s32 @!p1 $0x1082;
	[sflag:s4] =	ssyncset.s32 $0xFFFFF086  }
0x25: {  	[simem:s6], [sflag:s4] =	dma.local [hbm:s3], $0xF7A  }
0x26: {  	[smem:$0x3F9D] =	sst s1;
	(tag) =	ssettag s2;
	_ =	strace s9  }
0x27: {  	s1 =	sld [smem:$0x3FAD]  }
0x28: {  	s2 =	sld [smem:$0x3FAE]  }
0x29: {  	s4 =	sld [smem:$0x3FB0]  }
0x2a: {  	p0 =	seq.s32 s5, $0x0;
	s5 =	sld [smem:$0x3FB1]  }
0x2b: {  	s6 =	sld [smem:$0x3FB2]  }
0x2c: {  	s7 =	sld [smem:$0x3FB3]  }
0x2d: {  	s3 =	simm.s32 $0x108;
	s8 =	sld [smem:$0x3FB4]  }
0x2e: {  	s3 =	simm.s32 @!p0 $0x1082;
	s9 =	sld [smem:$0x3FB5]  }
0x2f: {  	lr =	sadd.s32 s0, s3;
	s0 =	sld [smem:$0x3FAC]  }
0x30: {  	s3 =	sld [smem:$0x3FAF]  }
0x31: {  	[smem:$0x3FB8] =	sst s10  }
0x32: {  	s10 =	sld [smem:$0x3FB6];
	_ =	sdelay $0x3  }
0x33: {  	p0 =	seq.s32 s10, $0x1;
	s10 =	sld [smem:$0x3FB8];
	_ =	sdelay $0x3  }
0x34: {  	[smem:$0x3FB8] =	sst s10  }
0x35: {  	s10 =	sld [smem:$0x3FB7];
	_ =	sdelay $0x3  }
0x36: {  	p1 =	seq.s32 s10, $0x1;
	s10 =	sld [smem:$0x3FB8];
	_ =	sdelay $0x3  }
0x37: {  	[smem:$0x3FB8] =	sst s10  }
0x38: {  	s10 =	sld [smem:$0x3FB9]  }
0x39: {  	_ = 	snop;
	(pc) =	sbr.ind lr, $3  }
0x3a: {  	_ = 	snop  }
0x3b: {  	_ = 	snop  }
0x3c: {  	p2 =	seq.s32 s10, $0x1;
	s10 =	sld [smem:$0x3FB8]  }
0x3d: {  	_ =	shalt  }
0x3e: {  	_ =	shalt  }
0x3f: {  	_ =	shalt  }
0x40: {  	_ =	shalt  }
0x41: {  	_ =	shalt  }
0x42: {  	_ =	shalt  }
0x43: {  	_ =	shalt  }
0x44: {  	_ =	shalt  }
0x45: {  	_ =	shalt  }
0x46: {  	_ =	shalt  }
0x47: {  	_ =	shalt  }
0x48: {  	_ =	shalt  }
0x49: {  	_ =	shalt  }
0x4a: {  	_ =	shalt  }
0x4b: {  	_ =	shalt  }
0x4c: {  	_ =	shalt  }
0x4d: {  	_ =	shalt  }
0x4e: {  	_ =	shalt  }
0x4f: {  	_ =	shalt  }
0x50: {  	_ =	shalt  }
0x51: {  	_ =	shalt  }
0x52: {  	_ =	shalt  }
0x53: {  	_ =	shalt  }
0x54: {  	_ =	shalt  }
0x55: {  	_ =	shalt  }
0x56: {  	_ =	shalt  }
0x57: {  	_ =	shalt  }
0x58: {  	_ =	shalt  }
0x59: {  	_ =	shalt  }
0x5a: {  	_ =	shalt  }
0x5b: {  	_ =	shalt  }
0x5c: {  	_ =	shalt  }
0x5d: {  	_ =	shalt  }
0x5e: {  	_ =	shalt  }
0x5f: {  	_ =	shalt  }
0x60: {  	_ =	shalt  }
0x61: {  	_ =	shalt  }
0x62: {  	_ =	shalt  }
0x63: {  	_ =	shalt  }
0x64: {  	_ =	shalt  }
0x65: {  	_ =	shalt  }
0x66: {  	_ =	shalt  }
0x67: {  	_ =	shalt  }
0x68: {  	_ =	shalt  }
0x69: {  	_ =	shalt  }
0x6a: {  	_ =	shalt  }
0x6b: {  	_ =	shalt  }
0x6c: {  	_ =	shalt  }
0x6d: {  	_ =	shalt  }
0x6e: {  	_ =	shalt  }
0x6f: {  	_ =	shalt  }
0x70: {  	_ =	shalt  }
0x71: {  	_ =	shalt  }
0x72: {  	_ =	shalt  }
0x73: {  	_ =	shalt  }
0x74: {  	_ =	shalt  }
0x75: {  	_ =	shalt  }
0x76: {  	_ =	shalt  }
0x77: {  	_ =	shalt  }
0x78: {  	_ =	shalt  }
0x79: {  	_ =	shalt  }
0x7a: {  	_ =	shalt  }
0x7b: {  	_ =	shalt  }
0x7c: {  	_ =	shalt  }
0x7d: {  	_ =	shalt  }
0x7e: {  	_ =	shalt  }
0x7f: {  	_ =	shalt  }
0x80: {  	_ =	shalt  }
0x81: {  	_ =	shalt  }
0x82: {  	_ =	shalt  }
0x83: {  	_ =	shalt  }
0x84: {  	_ =	shalt  }
0x85: {  	_ =	shalt  }
0x86: {  	_ =	shalt  }
0x87: {  	_ =	shalt  }
.Lfunc_end0:
.L_simem_size_0:
called_computation.1_lowered:
.L_overlay_start_0:
0x88: {  	s2 =	sld [smem:$0x3FD9]  }
0x89: {  	s3 =	sld [smem:$0x3FFE];
	_ =	sdelay $0x1  }
0x8a: {  	s1 =	srdreg.scid  }
0x8b: {  	s0 =	sand.u32 $0x1, s1  }
0x8c: {  	s17 =	sshll.u32 s0, $0xA;
	s2 =	sadd.s32 s3, s2  }
0x8d: {  	s2 =	sadd.s32 s2, s17  }
0x8e: {  	[smem:$0x3FC4] =	sst s2  }
0x8f: {  	_ = 	snop  }
0x90: {  	s18 =	sld [smem:$0x3FD0];
	(tm) =	ssettm $0x1  }
0x91: {  	s19 =	sld [smem:$0x3FFB];
	_ =	sdelay $0x3  }
0x92: {  	_ =	strace s19  }
0x93: {  	s2 =	sld [smem:$0x3FFC];
	_ =	sdelay $0x3  }
0x94: {  	_ =	strace s2  }
0x95: {  	s2 =	sld [smem:$0x3FFD];
	_ =	sdelay $0x3  }
0x96: {  	_ =	strace s2  }
0x97: {  	_ =	strace $0x8FFFFFFF  }
0x98: {  	s20 =	sld [smem:$0x3FDB];
	_ =	sdelay $0x1  }
0x99: {  	s4 =	simm.s32 $_scs_section_size  }
0x9a: {  	s5 =	simm.s32 $_size__tile_overlayer_lowered;
	s6 =	simm.s32 $_tile_overlayer_lowered  }
0x9b: {  	s7 =	simm.s32 $0x1BFF;
	s21 =	sshll.u32 s6, $0x1;
	s4 =	sadd.s32 s4, s20  }
0x9c: {  	s22 =	simm.s32 $0x0;
	s5 =	sshll.u32 s5, $0x1;
	s6 =	sadd.s32 s21, s4  }
0x9d: {  	[timem:s22], [sflag:s7] =	dma.local [hbm:s6], s5  }
0x9e: {  	_ =	swait.ge [sflag:s7], s5  }
0x9f: {  	s5 =	ssub.s32 $0x0, s5;
	[sflag:s7] =	ssyncset.done $0x0  }
0xa0: {  	[sflag:s7] =	ssyncadd.s32 s5;
	_ =	sdelay $0x1  }
0xa1: {  	s23 =	simm.s32 $0x1B8B  }
0xa2: {  	_ =	swait.ge [sflag:s23], $0x1  }
0xa3: {  	[sflag:s23] =	ssyncset.done $0x0  }
0xa4: {  	[sflag:s23] =	ssyncadd.s32 $0xFFFFFFFF  }
0xa5: {  	s5 =	sld [smem:$0x0]  }
0xa6: {  	s6 =	sand.u32 $0xFFFFFFFE, s1  }
0xa7: {  	p0 =	sne.s32 s1, s6  }
0xa8: {  	s6 =	sshll.u32 @p0 s6, $0xE  }
0xa9: {  	s6 =	sadd.s32 @p0 $0x11B8D, s6;
	s7 =	sshll.u32 @p0 s5, $0x11  }
0xaa: {  	s6 =	sor.u32 @p0 s7, s6  }
0xab: {  	[sflag:s6] =	ssyncadd.remote.s32 @p0 $0x1;
	_ =	sdelay $0x1  }
0xac: {  	s6 =	simm.s32 @p0 $0x1B8D  }
0xad: {  	_ =	swait.eq @p0 [sflag:s6], $0x1  }
0xae: {  	[sflag:s6] =	ssyncadd.s32 @p0 $0xFFFFFFFF  }
0xaf: {  	s7 =	sshll.u32 @!p0 s1, $0xE  }
0xb0: {  	s7 =	sor.u32 @!p0 $0x4000, s7;
	s6 =	simm.s32 @!p0 $0x1B8D  }
0xb1: {  	s5 =	sshll.u32 @!p0 s5, $0x11;
	s7 =	sadd.s32 @!p0 $0x11B8D, s7;
	_ =	swait.eq @!p0 [sflag:s6], $0x1  }
0xb2: {  	s5 =	sor.u32 @!p0 s5, s7;
	[sflag:s6] =	ssyncadd.s32 @!p0 $0xFFFFFFFF  }
0xb3: {  	s25 =	simm.s32 $0x1B8E;
	s24 =	sld [smem:$0x3FFE];
	[sflag:s5] =	ssyncadd.remote.s32 @!p0 $0x1  }
0xb4: {  	s26 =	simm.s32 $execute0_lowered;
	[smem:$0x3FD2] =	sst s25  }
0xb5: {  	s6 =	sshll.u32 s26, $0x1;
	_ =	strace $0x8000004C;
	[dreg:$0x1] =	wrdreg $0xFFFFFFFF  }
0xb6: {  	s28 =	simm.s32 $_size_execute0_lowered;
	s4 =	sadd.s32 s4, s6;
	[dreg:$0x0] =	wrdreg $0x0  }
0xb7: {  	s6 =	sshll.u32 s28, $0x1;
	[dreg:$0x2] =	wrdreg s4  }
0xb8: {  	[dreg:$0x3] =	wrdreg s6  }
0xb9: {  	[dreg:$0x4] =	wrdreg $0xC0  }
0xba: {  	_ =	task [dreg:s22], $0x5FFFF  }
0xbb: {  	[dreg:$0x1] =	wrdreg $0xFFFFFFFF  }
0xbc: {  	[dreg:$0x0] =	wrdreg $0x60  }
0xbd: {  	[dreg:$0x2] =	wrdreg s18  }
0xbe: {  	[dreg:$0x3] =	wrdreg s24  }
0xbf: {  	[dreg:$0x4] =	wrdreg $0xEC400  }
0xc0: {  	[dreg:$0x5] =	wrdreg $0x9  }
0xc1: {  	_ =	task.clear_ibuf [dreg:s22], $0x6FFFF;
	_ =	strace $0x9000004C  }
0xc2: {  	s29 =	simm.s32 $0x9;
	_ =	strace $0x8000004E  }
0xc3: {  	_ =	swait.ge [sflag:s29], $0x1  }
0xc4: {  	[sflag:s29] =	ssyncadd.s32 $0xFFFFFFFF  }
0xc5: {  	_ =	strace $0x9000004E  }
0xc6: {  	_ =	sfence  }
0xc7: {  	s30 =	sld [smem:$0x0];
	_ =	sdelay $0x2  }
0xc8: {  	s31 =	sshll.u32 s1, $0xD;
	s1 =	sshrl.u32 s1, $0x2  }
0xc9: {  	s4 =	sand.u32 $0x4000, s31;
	s1 =	sadd.s32 s1, s30  }
0xca: {  	s0 =	sor.u32 s4, s0;
	s1 =	sshll.u32 s1, $0x11  }
0xcb: {  	s0 =	sor.u32 s1, s0  }
0xcc: {  	s0 =	sadd.s32 $0x8F2B, s0  }
0xcd: {  	[sflag:s0] =	ssyncadd.remote.s32 $0x1  }
0xce: {  	_ =	sfence.sel $0xFFFF  }
0xcf: {  	[dreg:$0x0] =	wrdreg $0xFFFFFFFF;
	(pc) =	sbr.abs _section_cstart, $3  }
0xd0: {  	[dreg:$0x1] =	wrdreg $0xFFFFFFFF  }
0xd1: {  	_ =	task.clear_ibuf [dreg:s22], $0x2FFFF;
	_ =	strace $0x9FFFFFFF  }
0xd2: {  	(tm) =	ssettm $0x7FFFFFFF  }
0xd3: {  	_ =	shalt  }
tec
execute0_lowered:
.L_overlay_start_1:
0x0: {  	(tag) =	ssettag $0x1  }
0x1: {  	s0 =	rddreg [dreg:$0x0]  }
0x2: {  	s1 =	srdreg.scid;
	s5 =	rddreg [dreg:$0x1]  }
0x3: {  	s11 =	stileid.u32;
	s2 =	rddreg [dreg:$0x2]  }
0x4: {  	s29 =	simm.s32 $0x2800;
	s28 =	simm.s32 $0xADC0;
	s30 =	simm.s32 $0xCD00  }
0x5: {  	s31 =	simm.s32 $0x1;
	s12 =	simm.s32 $0x4F00;
	s13 =	simm.s32 $0x4F80  }
0x6: {  	s1 =	sand.u32 $0x1, s1;
	s8 =	smul.u32 $0xA000, s11;
	s3 =	sshll.u32 s11, $0x1  }
0x7: {  	s9 =	smul.u32 $0x28000, s11;
	s26 =	sshll.u32 s11, $0x6;
	s11 =	simm.s32 $0x4E00  }
0x8: {  	s4 =	smul.u32 $0xA0000, s1;
	s6 =	sor.u32 s1, s3;
	s3 =	simm.s32 $0x0  }
0x9: {  	s15 =	ssub.s32 $0x2, s1;
	p0 =	sne.s32 s1, $0x0;
	s1 =	simm.s32 $0x2  }
0xa: {  	s6 =	smul.u32 $0x2800, s6;
	[smem:$0x7FF] =	sst s3;
	s17 =	sshrl.u32 s9, $0x2  }
0xb: {  	s18 =	sshrl.u32 s15, $0x1;
	s25 =	sadd.s32 s8, s2;
	s9 =	simm.s32 $0x5  }
0xc: {  	s4 =	sadd.s32 s8, s4;
	_ =	strace $0x8000004D;
	s19 =	ssub.s32 s15, s18  }
0xd: {  	s8 =	sshrl.u32 s8, $0x3;
	s18 =	sor.u32 $0x1C06, s26;
	s7 =	sshrl.u32 s4, $0x3  }
0xe: {  	s4 =	sadd.s32 $0x3DA00, s5;
	s16 =	sshrl.u32 s6, $0x3;
	s6 =	sadd.s32 s17, s2  }
0xf: {  	s15 =	smax.u32 s19, $0x1;
	s19 =	sshrl.u32 s25, $0x3;
	s20 =	sadd.s32 $0x1F40, s6  }
0x10: {  	s25 =	simm.s32 $0x8E80;
	s21 =	sadd.s32 $0x3E80, s6;
	[dreg:$0x4] =	wrdreg s20  }
0x11: {  	s17 =	simm.s32 $0x4E80;
	s22 =	sadd.s32 $0x5DC0, s6;
	[dreg:$0x5] =	wrdreg s21  }
0x12: {  	s10 =	sadd.s32 s7, s5;
	s23 =	sadd.s32 $0x7D00, s6;
	[dreg:$0x6] =	wrdreg s22  }
0x13: {  	s5 =	sadd.s32 s0, s16;
	s24 =	sadd.s32 $0x9C40, s6;
	[dreg:$0x7] =	wrdreg s23  }
0x14: {  	s8 =	sadd.s32 s4, s8;
	s16 =	simm.s32 $0x6;
	[dreg:$0x8] =	wrdreg s24  }
0x15: {  	s0 =	simm.s32 $0x3;
	s7 =	sadd.s32 $0xA000, s5;
	[dreg:$0x9] =	wrdreg s8  }
0x16: {  	s14 =	sadd.s32 $0x51A00, s10;
	s20 =	simm.s32 $0x7D;
	s21 =	simm.s32 $0x5000  }
0x17: {  	v0 =	vimm.f32 $0.0e+00;
	s23 =	simm.s32 $0x6F40;
	s8 =	simm.s32 $0x4;
	s22 =	simm.s32 $0x0  }
.LBB2_1:
0x18: {  	[tilespmem:s3], [sflag:$0x6] =	stream.linear.gather [hbm4b:s5+s3], $0x2800, $0x38;
	[tilespmem:$0x18C40] =	vst v63  }
0x19: {  	_ =	swait.ge [sflag:s16], $0x2800  }
0x1a: {  	[sflag:s16] =	ssyncset.done $0x0  }
.Ltmp0:
0x1b: {  	[sflag:s16] =	ssyncadd.s32 $0xFFFFD800;
	(pc) =	sbr.rel @p0 .LBB2_3-.Ltmp0, $4  }
0x1c: {  	[tilespmem:s29], [sflag:$0x6] =	stream.linear.gather [hbm4b:s7+s3], $0x2800, $0x38;
	[tilespmem:$0x18C40] =	vst v63  }
0x1d: {  	_ =	swait.ge [sflag:s16], $0x2800  }
0x1e: {  	[sflag:s16] =	ssyncset.done $0x0  }
0x1f: {  	[sflag:s16] =	ssyncadd.s32 $0xFFFFD800  }
.Ltmp1:
0x20: {  	s10 =	rddreg [dreg:$0x9];
	(pc) =	sbr.rel .LBB2_6-.Ltmp1, $4  }
0x21: {  	[spmem:s19], [sflag:s18] =	dma.local [hbm:s10], $0x1400  }
0x22: {  	_ =	swait.ge [sflag:s16], $0x1400  }
0x23: {  	[sflag:s16] =	ssyncset.done $0x0  }
0x24: {  	[sflag:s16] =	ssyncadd.s32 $0xFFFFEC00  }
.LBB2_3:
0x25: {  	s24 =	sand.u32 $0x7F00, s3  }
0x26: {  	s26 =	sand.u32 $0x30, s3;
	s29 =	sshrl.u32 s24, $0x2  }
0x27: {  	s24 =	simm.s32 $0x40;
	s29 =	sor.u32 s26, s29;
	s26 =	simm.s32 $0x0  }
.LBB2_4:
0x28: {  	p1 =	sne.s32 s24, $0x7CC0  }
0x29: {  	[tilespmem:s29+$0x5000] =	vst v0;
	s26 =	sadd.s32 $0x10, s26;
	s29 =	smov.u32 s24;
	s24 =	sadd.s32 $0x40, s24  }
.Ltmp2:
0x2a: {  	(pc) =	sbr.rel @p1 .LBB2_4-.Ltmp2, $4  }
0x2b: {  	_ = 	snop  }
0x2c: {  	s29 =	sand.u32 $0x7F00, s29  }
0x2d: {  	s10 =	sand.u32 $0x30, s26;
	s29 =	sshrl.u32 s29, $0x2  }
0x2e: {  	s29 =	sor.u32 s10, s29  }
0x2f: {  	[tilespmem:s29+$0x5000] =	vst v0  }
0x30: {  	[spmem:s6] =	stream.linear.scatter [tilespmem:s21], [sflag:$0x6], $0x1F40, $0x38;
	[tilespmem:$0x18C40] =	vst v63  }
0x31: {  	_ =	swait.ge [sflag:s16], $0x1F40  }
0x32: {  	[sflag:s16] =	ssyncset.done $0x0  }
0x33: {  	s10 =	rddreg [dreg:$0x4];
	[sflag:s16] =	ssyncadd.s32 $0xFFFFE0C0  }
0x34: {  	[spmem:s10] =	stream.linear.scatter [tilespmem:s21], [sflag:$0x6], $0x1F40, $0x38;
	[tilespmem:$0x18C40] =	vst v63  }
0x35: {  	_ =	swait.ge [sflag:s16], $0x1F40  }
0x36: {  	[sflag:s16] =	ssyncset.done $0x0  }
0x37: {  	s24 =	rddreg [dreg:$0x5];
	[sflag:s16] =	ssyncadd.s32 $0xFFFFE0C0  }
0x38: {  	[spmem:s24] =	stream.linear.scatter [tilespmem:s21], [sflag:$0x6], $0x1F40, $0x38;
	[tilespmem:$0x18C40] =	vst v63  }
0x39: {  	_ =	swait.ge [sflag:s16], $0x1F40  }
0x3a: {  	[sflag:s16] =	ssyncset.done $0x0  }
0x3b: {  	s26 =	rddreg [dreg:$0x6];
	[sflag:s16] =	ssyncadd.s32 $0xFFFFE0C0  }
0x3c: {  	[spmem:s26] =	stream.linear.scatter [tilespmem:s21], [sflag:$0x6], $0x1F40, $0x38;
	[tilespmem:$0x18C40] =	vst v63  }
0x3d: {  	_ =	swait.ge [sflag:s16], $0x1F40  }
0x3e: {  	[sflag:s16] =	ssyncset.done $0x0  }
0x3f: {  	s24 =	rddreg [dreg:$0x7];
	[sflag:s16] =	ssyncadd.s32 $0xFFFFE0C0  }
0x40: {  	[spmem:s24] =	stream.linear.scatter [tilespmem:s21], [sflag:$0x6], $0x1F40, $0x38;
	[tilespmem:$0x18C40] =	vst v63  }
0x41: {  	_ =	swait.ge [sflag:s16], $0x1F40  }
0x42: {  	[sflag:s16] =	ssyncset.done $0x0  }
0x43: {  	s26 =	rddreg [dreg:$0x8];
	[sflag:s16] =	ssyncadd.s32 $0xFFFFE0C0  }
0x44: {  	[spmem:s26] =	stream.linear.scatter [tilespmem:s21], [sflag:$0x6], $0x3C0, $0x38;
	[tilespmem:$0x18C40] =	vst v63  }
0x45: {  	_ =	swait.ge [sflag:s16], $0x3C0  }
0x46: {  	[sflag:s16] =	ssyncset.done $0x0  }
0x47: {  	s29 =	simm.s32 $0x2800;
	[sflag:s16] =	ssyncadd.s32 $0xFFFFFC40  }
.LBB2_6:
0x48: {  	[bflag:$0x0] =	sbarrier.arrive $0xFFFF;
	s10 =	simm.s32 $0x0  }
0x49: {  	[tilespmem:s21], [sflag:$0x1] =	stream.indirect.gather [hbm4b:s4+s20], $0x40, s10, s20, $0xb8;
	[tilespmem:$0x18C40] =	vst v63  }
0x4a: {  	s26 =	simm.s32 $0x80  }
0x4b: {  	[tilespmem:s23], [sflag:$0x2] =	stream.indirect.gather [hbm4b:s4+s20], $0x40, s26, s20, $0xb8;
	[tilespmem:$0x18C40] =	vst v63  }
0x4c: {  	s24 =	simm.s32 $0x100  }
0x4d: {  	[tilespmem:s25], [sflag:$0x3] =	stream.indirect.gather [hbm4b:s4+s20], $0x40, s24, s20, $0xb8;
	[tilespmem:$0x18C40] =	vst v63  }
0x4e: {  	s26 =	simm.s32 $0x180  }
0x4f: {  	[tilespmem:s28], [sflag:$0x4] =	stream.indirect.gather [hbm4b:s4+s20], $0x40, s26, s20, $0xb8;
	[tilespmem:$0x18C40] =	vst v63  }
0x50: {  	s24 =	simm.s32 $0x200  }
0x51: {  	[tilespmem:s30], [sflag:$0x5] =	stream.indirect.gather [hbm4b:s4+s20], $0x40, s24, s20, $0xb8;
	[tilespmem:$0x18C40] =	vst v63  }
0x52: {  	_ =	swait.ge [sflag:s31], $0x1F40  }
0x53: {  	[sflag:s31] =	ssyncset.done $0x0  }
0x54: {  	s26 =	simm.s32 $0x2800;
	[sflag:s31] =	ssyncadd.s32 $0xFFFFE0C0  }
0x55: {  	[spmem:s2] =	stream.indirect.scatter.add.f32 [tilespmem:s21], [sflag:$0x6], $0x40, s26, s20, $0xb8;
	[tilespmem:$0x18C40] =	vst v63  }
0x56: {  	_ =	swait.ge [sflag:s16], $0x1F40  }
0x57: {  	[sflag:s16] =	ssyncset.done $0x0  }
0x58: {  	s24 =	simm.s32 $0x280;
	[sflag:s16] =	ssyncadd.s32 $0xFFFFE0C0  }
0x59: {  	[tilespmem:s21], [sflag:$0x1] =	stream.indirect.gather [hbm4b:s4+s20], $0x40, s24, s20, $0xb8;
	[tilespmem:$0x18C40] =	vst v63  }
0x5a: {  	_ =	swait.ge [sflag:s1], $0x1F40  }
0x5b: {  	[sflag:s1] =	ssyncset.done $0x0  }
0x5c: {  	s26 =	simm.s32 $0x2880;
	[sflag:s1] =	ssyncadd.s32 $0xFFFFE0C0  }
0x5d: {  	[spmem:s2] =	stream.indirect.scatter.add.f32 [tilespmem:s23], [sflag:$0x6], $0x40, s26, s20, $0xb8;
	[tilespmem:$0x18C40] =	vst v63  }
0x5e: {  	_ =	swait.ge [sflag:s16], $0x1F40  }
0x5f: {  	[sflag:s16] =	ssyncset.done $0x0  }
0x60: {  	s24 =	simm.s32 $0x300;
	[sflag:s16] =	ssyncadd.s32 $0xFFFFE0C0  }
0x61: {  	[tilespmem:s23], [sflag:$0x2] =	stream.indirect.gather [hbm4b:s4+s20], $0x40, s24, s20, $0xb8;
	[tilespmem:$0x18C40] =	vst v63  }
0x62: {  	_ =	swait.ge [sflag:s0], $0x1F40  }
0x63: {  	[sflag:s0] =	ssyncset.done $0x0  }
0x64: {  	s26 =	simm.s32 $0x2900;
	[sflag:s0] =	ssyncadd.s32 $0xFFFFE0C0  }
0x65: {  	[spmem:s2] =	stream.indirect.scatter.add.f32 [tilespmem:s25], [sflag:$0x6], $0x40, s26, s20, $0xb8;
	[tilespmem:$0x18C40] =	vst v63  }
0x66: {  	_ =	swait.ge [sflag:s16], $0x1F40  }
0x67: {  	[sflag:s16] =	ssyncset.done $0x0  }
0x68: {  	s24 =	simm.s32 $0x380;
	[sflag:s16] =	ssyncadd.s32 $0xFFFFE0C0  }
0x69: {  	[tilespmem:s25], [sflag:$0x3] =	stream.indirect.gather [hbm4b:s4+s20], $0x40, s24, s20, $0xb8;
	[tilespmem:$0x18C40] =	vst v63  }
0x6a: {  	_ =	swait.ge [sflag:s8], $0x1F40  }
0x6b: {  	[sflag:s8] =	ssyncset.done $0x0  }
0x6c: {  	s26 =	simm.s32 $0x2980;
	[sflag:s8] =	ssyncadd.s32 $0xFFFFE0C0  }
0x6d: {  	[spmem:s2] =	stream.indirect.scatter.add.f32 [tilespmem:s28], [sflag:$0x6], $0x40, s26, s20, $0xb8;
	[tilespmem:$0x18C40] =	vst v63  }
0x6e: {  	_ =	swait.ge [sflag:s16], $0x1F40  }
0x6f: {  	[sflag:s16] =	ssyncset.done $0x0  }
0x70: {  	s24 =	simm.s32 $0x400;
	[sflag:s16] =	ssyncadd.s32 $0xFFFFE0C0  }
0x71: {  	[tilespmem:s28], [sflag:$0x4] =	stream.indirect.gather [hbm4b:s4+s20], $0x40, s24, s20, $0xb8;
	[tilespmem:$0x18C40] =	vst v63  }
0x72: {  	_ =	swait.ge [sflag:s9], $0x1F40  }
0x73: {  	[sflag:s9] =	ssyncset.done $0x0  }
0x74: {  	s26 =	simm.s32 $0x2A00;
	[sflag:s9] =	ssyncadd.s32 $0xFFFFE0C0  }
0x75: {  	[spmem:s2] =	stream.indirect.scatter.add.f32 [tilespmem:s30], [sflag:$0x6], $0x40, s26, s20, $0xb8;
	[tilespmem:$0x18C40] =	vst v63  }
0x76: {  	_ =	swait.ge [sflag:s16], $0x1F40  }
0x77: {  	[sflag:s16] =	ssyncset.done $0x0  }
0x78: {  	s24 =	simm.s32 $0xA00;
	s26 =	simm.s32 $0x480;
	[sflag:s16] =	ssyncadd.s32 $0xFFFFE0C0  }
.LBB2_7:
0x79: {  	[tilespmem:s30], [sflag:$0x5] =	stream.indirect.gather [hbm4b:s4+s20], $0x40, s26, s20, $0xb8;
	[tilespmem:$0x18C40] =	vst v63  }
0x7a: {  	s10 =	smov.u32 s24  }
0x7b: {  	p1 =	sne.s32 s24, $0x8C00;
	s24 =	sadd.s32 $0xA00, s24;
	_ =	swait.ge [sflag:s31], $0x1F40  }
0x7c: {  	s26 =	sshra.s32 s10, $0x2;
	[sflag:s31] =	ssyncset.done $0x0  }
0x7d: {  	s10 =	sadd.s32 $0x2800, s26;
	[sflag:s31] =	ssyncadd.s32 $0xFFFFE0C0  }
0x7e: {  	[spmem:s2] =	stream.indirect.scatter.add.f32 [tilespmem:s21], [sflag:$0x6], $0x40, s10, s20, $0xb8;
	[tilespmem:$0x18C40] =	vst v63  }
0x7f: {  	_ =	swait.ge [sflag:s16], $0x1F40  }
0x80: {  	[sflag:s16] =	ssyncset.done $0x0  }
0x81: {  	s10 =	sadd.s32 $0x280, s26;
	[sflag:s16] =	ssyncadd.s32 $0xFFFFE0C0  }
0x82: {  	[tilespmem:s21], [sflag:$0x1] =	stream.indirect.gather [hbm4b:s4+s20], $0x40, s10, s20, $0xb8;
	[tilespmem:$0x18C40] =	vst v63  }
0x83: {  	_ =	swait.ge [sflag:s1], $0x1F40  }
0x84: {  	[sflag:s1] =	ssyncset.done $0x0  }
0x85: {  	s10 =	sadd.s32 $0x2880, s26;
	[sflag:s1] =	ssyncadd.s32 $0xFFFFE0C0  }
0x86: {  	[spmem:s2] =	stream.indirect.scatter.add.f32 [tilespmem:s23], [sflag:$0x6], $0x40, s10, s20, $0xb8;
	[tilespmem:$0x18C40] =	vst v63  }
0x87: {  	_ =	swait.ge [sflag:s16], $0x1F40  }
0x88: {  	[sflag:s16] =	ssyncset.done $0x0  }
0x89: {  	s10 =	sadd.s32 $0x300, s26;
	[sflag:s16] =	ssyncadd.s32 $0xFFFFE0C0  }
0x8a: {  	[tilespmem:s23], [sflag:$0x2] =	stream.indirect.gather [hbm4b:s4+s20], $0x40, s10, s20, $0xb8;
	[tilespmem:$0x18C40] =	vst v63  }
0x8b: {  	_ =	swait.ge [sflag:s0], $0x1F40  }
0x8c: {  	[sflag:s0] =	ssyncset.done $0x0  }
0x8d: {  	s10 =	sadd.s32 $0x2900, s26;
	[sflag:s0] =	ssyncadd.s32 $0xFFFFE0C0  }
0x8e: {  	[spmem:s2] =	stream.indirect.scatter.add.f32 [tilespmem:s25], [sflag:$0x6], $0x40, s10, s20, $0xb8;
	[tilespmem:$0x18C40] =	vst v63  }
0x8f: {  	_ =	swait.ge [sflag:s16], $0x1F40  }
0x90: {  	[sflag:s16] =	ssyncset.done $0x0  }
0x91: {  	s10 =	sadd.s32 $0x380, s26;
	[sflag:s16] =	ssyncadd.s32 $0xFFFFE0C0  }
0x92: {  	[tilespmem:s25], [sflag:$0x3] =	stream.indirect.gather [hbm4b:s4+s20], $0x40, s10, s20, $0xb8;
	[tilespmem:$0x18C40] =	vst v63  }
0x93: {  	_ =	swait.ge [sflag:s8], $0x1F40  }
0x94: {  	[sflag:s8] =	ssyncset.done $0x0  }
0x95: {  	s10 =	sadd.s32 $0x2980, s26;
	[sflag:s8] =	ssyncadd.s32 $0xFFFFE0C0  }
0x96: {  	[spmem:s2] =	stream.indirect.scatter.add.f32 [tilespmem:s28], [sflag:$0x6], $0x40, s10, s20, $0xb8;
	[tilespmem:$0x18C40] =	vst v63  }
0x97: {  	_ =	swait.ge [sflag:s16], $0x1F40  }
0x98: {  	[sflag:s16] =	ssyncset.done $0x0  }
0x99: {  	s10 =	sadd.s32 $0x400, s26;
	[sflag:s16] =	ssyncadd.s32 $0xFFFFE0C0  }
0x9a: {  	[tilespmem:s28], [sflag:$0x4] =	stream.indirect.gather [hbm4b:s4+s20], $0x40, s10, s20, $0xb8;
	[tilespmem:$0x18C40] =	vst v63  }
0x9b: {  	_ =	swait.ge [sflag:s9], $0x1F40  }
0x9c: {  	[sflag:s9] =	ssyncset.done $0x0  }
.Ltmp3:
0x9d: {  	s10 =	sadd.s32 $0x2A00, s26;
	[sflag:s9] =	ssyncadd.s32 $0xFFFFE0C0;
	(pc) =	sbr.rel @p1 .LBB2_7-.Ltmp3, $4  }
0x9e: {  	[spmem:s2] =	stream.indirect.scatter.add.f32 [tilespmem:s30], [sflag:$0x6], $0x40, s10, s20, $0xb8;
	[tilespmem:$0x18C40] =	vst v63  }
0x9f: {  	_ =	swait.ge [sflag:s16], $0x1F40  }
0xa0: {  	[sflag:s16] =	ssyncset.done $0x0  }
0xa1: {  	s26 =	sadd.s32 $0x480, s26;
	[sflag:s16] =	ssyncadd.s32 $0xFFFFE0C0  }
0xa2: {  	[tilespmem:s30], [sflag:$0x5] =	stream.indirect.gather [hbm4b:s4+s20], $0x40, s26, s20, $0xb8;
	[tilespmem:$0x18C40] =	vst v63  }
0xa3: {  	_ =	swait.ge [sflag:s31], $0x1F40  }
0xa4: {  	[sflag:s31] =	ssyncset.done $0x0  }
0xa5: {  	s10 =	simm.s32 $0x4D80;
	[sflag:s31] =	ssyncadd.s32 $0xFFFFE0C0  }
0xa6: {  	[spmem:s2] =	stream.indirect.scatter.add.f32 [tilespmem:s21], [sflag:$0x6], $0x40, s10, s20, $0xb8;
	[tilespmem:$0x18C40] =	vst v63  }
0xa7: {  	_ =	swait.ge [sflag:s16], $0x1F40  }
0xa8: {  	[sflag:s16] =	ssyncset.done $0x0  }
0xa9: {  	[sflag:s16] =	ssyncadd.s32 $0xFFFFE0C0  }
0xaa: {  	_ =	swait.ge [sflag:s1], $0x1F40  }
0xab: {  	[sflag:s1] =	ssyncset.done $0x0  }
0xac: {  	[sflag:s1] =	ssyncadd.s32 $0xFFFFE0C0  }
0xad: {  	[spmem:s2] =	stream.indirect.scatter.add.f32 [tilespmem:s23], [sflag:$0x6], $0x40, s11, s20, $0xb8;
	[tilespmem:$0x18C40] =	vst v63  }
0xae: {  	_ =	swait.ge [sflag:s16], $0x1F40  }
0xaf: {  	[sflag:s16] =	ssyncset.done $0x0  }
0xb0: {  	[sflag:s16] =	ssyncadd.s32 $0xFFFFE0C0  }
0xb1: {  	_ =	swait.ge [sflag:s0], $0x1F40  }
0xb2: {  	[sflag:s0] =	ssyncset.done $0x0  }
0xb3: {  	[sflag:s0] =	ssyncadd.s32 $0xFFFFE0C0  }
0xb4: {  	[spmem:s2] =	stream.indirect.scatter.add.f32 [tilespmem:s25], [sflag:$0x6], $0x40, s17, s20, $0xb8;
	[tilespmem:$0x18C40] =	vst v63  }
0xb5: {  	_ =	swait.ge [sflag:s16], $0x1F40  }
0xb6: {  	[sflag:s16] =	ssyncset.done $0x0  }
0xb7: {  	[sflag:s16] =	ssyncadd.s32 $0xFFFFE0C0  }
0xb8: {  	_ =	swait.ge [sflag:s8], $0x1F40  }
0xb9: {  	[sflag:s8] =	ssyncset.done $0x0  }
0xba: {  	[sflag:s8] =	ssyncadd.s32 $0xFFFFE0C0  }
0xbb: {  	[spmem:s2] =	stream.indirect.scatter.add.f32 [tilespmem:s28], [sflag:$0x6], $0x40, s12, s20, $0xb8;
	[tilespmem:$0x18C40] =	vst v63  }
0xbc: {  	_ =	swait.ge [sflag:s16], $0x1F40  }
0xbd: {  	[sflag:s16] =	ssyncset.done $0x0  }
0xbe: {  	[sflag:s16] =	ssyncadd.s32 $0xFFFFE0C0  }
0xbf: {  	_ =	swait.ge [sflag:s9], $0x1F40  }
0xc0: {  	[sflag:s9] =	ssyncset.done $0x0  }
0xc1: {  	[sflag:s9] =	ssyncadd.s32 $0xFFFFE0C0  }
0xc2: {  	[spmem:s2] =	stream.indirect.scatter.add.f32 [tilespmem:s30], [sflag:$0x6], $0x40, s13, s20, $0xb8;
	[tilespmem:$0x18C40] =	vst v63  }
0xc3: {  	_ =	swait.ge [sflag:s16], $0x1F40  }
0xc4: {  	s22 =	sadd.s32 $0x1, s22;
	[sflag:s16] =	ssyncset.done $0x0  }
0xc5: {  	p1 =	sne.s32 s22, s15;
	[sflag:s16] =	ssyncadd.s32 $0xFFFFE0C0  }
.Ltmp4:
0xc6: {  	[bflag:$0x0] =	sbarrier.arrive $0xFFFF;
	(pc) =	sbr.rel @p1 .LBB2_1-.Ltmp4, $4  }
0xc7: {  	[hbm:s14], [sflag:s18] =	dma.local [spmem:s19], $0x1400  }
0xc8: {  	_ =	swait.ge [sflag:s16], $0x1400  }
0xc9: {  	[sflag:s16] =	ssyncset.done $0x0  }
0xca: {  	[sflag:s16] =	ssyncadd.s32 $0xFFFFEC00  }
0xcb: {  	_ =	sfence.sel $0x180000  }
0xcc: {  	[bflag:$0x0] =	sbarrier.arrive $0xFFFF  }
0xcd: {  	_ =	strace $0x9000004D  }
0xce: {  	s0 =	stileid.u32;
	[bflag:$0x2] =	sbarrier.arrive $0xFFFF  }
0xcf: {  	p0 =	sne.s32 s0, $0x0;
	s0 =	rddreg [dreg:$0x3]  }
0xd0: {  	s0 =	sadd.s32 @!p0 $0x100000, s0  }
0xd1: {  	[sflag:s0] =	ssyncadd.tile.s32 @!p0 $0x1;
	_ =	shalt  }
.Lfunc_end2:
_tile_overlayer_lowered:
.L_overlay_start_2:
0xd2: {  	(tag) =	ssettag $0x2  }
0xd3: {  	s0 =	rddreg [dreg:$0x0];
	s2 =	stileid.u32  }
0xd4: {  	s1 =	rddreg [dreg:$0x1];
	p0 =	sne.s32 s2, $0x0  }
0xd5: {  	s3 =	rddreg [dreg:$0x2];
	[bflag:$0x3] =	sbarrier.arrive $0xFFFF;
	s2 =	simm.s32 @!p0 $0x1C06  }
0xd6: {  	[timem:s3], [sflag:s2] =	dma.local @!p0 [hbm:s0], s1  }
0xd7: {  	s0 =	simm.s32 @!p0 $0x6  }
0xd8: {  	_ =	swait.ge @!p0 [sflag:s0], s1  }
0xd9: {  	s1 =	ssub.s32 @!p0 $0x0, s1;
	[sflag:s0] =	ssyncset.done @!p0 $0x0  }
0xda: {  	[sflag:s0] =	ssyncadd.s32 @!p0 s1  }
0xdb: {  	[bflag:$0x3] =	sbarrier.arrive $0xFFFF  }
0xdc: {  	_ =	shalt  }

// kernel: kernel.13.cloned.1.call-start
scs
__scs_entry_jumppad:
0x0: {  	(pc) =	sbr.rel $0x88, $3  }
0x1: {  	(tag) =	ssettag $0x0;
	lr =	simm.s32 $0x1  }
0x2: {  	[smem:$0x3F9D] =	sst lr;
	_ =	strace $0xD0000000  }
0x3: {  	_ = 	snop  }
0x4: {  	_ = 	snop  }
0x5: {  	_ = 	snop  }
0x6: {  	_ = 	snop  }
0x7: {  	_ = 	snop  }
__scs_overlays_trampoline_lowered:
0x8: {  	[smem:$0x3FAC] =	sst s0  }
0x9: {  	[smem:$0x3FAD] =	sst s1  }
0xa: {  	[smem:$0x3FAE] =	sst s2  }
0xb: {  	[smem:$0x3FAF] =	sst s3  }
0xc: {  	[smem:$0x3FB0] =	sst s4  }
0xd: {  	[smem:$0x3FB1] =	sst s5  }
0xe: {  	[smem:$0x3FB2] =	sst s6  }
0xf: {  	[smem:$0x3FB3] =	sst s7  }
0x10: {  	[smem:$0x3FB4] =	sst s8  }
0x11: {  	[smem:$0x3FB5] =	sst s9;
	s0 =	simm.s32 @!p0 $0x0  }
0x12: {  	s1 =	sld [smem:$0x3F9B];
	s0 =	simm.s32 @p0 $0x1  }
0x13: {  	[smem:$0x3FB6] =	sst s0;
	s0 =	simm.s32 @!p1 $0x0  }
0x14: {  	s2 =	sld [smem:$0x3F9A];
	s0 =	simm.s32 @p1 $0x1  }
0x15: {  	[smem:$0x3FB7] =	sst s0;
	s0 =	simm.s32 @!p2 $0x0  }
0x16: {  	s3 =	sld [smem:$0x3FDB];
	s0 =	simm.s32 @p2 $0x1  }
0x17: {  	s4 =	simm.s32 $0x1BF5;
	[smem:$0x3FB9] =	sst s0  }
0x18: {  	s0 =	sld [smem:$0x3F9C];
	_ =	swait.ge [sflag:s4], $0x0  }
0x19: {  	s7 =	sld [smem:$0x3F9D]  }
0x1a: {  	s8 =	sadd.s32 $0xFFFFE003, lr  }
0x1b: {  	s9 =	sadd.s32 $0xFFFFFEF7, lr;
	s5 =	simm.s32 $0xFFFFFFFF;
	p2 =	slt.u32 s8, $0xFFFFF086  }
0x1c: {  	p1 =	slt.u32 s9, $0xF7A;
	s5 =	simm.s32 @!p2 $0x0  }
0x1d: {  	s5 =	simm.s32 @p1 $0x1;
	p0 =	seq.s32 s7, s2  }
0x1e: {  	s7 =	smul.u32 @!p0 $0xF7A, s2;
	p2 =	seq.s32 @!p0 s5, $0x0  }
0x1f: {  	s9 =	smul.u32 $0xF7A, s1;
	s8 =	simm.s32 @!p0 $0x1BF5;
	p2 =	por !p2, p0  }
0x20: {  	[sflag:s8] =	ssyncset.s32 @!p0 $0xFFFFF086;
	s6 =	sadd.s32 @!p0 s3, s7;
	s7 =	simm.s32 @!p0 $0x108  }
0x21: {  	s3 =	sadd.s32 s3, s9;
	s6 =	sadd.s32 @!p0 $0x88, s6;
	s7 =	simm.s32 @p2 $0x1082  }
0x22: {  	[simem:s7], [sflag:s8] =	dma.local @!p0 [hbm:s6], $0xF7A  }
0x23: {  	s9 =	sor.u32 $0xD0000000, s2;
	s6 =	simm.s32 $0x108;
	_ =	swait.ge @!p0 [sflag:s8], $0x0  }
0x24: {  	s3 =	sadd.s32 $0x88, s3;
	s6 =	simm.s32 @!p1 $0x1082;
	[sflag:s4] =	ssyncset.s32 $0xFFFFF086  }
0x25: {  	[simem:s6], [sflag:s4] =	dma.local [hbm:s3], $0xF7A  }
0x26: {  	[smem:$0x3F9D] =	sst s1;
	(tag) =	ssettag s2;
	_ =	strace s9  }
0x27: {  	s1 =	sld [smem:$0x3FAD]  }
0x28: {  	s2 =	sld [smem:$0x3FAE]  }
0x29: {  	s4 =	sld [smem:$0x3FB0]  }
0x2a: {  	p0 =	seq.s32 s5, $0x0;
	s5 =	sld [smem:$0x3FB1]  }
0x2b: {  	s6 =	sld [smem:$0x3FB2]  }
0x2c: {  	s7 =	sld [smem:$0x3FB3]  }
0x2d: {  	s3 =	simm.s32 $0x108;
	s8 =	sld [smem:$0x3FB4]  }
0x2e: {  	s3 =	simm.s32 @!p0 $0x1082;
	s9 =	sld [smem:$0x3FB5]  }
0x2f: {  	lr =	sadd.s32 s0, s3;
	s0 =	sld [smem:$0x3FAC]  }
0x30: {  	s3 =	sld [smem:$0x3FAF]  }
0x31: {  	[smem:$0x3FB8] =	sst s10  }
0x32: {  	s10 =	sld [smem:$0x3FB6];
	_ =	sdelay $0x3  }
0x33: {  	p0 =	seq.s32 s10, $0x1;
	s10 =	sld [smem:$0x3FB8];
	_ =	sdelay $0x3  }
0x34: {  	[smem:$0x3FB8] =	sst s10  }
0x35: {  	s10 =	sld [smem:$0x3FB7];
	_ =	sdelay $0x3  }
0x36: {  	p1 =	seq.s32 s10, $0x1;
	s10 =	sld [smem:$0x3FB8];
	_ =	sdelay $0x3  }
0x37: {  	[smem:$0x3FB8] =	sst s10  }
0x38: {  	s10 =	sld [smem:$0x3FB9]  }
0x39: {  	_ = 	snop;
	(pc) =	sbr.ind lr, $3  }
0x3a: {  	_ = 	snop  }
0x3b: {  	_ = 	snop  }
0x3c: {  	p2 =	seq.s32 s10, $0x1;
	s10 =	sld [smem:$0x3FB8]  }
0x3d: {  	_ =	shalt  }
0x3e: {  	_ =	shalt  }
0x3f: {  	_ =	shalt  }
0x40: {  	_ =	shalt  }
0x41: {  	_ =	shalt  }
0x42: {  	_ =	shalt  }
0x43: {  	_ =	shalt  }
0x44: {  	_ =	shalt  }
0x45: {  	_ =	shalt  }
0x46: {  	_ =	shalt  }
0x47: {  	_ =	shalt  }
0x48: {  	_ =	shalt  }
0x49: {  	_ =	shalt  }
0x4a: {  	_ =	shalt  }
0x4b: {  	_ =	shalt  }
0x4c: {  	_ =	shalt  }
0x4d: {  	_ =	shalt  }
0x4e: {  	_ =	shalt  }
0x4f: {  	_ =	shalt  }
0x50: {  	_ =	shalt  }
0x51: {  	_ =	shalt  }
0x52: {  	_ =	shalt  }
0x53: {  	_ =	shalt  }
0x54: {  	_ =	shalt  }
0x55: {  	_ =	shalt  }
0x56: {  	_ =	shalt  }
0x57: {  	_ =	shalt  }
0x58: {  	_ =	shalt  }
0x59: {  	_ =	shalt  }
0x5a: {  	_ =	shalt  }
0x5b: {  	_ =	shalt  }
0x5c: {  	_ =	shalt  }
0x5d: {  	_ =	shalt  }
0x5e: {  	_ =	shalt  }
0x5f: {  	_ =	shalt  }
0x60: {  	_ =	shalt  }
0x61: {  	_ =	shalt  }
0x62: {  	_ =	shalt  }
0x63: {  	_ =	shalt  }
0x64: {  	_ =	shalt  }
0x65: {  	_ =	shalt  }
0x66: {  	_ =	shalt  }
0x67: {  	_ =	shalt  }
0x68: {  	_ =	shalt  }
0x69: {  	_ =	shalt  }
0x6a: {  	_ =	shalt  }
0x6b: {  	_ =	shalt  }
0x6c: {  	_ =	shalt  }
0x6d: {  	_ =	shalt  }
0x6e: {  	_ =	shalt  }
0x6f: {  	_ =	shalt  }
0x70: {  	_ =	shalt  }
0x71: {  	_ =	shalt  }
0x72: {  	_ =	shalt  }
0x73: {  	_ =	shalt  }
0x74: {  	_ =	shalt  }
0x75: {  	_ =	shalt  }
0x76: {  	_ =	shalt  }
0x77: {  	_ =	shalt  }
0x78: {  	_ =	shalt  }
0x79: {  	_ =	shalt  }
0x7a: {  	_ =	shalt  }
0x7b: {  	_ =	shalt  }
0x7c: {  	_ =	shalt  }
0x7d: {  	_ =	shalt  }
0x7e: {  	_ =	shalt  }
0x7f: {  	_ =	shalt  }
0x80: {  	_ =	shalt  }
0x81: {  	_ =	shalt  }
0x82: {  	_ =	shalt  }
0x83: {  	_ =	shalt  }
0x84: {  	_ =	shalt  }
0x85: {  	_ =	shalt  }
0x86: {  	_ =	shalt  }
0x87: {  	_ =	shalt  }
.Lfunc_end0:
.L_simem_size_0:
called_computation.2_lowered:
.L_overlay_start_0:
0x88: {  	s2 =	sld [smem:$0x3FD9]  }
0x89: {  	s3 =	sld [smem:$0x3FFE];
	_ =	sdelay $0x1  }
0x8a: {  	s1 =	srdreg.scid  }
0x8b: {  	s0 =	sand.u32 $0x1, s1  }
0x8c: {  	s17 =	sshll.u32 s0, $0xA;
	s2 =	sadd.s32 s3, s2  }
0x8d: {  	s2 =	sadd.s32 s2, s17  }
0x8e: {  	[smem:$0x3FC4] =	sst s2  }
0x8f: {  	_ = 	snop  }
0x90: {  	s2 =	sld [smem:$0x3FD0];
	(tm) =	ssettm $0x1  }
0x91: {  	s18 =	sld [smem:$0x3FFB];
	_ =	sdelay $0x3  }
0x92: {  	_ =	strace s18  }
0x93: {  	s3 =	sld [smem:$0x3FFC];
	_ =	sdelay $0x3  }
0x94: {  	_ =	strace s3  }
0x95: {  	s3 =	sld [smem:$0x3FFD];
	_ =	sdelay $0x3  }
0x96: {  	_ =	strace s3  }
0x97: {  	_ =	strace $0x8FFFFFFF  }
0x98: {  	s19 =	sld [smem:$0x3FDB];
	_ =	sdelay $0x1  }
0x99: {  	s4 =	simm.s32 $_scs_section_size  }
0x9a: {  	s5 =	simm.s32 $_size__tile_overlayer_lowered;
	s6 =	simm.s32 $_tile_overlayer_lowered  }
0x9b: {  	s22 =	simm.s32 $0x1BFF;
	s21 =	sshll.u32 s6, $0x1;
	s3 =	sadd.s32 s4, s19  }
0x9c: {  	s7 =	simm.s32 $0x0;
	s20 =	sshll.u32 s5, $0x1;
	s5 =	sadd.s32 s21, s3  }
0x9d: {  	[timem:s7], [sflag:s22] =	dma.local [hbm:s5], s20  }
0x9e: {  	_ =	swait.ge [sflag:s22], s20  }
0x9f: {  	s4 =	ssub.s32 $0x0, s20;
	[sflag:s22] =	ssyncset.done $0x0  }
0xa0: {  	[sflag:s22] =	ssyncadd.s32 s4;
	_ =	sdelay $0x1  }
0xa1: {  	s23 =	simm.s32 $0x1B8B  }
0xa2: {  	_ =	swait.ge [sflag:s23], $0x1  }
0xa3: {  	[sflag:s23] =	ssyncset.done $0x0  }
0xa4: {  	s25 =	simm.s32 $0x1B8E;
	s24 =	sld [smem:$0x3FFE];
	[sflag:s23] =	ssyncadd.s32 $0xFFFFFFFF  }
0xa5: {  	s26 =	simm.s32 $execute0_lowered;
	[smem:$0x3FD2] =	sst s25  }
0xa6: {  	s5 =	sshll.u32 s26, $0x1;
	_ =	strace $0x80000049;
	[dreg:$0x1] =	wrdreg $0xFFFFFFFF  }
0xa7: {  	s28 =	simm.s32 $_size_execute0_lowered;
	s3 =	sadd.s32 s3, s5;
	[dreg:$0x0] =	wrdreg $0x0  }
0xa8: {  	s5 =	sshll.u32 s28, $0x1;
	[dreg:$0x2] =	wrdreg s3  }
0xa9: {  	[dreg:$0x3] =	wrdreg s5  }
0xaa: {  	[dreg:$0x4] =	wrdreg $0xC0  }
0xab: {  	_ =	task [dreg:s7], $0x5FFFF  }
0xac: {  	[dreg:$0x1] =	wrdreg $0xFFFFFFFF  }
0xad: {  	[dreg:$0x0] =	wrdreg $0x60  }
0xae: {  	[dreg:$0x2] =	wrdreg s2  }
0xaf: {  	[dreg:$0x3] =	wrdreg s24  }
0xb0: {  	[dreg:$0x4] =	wrdreg $0xEC400  }
0xb1: {  	[dreg:$0x5] =	wrdreg $0xA  }
0xb2: {  	_ =	task.clear_ibuf [dreg:s7], $0x6FFFF;
	_ =	strace $0x90000049  }
0xb3: {  	s29 =	simm.s32 $0xA;
	_ =	strace $0x8000004B  }
0xb4: {  	_ =	swait.ge [sflag:s29], $0x1  }
0xb5: {  	[sflag:s29] =	ssyncadd.s32 $0xFFFFFFFF  }
0xb6: {  	_ =	strace $0x9000004B  }
0xb7: {  	_ =	sfence  }
0xb8: {  	s30 =	sld [smem:$0x0];
	_ =	sdelay $0x2  }
0xb9: {  	s31 =	sshll.u32 s1, $0xD;
	s1 =	sshrl.u32 s1, $0x2  }
0xba: {  	s3 =	sand.u32 $0x4000, s31;
	s1 =	sadd.s32 s1, s30  }
0xbb: {  	s0 =	sor.u32 s3, s0;
	s1 =	sshll.u32 s1, $0x11  }
0xbc: {  	s0 =	sor.u32 s1, s0  }
0xbd: {  	s0 =	sadd.s32 $0x8F2B, s0  }
0xbe: {  	[sflag:s0] =	ssyncadd.remote.s32 $0x1  }
0xbf: {  	_ =	sfence.sel $0xFFFF  }
0xc0: {  	[dreg:$0x0] =	wrdreg $0xFFFFFFFF;
	(pc) =	sbr.abs _section_cstart, $3  }
0xc1: {  	[dreg:$0x1] =	wrdreg $0xFFFFFFFF  }
0xc2: {  	_ =	task.clear_ibuf [dreg:s7], $0x2FFFF;
	_ =	strace $0x9FFFFFFF  }
0xc3: {  	(tm) =	ssettm $0x7FFFFFFF  }
tec
execute0_lowered:
.L_overlay_start_1:
0x0: {  	(tag) =	ssettag $0x1  }
0x1: {  	s0 =	rddreg [dreg:$0x0]  }
0x2: {  	s1 =	srdreg.scid;
	s5 =	rddreg [dreg:$0x1]  }
0x3: {  	s11 =	stileid.u32;
	s2 =	rddreg [dreg:$0x2]  }
0x4: {  	s29 =	simm.s32 $0x2800;
	s28 =	simm.s32 $0xADC0;
	s30 =	simm.s32 $0xCD00  }
0x5: {  	s31 =	simm.s32 $0x1;
	s12 =	simm.s32 $0x4F00;
	s13 =	simm.s32 $0x4F80  }
0x6: {  	s1 =	sand.u32 $0x1, s1;
	s8 =	smul.u32 $0xA000, s11;
	s3 =	sshll.u32 s11, $0x1  }
0x7: {  	s9 =	smul.u32 $0x28000, s11;
	s26 =	sshll.u32 s11, $0x6;
	s11 =	simm.s32 $0x4E00  }
0x8: {  	s4 =	smul.u32 $0xA0000, s1;
	s6 =	sor.u32 s1, s3;
	s3 =	simm.s32 $0x0  }
0x9: {  	s15 =	ssub.s32 $0x2, s1;
	p0 =	sne.s32 s1, $0x0;
	s1 =	simm.s32 $0x2  }
0xa: {  	s6 =	smul.u32 $0x2800, s6;
	[smem:$0x7FF] =	sst s3;
	s17 =	sshrl.u32 s9, $0x2  }
0xb: {  	s18 =	sshrl.u32 s15, $0x1;
	s25 =	sadd.s32 s8, s2;
	s9 =	simm.s32 $0x5  }
0xc: {  	s4 =	sadd.s32 s8, s4;
	_ =	strace $0x8000004A;
	s19 =	ssub.s32 s15, s18  }
0xd: {  	s8 =	sshrl.u32 s8, $0x3;
	s18 =	sor.u32 $0x1C06, s26;
	s7 =	sshrl.u32 s4, $0x3  }
0xe: {  	s4 =	sadd.s32 $0x1A00, s5;
	s16 =	sshrl.u32 s6, $0x3;
	s6 =	sadd.s32 s17, s2  }
0xf: {  	s15 =	smax.u32 s19, $0x1;
	s19 =	sshrl.u32 s25, $0x3;
	s20 =	sadd.s32 $0x1F40, s6  }
0x10: {  	s25 =	simm.s32 $0x8E80;
	s21 =	sadd.s32 $0x3E80, s6;
	[dreg:$0x4] =	wrdreg s20  }
0x11: {  	s17 =	simm.s32 $0x4E80;
	s22 =	sadd.s32 $0x5DC0, s6;
	[dreg:$0x5] =	wrdreg s21  }
0x12: {  	s10 =	sadd.s32 s7, s5;
	s23 =	sadd.s32 $0x7D00, s6;
	[dreg:$0x6] =	wrdreg s22  }
0x13: {  	s5 =	sadd.s32 s0, s16;
	s24 =	sadd.s32 $0x9C40, s6;
	[dreg:$0x7] =	wrdreg s23  }
0x14: {  	s8 =	sadd.s32 s4, s8;
	s16 =	simm.s32 $0x6;
	[dreg:$0x8] =	wrdreg s24  }
0x15: {  	s0 =	simm.s32 $0x3;
	s7 =	sadd.s32 $0xA000, s5;
	[dreg:$0x9] =	wrdreg s8  }
0x16: {  	s14 =	sadd.s32 $0x15A00, s10;
	s20 =	simm.s32 $0x7D;
	s21 =	simm.s32 $0x5000  }
0x17: {  	v0 =	vimm.f32 $0.0e+00;
	s23 =	simm.s32 $0x6F40;
	s8 =	simm.s32 $0x4;
	s22 =	simm.s32 $0x0  }
.LBB2_1:
0x18: {  	[tilespmem:s3], [sflag:$0x6] =	stream.linear.gather [hbm4b:s5+s3], $0x2800, $0x38;
	[tilespmem:$0x18C40] =	vst v63  }
0x19: {  	_ =	swait.ge [sflag:s16], $0x2800  }
0x1a: {  	[sflag:s16] =	ssyncset.done $0x0  }
.Ltmp0:
0x1b: {  	[sflag:s16] =	ssyncadd.s32 $0xFFFFD800;
	(pc) =	sbr.rel @p0 .LBB2_3-.Ltmp0, $4  }
0x1c: {  	[tilespmem:s29], [sflag:$0x6] =	stream.linear.gather [hbm4b:s7+s3], $0x2800, $0x38;
	[tilespmem:$0x18C40] =	vst v63  }
0x1d: {  	_ =	swait.ge [sflag:s16], $0x2800  }
0x1e: {  	[sflag:s16] =	ssyncset.done $0x0  }
0x1f: {  	[sflag:s16] =	ssyncadd.s32 $0xFFFFD800  }
.Ltmp1:
0x20: {  	s10 =	rddreg [dreg:$0x9];
	(pc) =	sbr.rel .LBB2_6-.Ltmp1, $4  }
0x21: {  	[spmem:s19], [sflag:s18] =	dma.local [hbm:s10], $0x1400  }
0x22: {  	_ =	swait.ge [sflag:s16], $0x1400  }
0x23: {  	[sflag:s16] =	ssyncset.done $0x0  }
0x24: {  	[sflag:s16] =	ssyncadd.s32 $0xFFFFEC00  }
.LBB2_3:
0x25: {  	s24 =	sand.u32 $0x7F00, s3  }
0x26: {  	s26 =	sand.u32 $0x30, s3;
	s29 =	sshrl.u32 s24, $0x2  }
0x27: {  	s24 =	simm.s32 $0x40;
	s29 =	sor.u32 s26, s29;
	s26 =	simm.s32 $0x0  }
.LBB2_4:
0x28: {  	p1 =	sne.s32 s24, $0x7CC0  }
0x29: {  	[tilespmem:s29+$0x5000] =	vst v0;
	s26 =	sadd.s32 $0x10, s26;
	s29 =	smov.u32 s24;
	s24 =	sadd.s32 $0x40, s24  }
.Ltmp2:
0x2a: {  	(pc) =	sbr.rel @p1 .LBB2_4-.Ltmp2, $4  }
0x2b: {  	_ = 	snop  }
0x2c: {  	s29 =	sand.u32 $0x7F00, s29  }
0x2d: {  	s10 =	sand.u32 $0x30, s26;
	s29 =	sshrl.u32 s29, $0x2  }
0x2e: {  	s29 =	sor.u32 s10, s29  }
0x2f: {  	[tilespmem:s29+$0x5000] =	vst v0  }
0x30: {  	[spmem:s6] =	stream.linear.scatter [tilespmem:s21], [sflag:$0x6], $0x1F40, $0x38;
	[tilespmem:$0x18C40] =	vst v63  }
0x31: {  	_ =	swait.ge [sflag:s16], $0x1F40  }
0x32: {  	[sflag:s16] =	ssyncset.done $0x0  }
0x33: {  	s10 =	rddreg [dreg:$0x4];
	[sflag:s16] =	ssyncadd.s32 $0xFFFFE0C0  }
0x34: {  	[spmem:s10] =	stream.linear.scatter [tilespmem:s21], [sflag:$0x6], $0x1F40, $0x38;
	[tilespmem:$0x18C40] =	vst v63  }
0x35: {  	_ =	swait.ge [sflag:s16], $0x1F40  }
0x36: {  	[sflag:s16] =	ssyncset.done $0x0  }
0x37: {  	s24 =	rddreg [dreg:$0x5];
	[sflag:s16] =	ssyncadd.s32 $0xFFFFE0C0  }
0x38: {  	[spmem:s24] =	stream.linear.scatter [tilespmem:s21], [sflag:$0x6], $0x1F40, $0x38;
	[tilespmem:$0x18C40] =	vst v63  }
0x39: {  	_ =	swait.ge [sflag:s16], $0x1F40  }
0x3a: {  	[sflag:s16] =	ssyncset.done $0x0  }
0x3b: {  	s26 =	rddreg [dreg:$0x6];
	[sflag:s16] =	ssyncadd.s32 $0xFFFFE0C0  }
0x3c: {  	[spmem:s26] =	stream.linear.scatter [tilespmem:s21], [sflag:$0x6], $0x1F40, $0x38;
	[tilespmem:$0x18C40] =	vst v63  }
0x3d: {  	_ =	swait.ge [sflag:s16], $0x1F40  }
0x3e: {  	[sflag:s16] =	ssyncset.done $0x0  }
0x3f: {  	s24 =	rddreg [dreg:$0x7];
	[sflag:s16] =	ssyncadd.s32 $0xFFFFE0C0  }
0x40: {  	[spmem:s24] =	stream.linear.scatter [tilespmem:s21], [sflag:$0x6], $0x1F40, $0x38;
	[tilespmem:$0x18C40] =	vst v63  }
0x41: {  	_ =	swait.ge [sflag:s16], $0x1F40  }
0x42: {  	[sflag:s16] =	ssyncset.done $0x0  }
0x43: {  	s26 =	rddreg [dreg:$0x8];
	[sflag:s16] =	ssyncadd.s32 $0xFFFFE0C0  }
0x44: {  	[spmem:s26] =	stream.linear.scatter [tilespmem:s21], [sflag:$0x6], $0x3C0, $0x38;
	[tilespmem:$0x18C40] =	vst v63  }
0x45: {  	_ =	swait.ge [sflag:s16], $0x3C0  }
0x46: {  	[sflag:s16] =	ssyncset.done $0x0  }
0x47: {  	s29 =	simm.s32 $0x2800;
	[sflag:s16] =	ssyncadd.s32 $0xFFFFFC40  }
.LBB2_6:
0x48: {  	[bflag:$0x0] =	sbarrier.arrive $0xFFFF;
	s10 =	simm.s32 $0x0  }
0x49: {  	[tilespmem:s21], [sflag:$0x1] =	stream.indirect.gather [hbm4b:s4+s20], $0x40, s10, s20, $0xb8;
	[tilespmem:$0x18C40] =	vst v63  }
0x4a: {  	s26 =	simm.s32 $0x80  }
0x4b: {  	[tilespmem:s23], [sflag:$0x2] =	stream.indirect.gather [hbm4b:s4+s20], $0x40, s26, s20, $0xb8;
	[tilespmem:$0x18C40] =	vst v63  }
0x4c: {  	s24 =	simm.s32 $0x100  }
0x4d: {  	[tilespmem:s25], [sflag:$0x3] =	stream.indirect.gather [hbm4b:s4+s20], $0x40, s24, s20, $0xb8;
	[tilespmem:$0x18C40] =	vst v63  }
0x4e: {  	s26 =	simm.s32 $0x180  }
0x4f: {  	[tilespmem:s28], [sflag:$0x4] =	stream.indirect.gather [hbm4b:s4+s20], $0x40, s26, s20, $0xb8;
	[tilespmem:$0x18C40] =	vst v63  }
0x50: {  	s24 =	simm.s32 $0x200  }
0x51: {  	[tilespmem:s30], [sflag:$0x5] =	stream.indirect.gather [hbm4b:s4+s20], $0x40, s24, s20, $0xb8;
	[tilespmem:$0x18C40] =	vst v63  }
0x52: {  	_ =	swait.ge [sflag:s31], $0x1F40  }
0x53: {  	[sflag:s31] =	ssyncset.done $0x0  }
0x54: {  	s26 =	simm.s32 $0x2800;
	[sflag:s31] =	ssyncadd.s32 $0xFFFFE0C0  }
0x55: {  	[spmem:s2] =	stream.indirect.scatter.add.f32 [tilespmem:s21], [sflag:$0x6], $0x40, s26, s20, $0xb8;
	[tilespmem:$0x18C40] =	vst v63  }
0x56: {  	_ =	swait.ge [sflag:s16], $0x1F40  }
0x57: {  	[sflag:s16] =	ssyncset.done $0x0  }
0x58: {  	s24 =	simm.s32 $0x280;
	[sflag:s16] =	ssyncadd.s32 $0xFFFFE0C0  }
0x59: {  	[tilespmem:s21], [sflag:$0x1] =	stream.indirect.gather [hbm4b:s4+s20], $0x40, s24, s20, $0xb8;
	[tilespmem:$0x18C40] =	vst v63  }
0x5a: {  	_ =	swait.ge [sflag:s1], $0x1F40  }
0x5b: {  	[sflag:s1] =	ssyncset.done $0x0  }
0x5c: {  	s26 =	simm.s32 $0x2880;
	[sflag:s1] =	ssyncadd.s32 $0xFFFFE0C0  }
0x5d: {  	[spmem:s2] =	stream.indirect.scatter.add.f32 [tilespmem:s23], [sflag:$0x6], $0x40, s26, s20, $0xb8;
	[tilespmem:$0x18C40] =	vst v63  }
0x5e: {  	_ =	swait.ge [sflag:s16], $0x1F40  }
0x5f: {  	[sflag:s16] =	ssyncset.done $0x0  }
0x60: {  	s24 =	simm.s32 $0x300;
	[sflag:s16] =	ssyncadd.s32 $0xFFFFE0C0  }
0x61: {  	[tilespmem:s23], [sflag:$0x2] =	stream.indirect.gather [hbm4b:s4+s20], $0x40, s24, s20, $0xb8;
	[tilespmem:$0x18C40] =	vst v63  }
0x62: {  	_ =	swait.ge [sflag:s0], $0x1F40  }
0x63: {  	[sflag:s0] =	ssyncset.done $0x0  }
0x64: {  	s26 =	simm.s32 $0x2900;
	[sflag:s0] =	ssyncadd.s32 $0xFFFFE0C0  }
0x65: {  	[spmem:s2] =	stream.indirect.scatter.add.f32 [tilespmem:s25], [sflag:$0x6], $0x40, s26, s20, $0xb8;
	[tilespmem:$0x18C40] =	vst v63  }
0x66: {  	_ =	swait.ge [sflag:s16], $0x1F40  }
0x67: {  	[sflag:s16] =	ssyncset.done $0x0  }
0x68: {  	s24 =	simm.s32 $0x380;
	[sflag:s16] =	ssyncadd.s32 $0xFFFFE0C0  }
0x69: {  	[tilespmem:s25], [sflag:$0x3] =	stream.indirect.gather [hbm4b:s4+s20], $0x40, s24, s20, $0xb8;
	[tilespmem:$0x18C40] =	vst v63  }
0x6a: {  	_ =	swait.ge [sflag:s8], $0x1F40  }
0x6b: {  	[sflag:s8] =	ssyncset.done $0x0  }
0x6c: {  	s26 =	simm.s32 $0x2980;
	[sflag:s8] =	ssyncadd.s32 $0xFFFFE0C0  }
0x6d: {  	[spmem:s2] =	stream.indirect.scatter.add.f32 [tilespmem:s28], [sflag:$0x6], $0x40, s26, s20, $0xb8;
	[tilespmem:$0x18C40] =	vst v63  }
0x6e: {  	_ =	swait.ge [sflag:s16], $0x1F40  }
0x6f: {  	[sflag:s16] =	ssyncset.done $0x0  }
0x70: {  	s24 =	simm.s32 $0x400;
	[sflag:s16] =	ssyncadd.s32 $0xFFFFE0C0  }
0x71: {  	[tilespmem:s28], [sflag:$0x4] =	stream.indirect.gather [hbm4b:s4+s20], $0x40, s24, s20, $0xb8;
	[tilespmem:$0x18C40] =	vst v63  }
0x72: {  	_ =	swait.ge [sflag:s9], $0x1F40  }
0x73: {  	[sflag:s9] =	ssyncset.done $0x0  }
0x74: {  	s26 =	simm.s32 $0x2A00;
	[sflag:s9] =	ssyncadd.s32 $0xFFFFE0C0  }
0x75: {  	[spmem:s2] =	stream.indirect.scatter.add.f32 [tilespmem:s30], [sflag:$0x6], $0x40, s26, s20, $0xb8;
	[tilespmem:$0x18C40] =	vst v63  }
0x76: {  	_ =	swait.ge [sflag:s16], $0x1F40  }
0x77: {  	[sflag:s16] =	ssyncset.done $0x0  }
0x78: {  	s24 =	simm.s32 $0xA00;
	s26 =	simm.s32 $0x480;
	[sflag:s16] =	ssyncadd.s32 $0xFFFFE0C0  }
.LBB2_7:
0x79: {  	[tilespmem:s30], [sflag:$0x5] =	stream.indirect.gather [hbm4b:s4+s20], $0x40, s26, s20, $0xb8;
	[tilespmem:$0x18C40] =	vst v63  }
0x7a: {  	s10 =	smov.u32 s24  }
0x7b: {  	p1 =	sne.s32 s24, $0x8C00;
	s24 =	sadd.s32 $0xA00, s24;
	_ =	swait.ge [sflag:s31], $0x1F40  }
0x7c: {  	s26 =	sshra.s32 s10, $0x2;
	[sflag:s31] =	ssyncset.done $0x0  }
0x7d: {  	s10 =	sadd.s32 $0x2800, s26;
	[sflag:s31] =	ssyncadd.s32 $0xFFFFE0C0  }
0x7e: {  	[spmem:s2] =	stream.indirect.scatter.add.f32 [tilespmem:s21], [sflag:$0x6], $0x40, s10, s20, $0xb8;
	[tilespmem:$0x18C40] =	vst v63  }
0x7f: {  	_ =	swait.ge [sflag:s16], $0x1F40  }
0x80: {  	[sflag:s16] =	ssyncset.done $0x0  }
0x81: {  	s10 =	sadd.s32 $0x280, s26;
	[sflag:s16] =	ssyncadd.s32 $0xFFFFE0C0  }
0x82: {  	[tilespmem:s21], [sflag:$0x1] =	stream.indirect.gather [hbm4b:s4+s20], $0x40, s10, s20, $0xb8;
	[tilespmem:$0x18C40] =	vst v63  }
0x83: {  	_ =	swait.ge [sflag:s1], $0x1F40  }
0x84: {  	[sflag:s1] =	ssyncset.done $0x0  }
0x85: {  	s10 =	sadd.s32 $0x2880, s26;
	[sflag:s1] =	ssyncadd.s32 $0xFFFFE0C0  }
0x86: {  	[spmem:s2] =	stream.indirect.scatter.add.f32 [tilespmem:s23], [sflag:$0x6], $0x40, s10, s20, $0xb8;
	[tilespmem:$0x18C40] =	vst v63  }
0x87: {  	_ =	swait.ge [sflag:s16], $0x1F40  }
0x88: {  	[sflag:s16] =	ssyncset.done $0x0  }
0x89: {  	s10 =	sadd.s32 $0x300, s26;
	[sflag:s16] =	ssyncadd.s32 $0xFFFFE0C0  }
0x8a: {  	[tilespmem:s23], [sflag:$0x2] =	stream.indirect.gather [hbm4b:s4+s20], $0x40, s10, s20, $0xb8;
	[tilespmem:$0x18C40] =	vst v63  }
0x8b: {  	_ =	swait.ge [sflag:s0], $0x1F40  }
0x8c: {  	[sflag:s0] =	ssyncset.done $0x0  }
0x8d: {  	s10 =	sadd.s32 $0x2900, s26;
	[sflag:s0] =	ssyncadd.s32 $0xFFFFE0C0  }
0x8e: {  	[spmem:s2] =	stream.indirect.scatter.add.f32 [tilespmem:s25], [sflag:$0x6], $0x40, s10, s20, $0xb8;
	[tilespmem:$0x18C40] =	vst v63  }
0x8f: {  	_ =	swait.ge [sflag:s16], $0x1F40  }
0x90: {  	[sflag:s16] =	ssyncset.done $0x0  }
0x91: {  	s10 =	sadd.s32 $0x380, s26;
	[sflag:s16] =	ssyncadd.s32 $0xFFFFE0C0  }
0x92: {  	[tilespmem:s25], [sflag:$0x3] =	stream.indirect.gather [hbm4b:s4+s20], $0x40, s10, s20, $0xb8;
	[tilespmem:$0x18C40] =	vst v63  }
0x93: {  	_ =	swait.ge [sflag:s8], $0x1F40  }
0x94: {  	[sflag:s8] =	ssyncset.done $0x0  }
0x95: {  	s10 =	sadd.s32 $0x2980, s26;
	[sflag:s8] =	ssyncadd.s32 $0xFFFFE0C0  }
0x96: {  	[spmem:s2] =	stream.indirect.scatter.add.f32 [tilespmem:s28], [sflag:$0x6], $0x40, s10, s20, $0xb8;
	[tilespmem:$0x18C40] =	vst v63  }
0x97: {  	_ =	swait.ge [sflag:s16], $0x1F40  }
0x98: {  	[sflag:s16] =	ssyncset.done $0x0  }
0x99: {  	s10 =	sadd.s32 $0x400, s26;
	[sflag:s16] =	ssyncadd.s32 $0xFFFFE0C0  }
0x9a: {  	[tilespmem:s28], [sflag:$0x4] =	stream.indirect.gather [hbm4b:s4+s20], $0x40, s10, s20, $0xb8;
	[tilespmem:$0x18C40] =	vst v63  }
0x9b: {  	_ =	swait.ge [sflag:s9], $0x1F40  }
0x9c: {  	[sflag:s9] =	ssyncset.done $0x0  }
.Ltmp3:
0x9d: {  	s10 =	sadd.s32 $0x2A00, s26;
	[sflag:s9] =	ssyncadd.s32 $0xFFFFE0C0;
	(pc) =	sbr.rel @p1 .LBB2_7-.Ltmp3, $4  }
0x9e: {  	[spmem:s2] =	stream.indirect.scatter.add.f32 [tilespmem:s30], [sflag:$0x6], $0x40, s10, s20, $0xb8;
	[tilespmem:$0x18C40] =	vst v63  }
0x9f: {  	_ =	swait.ge [sflag:s16], $0x1F40  }
0xa0: {  	[sflag:s16] =	ssyncset.done $0x0  }
0xa1: {  	s26 =	sadd.s32 $0x480, s26;
	[sflag:s16] =	ssyncadd.s32 $0xFFFFE0C0  }
0xa2: {  	[tilespmem:s30], [sflag:$0x5] =	stream.indirect.gather [hbm4b:s4+s20], $0x40, s26, s20, $0xb8;
	[tilespmem:$0x18C40] =	vst v63  }
0xa3: {  	_ =	swait.ge [sflag:s31], $0x1F40  }
0xa4: {  	[sflag:s31] =	ssyncset.done $0x0  }
0xa5: {  	s10 =	simm.s32 $0x4D80;
	[sflag:s31] =	ssyncadd.s32 $0xFFFFE0C0  }
0xa6: {  	[spmem:s2] =	stream.indirect.scatter.add.f32 [tilespmem:s21], [sflag:$0x6], $0x40, s10, s20, $0xb8;
	[tilespmem:$0x18C40] =	vst v63  }
0xa7: {  	_ =	swait.ge [sflag:s16], $0x1F40  }
0xa8: {  	[sflag:s16] =	ssyncset.done $0x0  }
0xa9: {  	[sflag:s16] =	ssyncadd.s32 $0xFFFFE0C0  }
0xaa: {  	_ =	swait.ge [sflag:s1], $0x1F40  }
0xab: {  	[sflag:s1] =	ssyncset.done $0x0  }
0xac: {  	[sflag:s1] =	ssyncadd.s32 $0xFFFFE0C0  }
0xad: {  	[spmem:s2] =	stream.indirect.scatter.add.f32 [tilespmem:s23], [sflag:$0x6], $0x40, s11, s20, $0xb8;
	[tilespmem:$0x18C40] =	vst v63  }
0xae: {  	_ =	swait.ge [sflag:s16], $0x1F40  }
0xaf: {  	[sflag:s16] =	ssyncset.done $0x0  }
0xb0: {  	[sflag:s16] =	ssyncadd.s32 $0xFFFFE0C0  }
0xb1: {  	_ =	swait.ge [sflag:s0], $0x1F40  }
0xb2: {  	[sflag:s0] =	ssyncset.done $0x0  }
0xb3: {  	[sflag:s0] =	ssyncadd.s32 $0xFFFFE0C0  }
0xb4: {  	[spmem:s2] =	stream.indirect.scatter.add.f32 [tilespmem:s25], [sflag:$0x6], $0x40, s17, s20, $0xb8;
	[tilespmem:$0x18C40] =	vst v63  }
0xb5: {  	_ =	swait.ge [sflag:s16], $0x1F40  }
0xb6: {  	[sflag:s16] =	ssyncset.done $0x0  }
0xb7: {  	[sflag:s16] =	ssyncadd.s32 $0xFFFFE0C0  }
0xb8: {  	_ =	swait.ge [sflag:s8], $0x1F40  }
0xb9: {  	[sflag:s8] =	ssyncset.done $0x0  }
0xba: {  	[sflag:s8] =	ssyncadd.s32 $0xFFFFE0C0  }
0xbb: {  	[spmem:s2] =	stream.indirect.scatter.add.f32 [tilespmem:s28], [sflag:$0x6], $0x40, s12, s20, $0xb8;
	[tilespmem:$0x18C40] =	vst v63  }
0xbc: {  	_ =	swait.ge [sflag:s16], $0x1F40  }
0xbd: {  	[sflag:s16] =	ssyncset.done $0x0  }
0xbe: {  	[sflag:s16] =	ssyncadd.s32 $0xFFFFE0C0  }
0xbf: {  	_ =	swait.ge [sflag:s9], $0x1F40  }
0xc0: {  	[sflag:s9] =	ssyncset.done $0x0  }
0xc1: {  	[sflag:s9] =	ssyncadd.s32 $0xFFFFE0C0  }
0xc2: {  	[spmem:s2] =	stream.indirect.scatter.add.f32 [tilespmem:s30], [sflag:$0x6], $0x40, s13, s20, $0xb8;
	[tilespmem:$0x18C40] =	vst v63  }
0xc3: {  	_ =	swait.ge [sflag:s16], $0x1F40  }
0xc4: {  	s22 =	sadd.s32 $0x1, s22;
	[sflag:s16] =	ssyncset.done $0x0  }
0xc5: {  	p1 =	sne.s32 s22, s15;
	[sflag:s16] =	ssyncadd.s32 $0xFFFFE0C0  }
.Ltmp4:
0xc6: {  	[bflag:$0x0] =	sbarrier.arrive $0xFFFF;
	(pc) =	sbr.rel @p1 .LBB2_1-.Ltmp4, $4  }
0xc7: {  	[hbm:s14], [sflag:s18] =	dma.local [spmem:s19], $0x1400  }
0xc8: {  	_ =	swait.ge [sflag:s16], $0x1400  }
0xc9: {  	[sflag:s16] =	ssyncset.done $0x0  }
0xca: {  	[sflag:s16] =	ssyncadd.s32 $0xFFFFEC00  }
0xcb: {  	_ =	sfence.sel $0x180000  }
0xcc: {  	[bflag:$0x0] =	sbarrier.arrive $0xFFFF  }
0xcd: {  	_ =	strace $0x9000004A  }
0xce: {  	s0 =	stileid.u32;
	[bflag:$0x2] =	sbarrier.arrive $0xFFFF  }
0xcf: {  	p0 =	sne.s32 s0, $0x0;
	s0 =	rddreg [dreg:$0x3]  }
0xd0: {  	s0 =	sadd.s32 @!p0 $0x100000, s0  }
0xd1: {  	[sflag:s0] =	ssyncadd.tile.s32 @!p0 $0x1;
	_ =	shalt  }
.Lfunc_end2:
_tile_overlayer_lowered:
.L_overlay_start_2:
0xd2: {  	(tag) =	ssettag $0x2  }
0xd3: {  	s0 =	rddreg [dreg:$0x0];
	s2 =	stileid.u32  }
0xd4: {  	s1 =	rddreg [dreg:$0x1];
	p0 =	sne.s32 s2, $0x0  }
0xd5: {  	s3 =	rddreg [dreg:$0x2];
	[bflag:$0x3] =	sbarrier.arrive $0xFFFF;
	s2 =	simm.s32 @!p0 $0x1C06  }
0xd6: {  	[timem:s3], [sflag:s2] =	dma.local @!p0 [hbm:s0], s1  }
0xd7: {  	s0 =	simm.s32 @!p0 $0x6  }
0xd8: {  	_ =	swait.ge @!p0 [sflag:s0], s1  }
0xd9: {  	s1 =	ssub.s32 @!p0 $0x0, s1;
	[sflag:s0] =	ssyncset.done @!p0 $0x0  }
0xda: {  	[sflag:s0] =	ssyncadd.s32 @!p0 s1  }
0xdb: {  	[bflag:$0x3] =	sbarrier.arrive $0xFFFF  }
0xdc: {  	_ =	shalt  }

// kernel: kernel.7.cloned.1.call-start
scs
__scs_entry_jumppad:
0x0: {  	(pc) =	sbr.rel $0x88, $3  }
0x1: {  	(tag) =	ssettag $0x0;
	lr =	simm.s32 $0x1  }
0x2: {  	[smem:$0x3F9D] =	sst lr;
	_ =	strace $0xD0000000  }
0x3: {  	_ = 	snop  }
0x4: {  	_ = 	snop  }
0x5: {  	_ = 	snop  }
0x6: {  	_ = 	snop  }
0x7: {  	_ = 	snop  }
__scs_overlays_trampoline_lowered:
0x8: {  	[smem:$0x3FAC] =	sst s0  }
0x9: {  	[smem:$0x3FAD] =	sst s1  }
0xa: {  	[smem:$0x3FAE] =	sst s2  }
0xb: {  	[smem:$0x3FAF] =	sst s3  }
0xc: {  	[smem:$0x3FB0] =	sst s4  }
0xd: {  	[smem:$0x3FB1] =	sst s5  }
0xe: {  	[smem:$0x3FB2] =	sst s6  }
0xf: {  	[smem:$0x3FB3] =	sst s7  }
0x10: {  	[smem:$0x3FB4] =	sst s8  }
0x11: {  	[smem:$0x3FB5] =	sst s9;
	s0 =	simm.s32 @!p0 $0x0  }
0x12: {  	s1 =	sld [smem:$0x3F9B];
	s0 =	simm.s32 @p0 $0x1  }
0x13: {  	[smem:$0x3FB6] =	sst s0;
	s0 =	simm.s32 @!p1 $0x0  }
0x14: {  	s2 =	sld [smem:$0x3F9A];
	s0 =	simm.s32 @p1 $0x1  }
0x15: {  	[smem:$0x3FB7] =	sst s0;
	s0 =	simm.s32 @!p2 $0x0  }
0x16: {  	s3 =	sld [smem:$0x3FDB];
	s0 =	simm.s32 @p2 $0x1  }
0x17: {  	s4 =	simm.s32 $0x1BF5;
	[smem:$0x3FB9] =	sst s0  }
0x18: {  	s0 =	sld [smem:$0x3F9C];
	_ =	swait.ge [sflag:s4], $0x0  }
0x19: {  	s7 =	sld [smem:$0x3F9D]  }
0x1a: {  	s8 =	sadd.s32 $0xFFFFE003, lr  }
0x1b: {  	s9 =	sadd.s32 $0xFFFFFEF7, lr;
	s5 =	simm.s32 $0xFFFFFFFF;
	p2 =	slt.u32 s8, $0xFFFFF086  }
0x1c: {  	p1 =	slt.u32 s9, $0xF7A;
	s5 =	simm.s32 @!p2 $0x0  }
0x1d: {  	s5 =	simm.s32 @p1 $0x1;
	p0 =	seq.s32 s7, s2  }
0x1e: {  	s7 =	smul.u32 @!p0 $0xF7A, s2;
	p2 =	seq.s32 @!p0 s5, $0x0  }
0x1f: {  	s9 =	smul.u32 $0xF7A, s1;
	s8 =	simm.s32 @!p0 $0x1BF5;
	p2 =	por !p2, p0  }
0x20: {  	[sflag:s8] =	ssyncset.s32 @!p0 $0xFFFFF086;
	s6 =	sadd.s32 @!p0 s3, s7;
	s7 =	simm.s32 @!p0 $0x108  }
0x21: {  	s3 =	sadd.s32 s3, s9;
	s6 =	sadd.s32 @!p0 $0x88, s6;
	s7 =	simm.s32 @p2 $0x1082  }
0x22: {  	[simem:s7], [sflag:s8] =	dma.local @!p0 [hbm:s6], $0xF7A  }
0x23: {  	s9 =	sor.u32 $0xD0000000, s2;
	s6 =	simm.s32 $0x108;
	_ =	swait.ge @!p0 [sflag:s8], $0x0  }
0x24: {  	s3 =	sadd.s32 $0x88, s3;
	s6 =	simm.s32 @!p1 $0x1082;
	[sflag:s4] =	ssyncset.s32 $0xFFFFF086  }
0x25: {  	[simem:s6], [sflag:s4] =	dma.local [hbm:s3], $0xF7A  }
0x26: {  	[smem:$0x3F9D] =	sst s1;
	(tag) =	ssettag s2;
	_ =	strace s9  }
0x27: {  	s1 =	sld [smem:$0x3FAD]  }
0x28: {  	s2 =	sld [smem:$0x3FAE]  }
0x29: {  	s4 =	sld [smem:$0x3FB0]  }
0x2a: {  	p0 =	seq.s32 s5, $0x0;
	s5 =	sld [smem:$0x3FB1]  }
0x2b: {  	s6 =	sld [smem:$0x3FB2]  }
0x2c: {  	s7 =	sld [smem:$0x3FB3]  }
0x2d: {  	s3 =	simm.s32 $0x108;
	s8 =	sld [smem:$0x3FB4]  }
0x2e: {  	s3 =	simm.s32 @!p0 $0x1082;
	s9 =	sld [smem:$0x3FB5]  }
0x2f: {  	lr =	sadd.s32 s0, s3;
	s0 =	sld [smem:$0x3FAC]  }
0x30: {  	s3 =	sld [smem:$0x3FAF]  }
0x31: {  	[smem:$0x3FB8] =	sst s10  }
0x32: {  	s10 =	sld [smem:$0x3FB6];
	_ =	sdelay $0x3  }
0x33: {  	p0 =	seq.s32 s10, $0x1;
	s10 =	sld [smem:$0x3FB8];
	_ =	sdelay $0x3  }
0x34: {  	[smem:$0x3FB8] =	sst s10  }
0x35: {  	s10 =	sld [smem:$0x3FB7];
	_ =	sdelay $0x3  }
0x36: {  	p1 =	seq.s32 s10, $0x1;
	s10 =	sld [smem:$0x3FB8];
	_ =	sdelay $0x3  }
0x37: {  	[smem:$0x3FB8] =	sst s10  }
0x38: {  	s10 =	sld [smem:$0x3FB9]  }
0x39: {  	_ = 	snop;
	(pc) =	sbr.ind lr, $3  }
0x3a: {  	_ = 	snop  }
0x3b: {  	_ = 	snop  }
0x3c: {  	p2 =	seq.s32 s10, $0x1;
	s10 =	sld [smem:$0x3FB8]  }
0x3d: {  	_ =	shalt  }
0x3e: {  	_ =	shalt  }
0x3f: {  	_ =	shalt  }
0x40: {  	_ =	shalt  }
0x41: {  	_ =	shalt  }
0x42: {  	_ =	shalt  }
0x43: {  	_ =	shalt  }
0x44: {  	_ =	shalt  }
0x45: {  	_ =	shalt  }
0x46: {  	_ =	shalt  }
0x47: {  	_ =	shalt  }
0x48: {  	_ =	shalt  }
0x49: {  	_ =	shalt  }
0x4a: {  	_ =	shalt  }
0x4b: {  	_ =	shalt  }
0x4c: {  	_ =	shalt  }
0x4d: {  	_ =	shalt  }
0x4e: {  	_ =	shalt  }
0x4f: {  	_ =	shalt  }
0x50: {  	_ =	shalt  }
0x51: {  	_ =	shalt  }
0x52: {  	_ =	shalt  }
0x53: {  	_ =	shalt  }
0x54: {  	_ =	shalt  }
0x55: {  	_ =	shalt  }
0x56: {  	_ =	shalt  }
0x57: {  	_ =	shalt  }
0x58: {  	_ =	shalt  }
0x59: {  	_ =	shalt  }
0x5a: {  	_ =	shalt  }
0x5b: {  	_ =	shalt  }
0x5c: {  	_ =	shalt  }
0x5d: {  	_ =	shalt  }
0x5e: {  	_ =	shalt  }
0x5f: {  	_ =	shalt  }
0x60: {  	_ =	shalt  }
0x61: {  	_ =	shalt  }
0x62: {  	_ =	shalt  }
0x63: {  	_ =	shalt  }
0x64: {  	_ =	shalt  }
0x65: {  	_ =	shalt  }
0x66: {  	_ =	shalt  }
0x67: {  	_ =	shalt  }
0x68: {  	_ =	shalt  }
0x69: {  	_ =	shalt  }
0x6a: {  	_ =	shalt  }
0x6b: {  	_ =	shalt  }
0x6c: {  	_ =	shalt  }
0x6d: {  	_ =	shalt  }
0x6e: {  	_ =	shalt  }
0x6f: {  	_ =	shalt  }
0x70: {  	_ =	shalt  }
0x71: {  	_ =	shalt  }
0x72: {  	_ =	shalt  }
0x73: {  	_ =	shalt  }
0x74: {  	_ =	shalt  }
0x75: {  	_ =	shalt  }
0x76: {  	_ =	shalt  }
0x77: {  	_ =	shalt  }
0x78: {  	_ =	shalt  }
0x79: {  	_ =	shalt  }
0x7a: {  	_ =	shalt  }
0x7b: {  	_ =	shalt  }
0x7c: {  	_ =	shalt  }
0x7d: {  	_ =	shalt  }
0x7e: {  	_ =	shalt  }
0x7f: {  	_ =	shalt  }
0x80: {  	_ =	shalt  }
0x81: {  	_ =	shalt  }
0x82: {  	_ =	shalt  }
0x83: {  	_ =	shalt  }
0x84: {  	_ =	shalt  }
0x85: {  	_ =	shalt  }
0x86: {  	_ =	shalt  }
0x87: {  	_ =	shalt  }
.Lfunc_end0:
.L_simem_size_0:
called_computation_lowered:
.L_overlay_start_0:
0x88: {  	s2 =	sld [smem:$0x3FD9]  }
0x89: {  	s3 =	sld [smem:$0x3FFE];
	_ =	sdelay $0x1  }
0x8a: {  	s1 =	srdreg.scid  }
0x8b: {  	s0 =	sand.u32 $0x1, s1  }
0x8c: {  	s17 =	sshll.u32 s0, $0xA;
	s2 =	sadd.s32 s3, s2  }
0x8d: {  	s2 =	sadd.s32 s2, s17  }
0x8e: {  	[smem:$0x3FC4] =	sst s2  }
0x8f: {  	_ = 	snop  }
0x90: {  	s2 =	sld [smem:$0x3FD0];
	(tm) =	ssettm $0x1  }
0x91: {  	s18 =	sld [smem:$0x3FFB];
	_ =	sdelay $0x3  }
0x92: {  	_ =	strace s18  }
0x93: {  	s3 =	sld [smem:$0x3FFC];
	_ =	sdelay $0x3  }
0x94: {  	_ =	strace s3  }
0x95: {  	s3 =	sld [smem:$0x3FFD];
	_ =	sdelay $0x3  }
0x96: {  	_ =	strace s3  }
0x97: {  	_ =	strace $0x8FFFFFFF  }
0x98: {  	s19 =	sld [smem:$0x3FDB];
	_ =	sdelay $0x1  }
0x99: {  	s4 =	simm.s32 $_scs_section_size  }
0x9a: {  	s5 =	simm.s32 $_size__tile_overlayer_lowered;
	s6 =	simm.s32 $_tile_overlayer_lowered  }
0x9b: {  	s22 =	simm.s32 $0x1BFF;
	s21 =	sshll.u32 s6, $0x1;
	s3 =	sadd.s32 s4, s19  }
0x9c: {  	s7 =	simm.s32 $0x0;
	s20 =	sshll.u32 s5, $0x1;
	s5 =	sadd.s32 s21, s3  }
0x9d: {  	[timem:s7], [sflag:s22] =	dma.local [hbm:s5], s20  }
0x9e: {  	_ =	swait.ge [sflag:s22], s20  }
0x9f: {  	s4 =	ssub.s32 $0x0, s20;
	[sflag:s22] =	ssyncset.done $0x0  }
0xa0: {  	[sflag:s22] =	ssyncadd.s32 s4;
	_ =	sdelay $0x1  }
0xa1: {  	s23 =	simm.s32 $0x1B8B  }
0xa2: {  	_ =	swait.ge [sflag:s23], $0x1  }
0xa3: {  	[sflag:s23] =	ssyncset.done $0x0  }
0xa4: {  	s25 =	simm.s32 $0x1B8E;
	s24 =	sld [smem:$0x3FFE];
	[sflag:s23] =	ssyncadd.s32 $0xFFFFFFFF  }
0xa5: {  	s26 =	simm.s32 $execute0_lowered;
	[smem:$0x3FD2] =	sst s25  }
0xa6: {  	s5 =	sshll.u32 s26, $0x1;
	_ =	strace $0x80000046;
	[dreg:$0x1] =	wrdreg $0xFFFFFFFF  }
0xa7: {  	s28 =	simm.s32 $_size_execute0_lowered;
	s3 =	sadd.s32 s3, s5;
	[dreg:$0x0] =	wrdreg $0x0  }
0xa8: {  	s5 =	sshll.u32 s28, $0x1;
	[dreg:$0x2] =	wrdreg s3  }
0xa9: {  	[dreg:$0x3] =	wrdreg s5  }
0xaa: {  	[dreg:$0x4] =	wrdreg $0xC0  }
0xab: {  	_ =	task [dreg:s7], $0x5FFFF  }
0xac: {  	[dreg:$0x1] =	wrdreg $0xFFFFFFFF  }
0xad: {  	[dreg:$0x0] =	wrdreg $0x60  }
0xae: {  	[dreg:$0x2] =	wrdreg s2  }
0xaf: {  	[dreg:$0x3] =	wrdreg s24  }
0xb0: {  	[dreg:$0x4] =	wrdreg $0x2B000  }
0xb1: {  	[dreg:$0x5] =	wrdreg $0x9  }
0xb2: {  	_ =	task.clear_ibuf [dreg:s7], $0x6FFFF;
	_ =	strace $0x90000046  }
0xb3: {  	s29 =	simm.s32 $0x9;
	_ =	strace $0x80000048  }
0xb4: {  	_ =	swait.ge [sflag:s29], $0x1  }
0xb5: {  	[sflag:s29] =	ssyncadd.s32 $0xFFFFFFFF  }
0xb6: {  	_ =	strace $0x90000048  }
0xb7: {  	_ =	sfence  }
0xb8: {  	s30 =	sld [smem:$0x0];
	_ =	sdelay $0x2  }
0xb9: {  	s31 =	sshll.u32 s1, $0xD;
	s1 =	sshrl.u32 s1, $0x2  }
0xba: {  	s3 =	sand.u32 $0x4000, s31;
	s1 =	sadd.s32 s1, s30  }
0xbb: {  	s0 =	sor.u32 s3, s0;
	s1 =	sshll.u32 s1, $0x11  }
0xbc: {  	s0 =	sor.u32 s1, s0  }
0xbd: {  	s0 =	sadd.s32 $0x8F2B, s0  }
0xbe: {  	[sflag:s0] =	ssyncadd.remote.s32 $0x1  }
0xbf: {  	_ =	sfence.sel $0xFFFF  }
0xc0: {  	[dreg:$0x0] =	wrdreg $0xFFFFFFFF;
	(pc) =	sbr.abs _section_cstart, $3  }
0xc1: {  	[dreg:$0x1] =	wrdreg $0xFFFFFFFF  }
0xc2: {  	_ =	task.clear_ibuf [dreg:s7], $0x2FFFF;
	_ =	strace $0x9FFFFFFF  }
0xc3: {  	(tm) =	ssettm $0x7FFFFFFF  }
tec
execute0_lowered:
.L_overlay_start_1:
0x0: {  	(tag) =	ssettag $0x1  }
0x1: {  	s4 =	rddreg [dreg:$0x0]  }
0x2: {  	s5 =	rddreg [dreg:$0x1]  }
0x3: {  	s2 =	rddreg [dreg:$0x2]  }
0x4: {  	s0 =	rddreg [dreg:$0x3];
	s3 =	srdreg.scid  }
0x5: {  	s1 =	stileid.u32;
	s11 =	simm.s32 $0x2800;
	s14 =	simm.s32 $0x0  }
0x6: {  	s6 =	sand.u32 $0x1, s3;
	s7 =	smul.u32 $0x280, s1;
	s8 =	sshll.u32 s1, $0x1  }
0x7: {  	s3 =	simm.s32 $0x0;
	s12 =	sshll.u32 s1, $0x6;
	s9 =	smul.u32 $0x2800, s6  }
0x8: {  	s8 =	sor.u32 s6, s8;
	[smem:$0x7FF] =	sst s3;
	s6 =	ssub.s32 $0x2, s6  }
0x9: {  	s12 =	sor.u32 $0x1C01, s12;
	s8 =	smul.u32 $0x2800, s8;
	s9 =	sadd.s32 s7, s9  }
0xa: {  	_ =	strace $0x80000047;
	s10 =	sshrl.u32 s6, $0x1;
	s9 =	sshrl.u32 s9, $0x3  }
0xb: {  	s10 =	ssub.s32 s6, s10;
	s8 =	sshrl.u32 s8, $0x3;
	s9 =	sadd.s32 s9, s5  }
0xc: {  	s31 =	sadd.s32 s4, s8;
	s4 =	sadd.s32 s7, s2;
	s7 =	smax.u32 s10, $0x1  }
0xd: {  	s8 =	simm.s32 $0x2880;
	s10 =	simm.s32 $0x7D;
	s5 =	sadd.s32 $0xA000, s31  }
0xe: {  	v0 =	vimm.f32 $1.000000000e+00;
	v1 =	vimm.f32 $0.0e+00;
	s6 =	sadd.s32 $0x1A00, s9;
	s9 =	simm.s32 $0x1;
	s13 =	sshrl.u32 s4, $0x3  }
.LBB2_1:
0xf: {  	[tilespmem:$0x2800] =	vst v0  }
0x10: {  	[tilespmem:$0x2810] =	vst v0  }
0x11: {  	[tilespmem:$0x2820] =	vst v0  }
0x12: {  	[tilespmem:$0x2830] =	vst v0  }
0x13: {  	[tilespmem:$0x2840] =	vst v0  }
0x14: {  	[tilespmem:$0x2850] =	vst v0  }
0x15: {  	[tilespmem:$0x2860] =	vst v0  }
0x16: {  	[tilespmem:$0x2870] =	vst v0  }
0x17: {  	[tilespmem:$0x2880] =	vst v1  }
0x18: {  	[tilespmem:$0x2890] =	vst v1  }
0x19: {  	[tilespmem:$0x28A0] =	vst v1  }
0x1a: {  	[tilespmem:$0x28B0] =	vst v1  }
0x1b: {  	[tilespmem:$0x28C0] =	vst v1  }
0x1c: {  	[tilespmem:$0x28D0] =	vst v1  }
0x1d: {  	[tilespmem:$0x28E0] =	vst v1  }
0x1e: {  	[tilespmem:$0x28F0] =	vst v1  }
0x1f: {  	[tilespmem:$0x2900] =	vst v1  }
0x20: {  	[tilespmem:$0x2910] =	vst v1  }
0x21: {  	[tilespmem:$0x2920] =	vst v1  }
0x22: {  	[tilespmem:$0x2930] =	vst v1  }
0x23: {  	[tilespmem:$0x2940] =	vst v1  }
0x24: {  	[tilespmem:$0x2950] =	vst v1  }
0x25: {  	[tilespmem:$0x2960] =	vst v1  }
0x26: {  	[tilespmem:$0x2970] =	vst v1  }
0x27: {  	[tilespmem:$0x2980] =	vst v1  }
0x28: {  	[tilespmem:$0x2990] =	vst v1  }
0x29: {  	[tilespmem:$0x29A0] =	vst v1  }
0x2a: {  	[tilespmem:$0x29B0] =	vst v1  }
0x2b: {  	[tilespmem:$0x29C0] =	vst v1  }
0x2c: {  	[tilespmem:$0x29D0] =	vst v1  }
0x2d: {  	[tilespmem:$0x29E0] =	vst v1  }
0x2e: {  	[tilespmem:$0x29F0] =	vst v1  }
0x2f: {  	[tilespmem:$0x2A00] =	vst v1  }
0x30: {  	[tilespmem:$0x2A10] =	vst v1  }
0x31: {  	[tilespmem:$0x2A20] =	vst v1  }
0x32: {  	[tilespmem:$0x2A30] =	vst v1  }
0x33: {  	[tilespmem:$0x2A40] =	vst v1  }
0x34: {  	[tilespmem:$0x2A50] =	vst v1  }
0x35: {  	[tilespmem:$0x2A60] =	vst v1  }
0x36: {  	[tilespmem:$0x2A70] =	vst v1  }
0x37: {  	[tilespmem:$0x2A80] =	vst v1  }
0x38: {  	[tilespmem:$0x2A90] =	vst v1  }
0x39: {  	[tilespmem:$0x2AA0] =	vst v1  }
0x3a: {  	[tilespmem:$0x2AB0] =	vst v1  }
0x3b: {  	[tilespmem:$0x2AC0] =	vst v1  }
0x3c: {  	[tilespmem:$0x2AD0] =	vst v1  }
0x3d: {  	[tilespmem:$0x2AE0] =	vst v1  }
0x3e: {  	[tilespmem:$0x2AF0] =	vst v1  }
0x3f: {  	[spmem:s4] =	stream.linear.scatter [tilespmem:s8], [sflag:$0x1], $0x280, $0x38;
	[tilespmem:$0x2D80] =	vst v63  }
0x40: {  	_ =	swait.ge [sflag:s9], $0x280  }
0x41: {  	[sflag:s9] =	ssyncset.done $0x0  }
0x42: {  	[sflag:s9] =	ssyncadd.s32 $0xFFFFFD80  }
0x43: {  	[tilespmem:s3], [sflag:$0x1] =	stream.linear.gather [hbm4b:s5+s3], $0x2800, $0x38;
	[tilespmem:$0x2D80] =	vst v63  }
0x44: {  	_ =	swait.ge [sflag:s9], $0x2800  }
0x45: {  	[sflag:s9] =	ssyncset.done $0x0  }
0x46: {  	[sflag:s9] =	ssyncadd.s32 $0xFFFFD800  }
0x47: {  	s15 =	simm.s32 $0x0;
	[bflag:$0x0] =	sbarrier.arrive $0xFFFF  }
0x48: {  	[spmem:s2] =	stream.indirect.scatter.add.f32 [tilespmem:s11], [sflag:$0x1], $0x1, s15, s10, $0xb8;
	[tilespmem:$0x2D80] =	vst v63  }
0x49: {  	_ =	swait.ge [sflag:s9], $0x7D  }
0x4a: {  	s15 =	simm.s32 $0x200;
	[sflag:s9] =	ssyncset.done $0x0  }
.LBB2_2:
0x4b: {  	s16 =	sshra.s32 s15, $0x2;
	[sflag:s9] =	ssyncadd.s32 $0xFFFFFF83;
	p0 =	sne.s32 s15, $0x9E00  }
0x4c: {  	[spmem:s2] =	stream.indirect.scatter.add.f32 [tilespmem:s11], [sflag:$0x1], $0x1, s16, s10, $0xb8;
	[tilespmem:$0x2D80] =	vst v63  }
.Ltmp0:
0x4d: {  	_ = 	snop;
	(pc) =	sbr.rel @p0 .LBB2_2-.Ltmp0, $4  }
0x4e: {  	_ = 	snop  }
0x4f: {  	s15 =	sadd.s32 $0x200, s15  }
0x50: {  	_ =	swait.ge [sflag:s9], $0x7D  }
0x51: {  	[sflag:s9] =	ssyncset.done $0x0  }
0x52: {  	s14 =	sadd.s32 $0x1, s14  }
0x53: {  	[sflag:s9] =	ssyncadd.s32 $0xFFFFFF83;
	p0 =	sne.s32 s14, s7  }
.Ltmp1:
0x54: {  	[bflag:$0x0] =	sbarrier.arrive $0xFFFF;
	(pc) =	sbr.rel @p0 .LBB2_1-.Ltmp1, $4  }
0x55: {  	[hbm:s6], [sflag:s12] =	dma.local [spmem:s13], $0x50  }
0x56: {  	_ =	swait.ge [sflag:s9], $0x50  }
0x57: {  	[sflag:s9] =	ssyncset.done $0x0  }
0x58: {  	[sflag:s9] =	ssyncadd.s32 $0xFFFFFFB0  }
0x59: {  	_ =	sfence.sel $0x180000  }
0x5a: {  	[bflag:$0x0] =	sbarrier.arrive $0xFFFF  }
0x5b: {  	p0 =	sne.s32 s1, $0x0;
	_ =	strace $0x90000047  }
0x5c: {  	s0 =	sadd.s32 @!p0 $0x100000, s0;
	[bflag:$0x2] =	sbarrier.arrive $0xFFFF  }
0x5d: {  	[sflag:s0] =	ssyncadd.tile.s32 @!p0 $0x1;
	_ =	shalt  }
.Lfunc_end2:
_tile_overlayer_lowered:
.L_overlay_start_2:
0x5e: {  	(tag) =	ssettag $0x2  }
0x5f: {  	s0 =	rddreg [dreg:$0x0];
	s2 =	stileid.u32  }
0x60: {  	s1 =	rddreg [dreg:$0x1];
	p0 =	sne.s32 s2, $0x0  }
0x61: {  	s3 =	rddreg [dreg:$0x2];
	[bflag:$0x3] =	sbarrier.arrive $0xFFFF;
	s2 =	simm.s32 @!p0 $0x1C01  }
0x62: {  	[timem:s3], [sflag:s2] =	dma.local @!p0 [hbm:s0], s1  }
0x63: {  	s0 =	simm.s32 @!p0 $0x1  }
0x64: {  	_ =	swait.ge @!p0 [sflag:s0], s1  }
0x65: {  	s1 =	ssub.s32 @!p0 $0x0, s1;
	[sflag:s0] =	ssyncset.done @!p0 $0x0  }
0x66: {  	[sflag:s0] =	ssyncadd.s32 @!p0 s1  }
0x67: {  	[bflag:$0x3] =	sbarrier.arrive $0xFFFF  }
0x68: {  	_ =	shalt  }

</sc_bundles>
